<compile_context>
chip_gen: v7x
topology: tpu7x:2x2x1
jax: 0.10.2.dev20260603
libtpu: 0.0.44.dev20260713+nightly
codegen_flags: <defaults>
</compile_context>

<pallas_src>
import functools
import math

import jax
import jax.numpy as jnp
from jax import lax
from jax.experimental import pallas as pl
from jax.experimental.pallas import tpu as pltpu
from jax.experimental.pallas import tpu_sc as plsc

_CFGS = [[1, 16, 1, 1], [6, 24, 2, 2], [6, 32, 3, 2], [6, 64, 4, 2],
         [6, 96, 3, 1], [6, 160, 3, 2], [6, 320, 1, 1]]
_NUM_CLASSES = 21
_TOPK = 200
_IOU_THR = 0.5

_B = 8
_NPAD = 2816
_PER_W = 704
_CHUNKS = 44
_OUTPAD = 208
_WPI = 4
_BIG = 2 ** 30


def _make_specs():
    specs = [('conv', 3, 32, 3, 2, 1, 1)]
    in_ch = 32
    for t, c, n, s in _CFGS:
        for i in range(n):
            stride = s if i == 0 else 1
            specs.append(('ir', in_ch, c, stride, t))
            in_ch = c
    specs.append(('conv', in_ch, 1280, 1, 1, 0, 1))
    return specs


def _conv2d(x, w, stride, padding, groups=1):
    return jax.lax.conv_general_dilated(
        x, w, (stride, stride), [(padding, padding), (padding, padding)],
        dimension_numbers=('NCHW', 'OIHW', 'NCHW'), feature_group_count=groups)


def _bn(x, g, b, eps=1e-5):
    mean = jnp.mean(x, axis=(0, 2, 3), keepdims=True)
    var = jnp.var(x, axis=(0, 2, 3), keepdims=True)
    xn = (x - mean) / jnp.sqrt(var + eps)
    return xn * g[None, :, None, None] + b[None, :, None, None]


def _relu6(x):
    return jnp.clip(x, 0.0, 6.0)


def _ssd_forward(x, params):
    specs = _make_specs()
    feats = []
    for li, spec in enumerate(specs):
        if spec[0] == 'conv':
            _, ci, co, ks, st, pd, gr = spec
            x = _relu6(_bn(_conv2d(x, params[f'l{li}_w'], st, pd, gr),
                           params[f'l{li}_g'], params[f'l{li}_b']))
        else:
            _, ci, co, st, t = spec
            hid = ci * t
            h = x
            if t != 1:
                h = _relu6(_bn(_conv2d(h, params[f'l{li}_pw1_w'], 1, 0),
                               params[f'l{li}_pw1_g'], params[f'l{li}_pw1_b']))
            h = _relu6(_bn(_conv2d(h, params[f'l{li}_dw_w'], st, 1, groups=hid),
                           params[f'l{li}_dw_g'], params[f'l{li}_dw_b']))
            h = _bn(_conv2d(h, params[f'l{li}_pw2_w'], 1, 0),
                    params[f'l{li}_pw2_g'], params[f'l{li}_pw2_b'])
            if st == 1 and ci == co:
                h = x + h
            x = h
        if li == 13 or li == 17:
            feats.append(x)
    loc_list, cls_list = [], []
    for i, f in enumerate(feats):
        lp = _conv2d(f, params[f'loc{i}_w'], 1, 1) + params[f'loc{i}_b2'][None, :, None, None]
        cp = _conv2d(f, params[f'cls{i}_w'], 1, 1) + params[f'cls{i}_b2'][None, :, None, None]
        loc_list.append(jnp.transpose(lp, (0, 2, 3, 1)).reshape(lp.shape[0], -1))
        cls_list.append(jnp.transpose(cp, (0, 2, 3, 1)).reshape(cp.shape[0], -1))
    B = x.shape[0]
    loc = jnp.concatenate(loc_list, axis=1).reshape(B, -1, 4)
    cls = jnp.concatenate(cls_list, axis=1).reshape(B, -1, _NUM_CLASSES)
    return loc, cls


def _score_kernel(cls_ref, scores_ref, labels_ref):
    C = cls_ref.shape[0]
    scores = cls_ref[0]
    labels = jnp.zeros(scores.shape, jnp.int32)
    for k in range(1, C):
        cur = cls_ref[k]
        better = cur > scores
        scores = jnp.where(better, cur, scores)
        labels = jnp.where(better, k, labels)
    scores_ref[...] = scores
    labels_ref[...] = labels


def _nms_sc(boxes_hbm, scores_hbm, labels_hbm,
            ox1_hbm, oy1_hbm, ox2_hbm, oy2_hbm, olab_hbm, osc_hbm,
            x1v, y1v, x2v, y2v, labv, sv, areav,
            pairv, mrgv,
            o1v, o2v, o3v, o4v, olv, osv,
            stage):
    neg_inf = jnp.float32(-jnp.inf)
    c = lax.axis_index("c")
    s = lax.axis_index("s")
    b = c * (_B // 2) + s // _WPI
    w = s % _WPI
    base = w * _PER_W
    lanes = lax.iota(jnp.int32, 16)
    lane0 = lanes == 0
    s0 = (s // _WPI) * _WPI

    boff = pl.multiple_of(b * _NPAD, 8)
    pltpu.sync_copy(boxes_hbm.at[pl.ds(pl.multiple_of((0 * _B + b) * _NPAD, 8), _NPAD)], x1v)
    pltpu.sync_copy(boxes_hbm.at[pl.ds(pl.multiple_of((1 * _B + b) * _NPAD, 8), _NPAD)], y1v)
    pltpu.sync_copy(boxes_hbm.at[pl.ds(pl.multiple_of((2 * _B + b) * _NPAD, 8), _NPAD)], x2v)
    pltpu.sync_copy(boxes_hbm.at[pl.ds(pl.multiple_of((3 * _B + b) * _NPAD, 8), _NPAD)], y2v)
    pltpu.sync_copy(labels_hbm.at[pl.ds(boff, _NPAD)], labv)
    pltpu.sync_copy(scores_hbm.at[pl.ds(pl.multiple_of(b * _NPAD + base, 8), _PER_W)], sv)

    def mkarea(cix, _):
        off = base + cix * 16
        ar = ((x2v[pl.ds(off, 16)] - x1v[pl.ds(off, 16)])
              * (y2v[pl.ds(off, 16)] - y1v[pl.ds(off, 16)]))
        areav[pl.ds(cix * 16, 16)] = ar
        return 0
    lax.fori_loop(0, _CHUNKS, mkarea, 0, unroll=4)

    def amax(cix, car):
        bm, bi = car
        v = sv[pl.ds(cix * 16, 16)]
        idx = base + cix * 16 + lanes
        upd = v > bm
        return (jnp.where(upd, v, bm), jnp.where(upd, idx, bi))
    bm0, bi0 = lax.fori_loop(
        0, _CHUNKS, amax,
        (jnp.full((16,), neg_inf, jnp.float32),
         jnp.full((16,), _BIG, jnp.int32)), unroll=4)

    def round_body(t, carry):
        bm, bi = carry
        for sh in (8, 4, 2, 1):
            part = lanes ^ sh
            m2 = bm.at[part].get(mode='promise_in_bounds', unique_indices=True)
            g2 = bi.at[part].get(mode='promise_in_bounds', unique_indices=True)
            take = (m2 > bm) | ((m2 == bm) & (g2 < bi))
            bm = jnp.where(take, m2, bm)
            bi = jnp.where(take, g2, bi)

        p = t % 2
        pairv[pl.ds(0, 16)] = bm
        pairv[pl.ds(16, 16)] = plsc.bitcast(bi, jnp.float32)
        woff = pl.multiple_of(p * 512 + s * 32, 8)
        roff = pl.multiple_of(p * 512 + s0 * 32, 8)
        pltpu.sync_copy(pairv, stage.at[pl.ds(woff, 32)])
        plsc.subcore_barrier()
        pltpu.sync_copy(stage.at[pl.ds(roff, 4 * 32)], mrgv)

        bmv = mrgv[pl.ds(0, 16)]
        bgv = plsc.bitcast(mrgv[pl.ds(16, 16)], jnp.int32)
        for k in range(1, _WPI):
            mk = mrgv[pl.ds(k * 32, 16)]
            gk = plsc.bitcast(mrgv[pl.ds(k * 32 + 16, 16)], jnp.int32)
            take = (mk > bmv) | ((mk == bmv) & (gk < bgv))
            bmv = jnp.where(take, mk, bmv)
            bgv = jnp.where(take, gk, bgv)
        anyv = bmv != neg_inf
        giv = jnp.where(anyv, bgv, 0)

        cx1 = plsc.load_gather(x1v, [giv])
        cy1 = plsc.load_gather(y1v, [giv])
        cx2 = plsc.load_gather(x2v, [giv])
        cy2 = plsc.load_gather(y2v, [giv])
        car = (cx2 - cx1) * (cy2 - cy1)

        liv = jnp.clip(giv - base, 0, _PER_W - 1)
        own = anyv & (giv >= base) & (giv < base + _PER_W)
        plsc.store_scatter(sv, [liv], jnp.full((16,), neg_inf, jnp.float32),
                           mask=lane0 & own)

        def sup(cix, car2):
            nbm, nbi = car2
            off = base + cix * 16
            vx1 = x1v[pl.ds(off, 16)]
            vy1 = y1v[pl.ds(off, 16)]
            vx2 = x2v[pl.ds(off, 16)]
            vy2 = y2v[pl.ds(off, 16)]
            ss = sv[pl.ds(cix * 16, 16)]
            xx1 = jnp.maximum(cx1, vx1)
            yy1 = jnp.maximum(cy1, vy1)
            xx2 = jnp.minimum(cx2, vx2)
            yy2 = jnp.minimum(cy2, vy2)
            wd = jnp.maximum(xx2 - xx1, 0.0)
            ht = jnp.maximum(yy2 - yy1, 0.0)
            inter = wd * ht
            union = car + areav[pl.ds(cix * 16, 16)] - inter
            iou = inter / union
            keep = iou <= _IOU_THR
            ns = jnp.where(keep, ss, neg_inf)
            sv[pl.ds(cix * 16, 16)] = ns
            upd = ns > nbm
            idx = off + lanes
            return (jnp.where(upd, ns, nbm), jnp.where(upd, idx, nbi))
        nbm, nbi = lax.fori_loop(
            0, _CHUNKS, sup,
            (jnp.full((16,), neg_inf, jnp.float32),
             jnp.full((16,), _BIG, jnp.int32)), unroll=22)

        @pl.when(w == 0)
        def _():
            mm = jnp.where(anyv, jnp.float32(1.0), jnp.float32(0.0))
            mi = jnp.where(anyv, 1, 0)
            clab = plsc.load_gather(labv, [giv])
            tv = jnp.full((16,), t, jnp.int32)
            plsc.store_scatter(o1v, [tv], cx1 * mm, mask=lane0)
            plsc.store_scatter(o2v, [tv], cy1 * mm, mask=lane0)
            plsc.store_scatter(o3v, [tv], cx2 * mm, mask=lane0)
            plsc.store_scatter(o4v, [tv], cy2 * mm, mask=lane0)
            plsc.store_scatter(olv, [tv], clab * mi, mask=lane0)
            plsc.store_scatter(osv, [tv], jnp.where(anyv, bmv, jnp.float32(0.0)),
                               mask=lane0)
        return (nbm, nbi)

    lax.fori_loop(0, _TOPK, round_body, (bm0, bi0))

    @pl.when(w == 0)
    def _():
        ooff = pl.multiple_of(b * _OUTPAD, 8)
        pltpu.sync_copy(o1v, ox1_hbm.at[pl.ds(ooff, _OUTPAD)])
        pltpu.sync_copy(o2v, oy1_hbm.at[pl.ds(ooff, _OUTPAD)])
        pltpu.sync_copy(o3v, ox2_hbm.at[pl.ds(ooff, _OUTPAD)])
        pltpu.sync_copy(o4v, oy2_hbm.at[pl.ds(ooff, _OUTPAD)])
        pltpu.sync_copy(olv, olab_hbm.at[pl.ds(ooff, _OUTPAD)])
        pltpu.sync_copy(osv, osc_hbm.at[pl.ds(ooff, _OUTPAD)])


def _run_nms_sc(boxes_t, scores, labels):
    mesh = plsc.VectorSubcoreMesh(core_axis_name="c", subcore_axis_name="s")
    f32 = jnp.float32
    i32 = jnp.int32
    kern = pl.kernel(
        _nms_sc,
        mesh=mesh,
        compiler_params=pltpu.CompilerParams(needs_layout_passes=False),
        out_type=(
            jax.ShapeDtypeStruct((_B * _OUTPAD,), f32),
            jax.ShapeDtypeStruct((_B * _OUTPAD,), f32),
            jax.ShapeDtypeStruct((_B * _OUTPAD,), f32),
            jax.ShapeDtypeStruct((_B * _OUTPAD,), f32),
            jax.ShapeDtypeStruct((_B * _OUTPAD,), i32),
            jax.ShapeDtypeStruct((_B * _OUTPAD,), f32),
        ),
        scratch_types=[
            pltpu.VMEM((_NPAD,), f32),
            pltpu.VMEM((_NPAD,), f32),
            pltpu.VMEM((_NPAD,), f32),
            pltpu.VMEM((_NPAD,), f32),
            pltpu.VMEM((_NPAD,), i32),
            pltpu.VMEM((_PER_W,), f32),
            pltpu.VMEM((_PER_W,), f32),
            pltpu.VMEM((32,), f32),
            pltpu.VMEM((128,), f32),
            pltpu.VMEM((_OUTPAD,), f32),
            pltpu.VMEM((_OUTPAD,), f32),
            pltpu.VMEM((_OUTPAD,), f32),
            pltpu.VMEM((_OUTPAD,), f32),
            pltpu.VMEM((_OUTPAD,), i32),
            pltpu.VMEM((_OUTPAD,), f32),
            pltpu.VMEM_SHARED((1024,), f32),
        ],
    )
    return kern(boxes_t.reshape(-1), scores.reshape(-1), labels.reshape(-1))


def kernel(x, params):
    loc, cls = _ssd_forward(x, params)
    B, N, _ = loc.shape

    boxes_t = jnp.transpose(loc, (2, 0, 1))
    boxes_t = jnp.pad(boxes_t, ((0, 0), (0, 0), (0, _NPAD - N)))
    cls_t = jnp.transpose(cls, (2, 0, 1))
    cls_t = jnp.pad(cls_t, ((0, 0), (0, 0), (0, _NPAD - N)),
                    constant_values=-jnp.inf)

    scores, labels = pl.pallas_call(
        _score_kernel,
        out_shape=(
            jax.ShapeDtypeStruct((B, _NPAD), jnp.float32),
            jax.ShapeDtypeStruct((B, _NPAD), jnp.int32),
        ),
    )(cls_t)

    outs = _run_nms_sc(boxes_t, scores, labels)
    ox1, oy1, ox2, oy2, olab, osc = (o.reshape(_B, _OUTPAD) for o in outs)

    boxes_out = jnp.stack(
        [ox1[:, :_TOPK], oy1[:, :_TOPK], ox2[:, :_TOPK], oy2[:, :_TOPK]],
        axis=-1)
    return boxes_out, olab[:, :_TOPK], osc[:, :_TOPK]

# --- scband reference (transcript-rebuilt; emitter-appended) ---
"""Pipeline reference for scband-ssdmodel-with-anchors-and-nms-41910290874782 (READ-ONLY COPY).

The authoritative reference and input builder live on the scoring server;
editing this copy changes nothing except your own understanding.
"""

import jax, jax.numpy as jnp
import numpy as np
import math

CFGS = [[1,16,1,1],[6,24,2,2],[6,32,3,2],[6,64,4,2],[6,96,3,1],[6,160,3,2],[6,320,1,1]]
NUM_CLASSES = 21
TOPK = 200

def make_specs():
    specs = [('conv', 3, 32, 3, 2, 1, 1)]
    in_ch = 32
    for t, c, n, s in CFGS:
        for i in range(n):
            stride = s if i == 0 else 1
            specs.append(('ir', in_ch, c, stride, t))
            in_ch = c
    specs.append(('conv', in_ch, 1280, 1, 1, 0, 1))
    return specs

def init_params(key):
    specs = make_specs()
    params = {}
    k = [key]
    def nk():
        k[0], sub = jax.random.split(k[0])
        return sub
    def conv_w(o, i, kh, kw):
        return jax.random.normal(nk(), (o, i, kh, kw), jnp.float32) * (1.0 / math.sqrt(i * kh * kw))
    for li, spec in enumerate(specs):
        if spec[0] == 'conv':
            _, ci, co, ks, st, pd, gr = spec
            params[f'l{li}_w'] = conv_w(co, ci // gr, ks, ks)
            params[f'l{li}_g'] = jnp.ones((co,), jnp.float32)
            params[f'l{li}_b'] = jnp.zeros((co,), jnp.float32)
        else:
            _, ci, co, st, t = spec
            hid = ci * t
            if t != 1:
                params[f'l{li}_pw1_w'] = conv_w(hid, ci, 1, 1)
                params[f'l{li}_pw1_g'] = jnp.ones((hid,), jnp.float32)
                params[f'l{li}_pw1_b'] = jnp.zeros((hid,), jnp.float32)
            params[f'l{li}_dw_w'] = conv_w(hid, 1, 3, 3)
            params[f'l{li}_dw_g'] = jnp.ones((hid,), jnp.float32)
            params[f'l{li}_dw_b'] = jnp.zeros((hid,), jnp.float32)
            params[f'l{li}_pw2_w'] = conv_w(co, hid, 1, 1)
            params[f'l{li}_pw2_g'] = jnp.ones((co,), jnp.float32)
            params[f'l{li}_pw2_b'] = jnp.zeros((co,), jnp.float32)
    for name, ci in [('loc0', 96), ('loc1', 320)]:
        params[f'{name}_w'] = conv_w(6 * 4, ci, 3, 3)
        params[f'{name}_b2'] = jnp.zeros((6 * 4,), jnp.float32)
    for name, ci in [('cls0', 96), ('cls1', 320)]:
        params[f'{name}_w'] = conv_w(6 * NUM_CLASSES, ci, 3, 3)
        params[f'{name}_b2'] = jnp.zeros((6 * NUM_CLASSES,), jnp.float32)
    return params

def conv2d(x, w, stride, padding, groups=1):
    return jax.lax.conv_general_dilated(x, w, (stride, stride), [(padding, padding), (padding, padding)], dimension_numbers=('NCHW', 'OIHW', 'NCHW'), feature_group_count=groups)

def bn(x, g, b, eps=1e-5):
    mean = jnp.mean(x, axis=(0, 2, 3), keepdims=True)
    var = jnp.var(x, axis=(0, 2, 3), keepdims=True)
    xn = (x - mean) / jnp.sqrt(var + eps)
    return xn * g[None, :, None, None] + b[None, :, None, None]

def relu6(x):
    return jnp.clip(x, 0.0, 6.0)

def ssd_forward(x, params):
    specs = make_specs()
    feats = []
    for li, spec in enumerate(specs):
        if spec[0] == 'conv':
            _, ci, co, ks, st, pd, gr = spec
            x = relu6(bn(conv2d(x, params[f'l{li}_w'], st, pd, gr), params[f'l{li}_g'], params[f'l{li}_b']))
        else:
            _, ci, co, st, t = spec
            hid = ci * t
            h = x
            if t != 1:
                h = relu6(bn(conv2d(h, params[f'l{li}_pw1_w'], 1, 0), params[f'l{li}_pw1_g'], params[f'l{li}_pw1_b']))
            h = relu6(bn(conv2d(h, params[f'l{li}_dw_w'], st, 1, groups=hid), params[f'l{li}_dw_g'], params[f'l{li}_dw_b']))
            h = bn(conv2d(h, params[f'l{li}_pw2_w'], 1, 0), params[f'l{li}_pw2_g'], params[f'l{li}_pw2_b'])
            if st == 1 and ci == co:
                h = x + h
            x = h
        if li == 13 or li == 17:
            feats.append(x)
    loc_list, cls_list = [], []
    for i, f in enumerate(feats):
        lp = conv2d(f, params[f'loc{i}_w'], 1, 1) + params[f'loc{i}_b2'][None, :, None, None]
        cp = conv2d(f, params[f'cls{i}_w'], 1, 1) + params[f'cls{i}_b2'][None, :, None, None]
        loc_list.append(jnp.transpose(lp, (0, 2, 3, 1)).reshape(lp.shape[0], -1))
        cls_list.append(jnp.transpose(cp, (0, 2, 3, 1)).reshape(cp.shape[0], -1))
    B = x.shape[0]
    loc = jnp.concatenate(loc_list, axis=1).reshape(B, -1, 4)
    cls = jnp.concatenate(cls_list, axis=1).reshape(B, -1, NUM_CLASSES)
    return loc, cls

def generate_anchors():
    shapes = [38, 19, 10, 5, 3, 1]
    scales = [0.1, 0.2, 0.375, 0.55, 0.725, 0.9]
    ars = [1, 2, 0.5]
    all_a = []
    for fi, shape in enumerate(shapes):
        s = scales[fi]
        for i in range(shape):
            for j in range(shape):
                cx = (j + 0.5) / shape
                cy = (i + 0.5) / shape
                all_a.append([cx, cy, s, s])
                for ar in ars:
                    if ar == 1:
                        continue
                    r = math.sqrt(ar)
                    all_a.append([cx, cy, s * r, s / r])
                    all_a.append([cx, cy, s / r, s * r])
    return np.array(all_a, dtype=np.float32)

def nms_np(boxes, scores, iou_threshold=0.5, top_k=200):
    N = boxes.shape[0]
    x1, y1, x2, y2 = boxes[:, 0], boxes[:, 1], boxes[:, 2], boxes[:, 3]
    areas = (x2 - x1) * (y2 - y1)
    idxs = jnp.arange(N)
    neg_inf = jnp.asarray(-jnp.inf, dtype=scores.dtype)
    def body(t, carry):
        valid, kp, m = carry
        any_valid = jnp.any(valid)
        masked = jnp.where(valid, scores, neg_inf)
        i = jnp.argmax(masked)
        kp = kp.at[t].set(jnp.where(any_valid, i, 0))
        m = m.at[t].set(any_valid.astype(jnp.float32))
        xx1 = jnp.maximum(x1[i], x1)
        yy1 = jnp.maximum(y1[i], y1)
        xx2 = jnp.minimum(x2[i], x2)
        yy2 = jnp.minimum(y2[i], y2)
        w = jnp.clip(xx2 - xx1, 0, None)
        h = jnp.clip(yy2 - yy1, 0, None)
        inter = w * h
        union = areas[i] + areas - inter
        iou = inter / union
        suppress = jnp.logical_not(iou <= iou_threshold)
        valid = valid & jnp.logical_not(suppress) & (idxs != i)
        return (valid, kp, m)
    valid0 = jnp.ones((N,), dtype=bool)
    kp0 = jnp.zeros((top_k,), dtype=jnp.int32)
    m0 = jnp.zeros((top_k,), dtype=jnp.float32)
    _, kp, m = jax.lax.fori_loop(0, top_k, body, (valid0, kp0, m0))
    return kp, m

def setup_inputs(seed: int = 0):
    key = jax.random.key(seed)
    k1, k2 = jax.random.split(key)
    x = jax.random.normal(k1, (8, 3, 300, 300), jnp.float32)
    params = init_params(k2)
    return {'x': x, 'params': params}

def reference(x, params):
    loc, cls = ssd_forward(x, params)
    _ = generate_anchors()  # generated as in torch code; unused in outputs
    B = loc.shape[0]
    boxes_out, labels_out, scores_out = [], [], []
    for b in range(B):
        boxes = loc[b]
        scores = jnp.max(cls[b], axis=1)
        labels = jnp.argmax(cls[b], axis=1)
        kpj, mj = nms_np(boxes, scores)
        boxes_out.append(boxes[kpj] * mj[:, None])
        labels_out.append(labels[kpj] * mj.astype(labels.dtype))
        scores_out.append(scores[kpj] * mj)
    return (jnp.stack(boxes_out), jnp.stack(labels_out), jnp.stack(scores_out))

if __name__ == "__main__":
    import jax
    _d = setup_inputs()
    print(jax.jit(kernel)(*tuple(_d.values())))

</pallas_src>

<mosaic_0001>
#map = affine_map<(d0, d1) -> (0)>
module attributes {stable_mosaic.version = 14 : i64} {
  func.func @_nms_sc(%arg0: i32, %arg1: i32, %arg2: memref<90112xf32, #tpu.memory_space<hbm>>, %arg3: memref<22528xf32, #tpu.memory_space<hbm>>, %arg4: memref<22528xi32, #tpu.memory_space<hbm>>, %arg5: memref<1664xf32, #tpu.memory_space<hbm>>, %arg6: memref<1664xf32, #tpu.memory_space<hbm>>, %arg7: memref<1664xf32, #tpu.memory_space<hbm>>, %arg8: memref<1664xf32, #tpu.memory_space<hbm>>, %arg9: memref<1664xi32, #tpu.memory_space<hbm>>, %arg10: memref<1664xf32, #tpu.memory_space<hbm>>, %arg11: memref<2816xf32, #tpu.memory_space<vmem>>, %arg12: memref<2816xf32, #tpu.memory_space<vmem>>, %arg13: memref<2816xf32, #tpu.memory_space<vmem>>, %arg14: memref<2816xf32, #tpu.memory_space<vmem>>, %arg15: memref<2816xi32, #tpu.memory_space<vmem>>, %arg16: memref<704xf32, #tpu.memory_space<vmem>>, %arg17: memref<704xf32, #tpu.memory_space<vmem>>, %arg18: memref<32xf32, #tpu.memory_space<vmem>>, %arg19: memref<128xf32, #tpu.memory_space<vmem>>, %arg20: memref<208xf32, #tpu.memory_space<vmem>>, %arg21: memref<208xf32, #tpu.memory_space<vmem>>, %arg22: memref<208xf32, #tpu.memory_space<vmem>>, %arg23: memref<208xf32, #tpu.memory_space<vmem>>, %arg24: memref<208xi32, #tpu.memory_space<vmem>>, %arg25: memref<208xf32, #tpu.memory_space<vmem>>, %arg26: memref<1024xf32, #tpu.memory_space<vmem_shared>>) attributes {dimension_semantics = [#tpu.dimension_semantics<core_parallel>, #tpu.dimension_semantics<subcore_parallel>], iteration_bounds = array<i64: 2, 16>, scalar_prefetch = 0 : i64, scratch_operands = 16 : i64, tpu.core_type = #tpu.core_type<sc_vector_subcore>, window_params = [{transform_indices = #map}, {transform_indices = #map}, {transform_indices = #map}, {transform_indices = #map}, {transform_indices = #map}, {transform_indices = #map}, {transform_indices = #map}, {transform_indices = #map}, {transform_indices = #map}]} {
    %mul3A = arith.constant 4 : i32
    %mul3A_0 = arith.muli %arg0, %mul3A : i32
    %jit3A = arith.constant 4 : i32
    %div3A = arith.divsi %arg1, %jit3A : i32
    %sign3A = arith.constant 0 : i32
    %sign3A_1 = arith.cmpi sgt, %arg1, %sign3A : i32
    %sign3A_2 = arith.extui %sign3A_1 : i1 to i32
    %sign3A_3 = arith.constant 0 : i32
    %sign3A_4 = arith.cmpi slt, %arg1, %sign3A_3 : i32
    %sign3A_5 = arith.extui %sign3A_4 : i1 to i32
    %sign3A_6 = arith.subi %sign3A_2, %sign3A_5 : i32
    %sign3A_7 = arith.constant 0 : i32
    %sign3A_8 = arith.cmpi sgt, %jit3A, %sign3A_7 : i32
    %sign3A_9 = arith.extui %sign3A_8 : i1 to i32
    %sign3A_10 = arith.constant 0 : i32
    %sign3A_11 = arith.cmpi slt, %jit3A, %sign3A_10 : i32
    %sign3A_12 = arith.extui %sign3A_11 : i1 to i32
    %sign3A_13 = arith.subi %sign3A_9, %sign3A_12 : i32
    %ne3A = arith.cmpi ne, %sign3A_6, %sign3A_13 : i32
    %rem3A = arith.remsi %arg1, %jit3A : i32
    %ne3A_14 = arith.constant 0 : i32
    %ne3A_15 = arith.cmpi ne, %rem3A, %ne3A_14 : i32
    %and3A = arith.andi %ne3A, %ne3A_15 : i1
    %sub3A = arith.constant 1 : i32
    %sub3A_16 = arith.subi %div3A, %sub3A : i32
    %select_n3A = arith.select %and3A, %sub3A_16, %div3A : i32
    %add3A = arith.addi %mul3A_0, %select_n3A : i32
    %jit3A_17 = arith.constant 4 : i32
    %eq3A = arith.constant 0 : i32
    %eq3A_18 = arith.cmpi eq, %jit3A_17, %eq3A : i32
    %jit3A_19 = arith.constant 1 : i32
    %select_n3A_20 = arith.select %eq3A_18, %jit3A_19, %jit3A_17 : i32
    %rem3A_21 = arith.remsi %arg1, %select_n3A_20 : i32
    %ne3A_22 = arith.constant 0 : i32
    %ne3A_23 = arith.cmpi ne, %rem3A_21, %ne3A_22 : i32
    %lt3A = arith.constant 0 : i32
    %lt3A_24 = arith.cmpi slt, %rem3A_21, %lt3A : i32
    %lt3A_25 = arith.constant 0 : i32
    %lt3A_26 = arith.cmpi slt, %select_n3A_20, %lt3A_25 : i32
    %ne3A_27 = arith.xori %lt3A_24, %lt3A_26 : i1
    %and3A_28 = arith.andi %ne3A_27, %ne3A_23 : i1
    %add3A_29 = arith.addi %rem3A_21, %select_n3A_20 : i32
    %select_n3A_30 = arith.select %and3A_28, %add3A_29, %rem3A_21 : i32
    %mul3A_31 = arith.constant 704 : i32
    %mul3A_32 = arith.muli %select_n3A_30, %mul3A_31 : i32
    %iota3A = tpu.iota {dimensions = array<i32: 0>} : vector<16xi32>
    %eq3A_33 = arith.constant 0 : i32
    %eq3A_34 = vector.broadcast %eq3A_33 : i32 to vector<16xi32>
    %eq3A_35 = arith.cmpi eq, %iota3A, %eq3A_34 : vector<16xi32>
    %jit3A_36 = arith.constant 4 : i32
    %div3A_37 = arith.divsi %arg1, %jit3A_36 : i32
    %sign3A_38 = arith.constant 0 : i32
    %sign3A_39 = arith.cmpi sgt, %arg1, %sign3A_38 : i32
    %sign3A_40 = arith.extui %sign3A_39 : i1 to i32
    %sign3A_41 = arith.constant 0 : i32
    %sign3A_42 = arith.cmpi slt, %arg1, %sign3A_41 : i32
    %sign3A_43 = arith.extui %sign3A_42 : i1 to i32
    %sign3A_44 = arith.subi %sign3A_40, %sign3A_43 : i32
    %sign3A_45 = arith.constant 0 : i32
    %sign3A_46 = arith.cmpi sgt, %jit3A_36, %sign3A_45 : i32
    %sign3A_47 = arith.extui %sign3A_46 : i1 to i32
    %sign3A_48 = arith.constant 0 : i32
    %sign3A_49 = arith.cmpi slt, %jit3A_36, %sign3A_48 : i32
    %sign3A_50 = arith.extui %sign3A_49 : i1 to i32
    %sign3A_51 = arith.subi %sign3A_47, %sign3A_50 : i32
    %ne3A_52 = arith.cmpi ne, %sign3A_44, %sign3A_51 : i32
    %rem3A_53 = arith.remsi %arg1, %jit3A_36 : i32
    %ne3A_54 = arith.constant 0 : i32
    %ne3A_55 = arith.cmpi ne, %rem3A_53, %ne3A_54 : i32
    %and3A_56 = arith.andi %ne3A_52, %ne3A_55 : i1
    %sub3A_57 = arith.constant 1 : i32
    %sub3A_58 = arith.subi %div3A_37, %sub3A_57 : i32
    %select_n3A_59 = arith.select %and3A_56, %sub3A_58, %div3A_37 : i32
    %mul3A_60 = arith.constant 4 : i32
    %mul3A_61 = arith.muli %select_n3A_59, %mul3A_60 : i32
    %mul3A_62 = arith.constant 2816 : i32
    %mul3A_63 = arith.muli %add3A, %mul3A_62 : i32
    %multiple_of3A = tpu.assume_multiple %mul3A_63, 8 : i32
    %add3A_64 = arith.constant 0 : i32
    %add3A_65 = arith.addi %add3A_64, %add3A : i32
    %mul3A_66 = arith.constant 2816 : i32
    %mul3A_67 = arith.muli %add3A_65, %mul3A_66 : i32
    %multiple_of3A_68 = tpu.assume_multiple %mul3A_67, 8 : i32
    "tpu.region"() ({
      %run_scoped3A = tpu.sem_alloc : memref<!tpu.dma_semaphore, #tpu.memory_space<semaphore_mem>>
      %dma_start3A = tpu.memref_slice %arg2[%multiple_of3A_68] : memref<90112xf32, #tpu.memory_space<hbm>> -> memref<2816xf32, #tpu.memory_space<hbm>>
      %dma_start3A_113 = tpu.memref_slice %arg2[%multiple_of3A_68] : memref<90112xf32, #tpu.memory_space<hbm>> -> memref<2816xf32, #tpu.memory_space<hbm>>
      tpu.enqueue_dma source(%dma_start3A_113 : memref<2816xf32, #tpu.memory_space<hbm>>) target(%arg11 : memref<2816xf32, #tpu.memory_space<vmem>>) target_semaphore(%run_scoped3A : memref<!tpu.dma_semaphore, #tpu.memory_space<semaphore_mem>>)
      %dma_wait3A = tpu.memref_slice %arg2[%multiple_of3A_68] : memref<90112xf32, #tpu.memory_space<hbm>> -> memref<2816xf32, #tpu.memory_space<hbm>>
      %dma_wait3A_114 = tpu.memref_slice %arg2[%multiple_of3A_68] : memref<90112xf32, #tpu.memory_space<hbm>> -> memref<2816xf32, #tpu.memory_space<hbm>>
      tpu.wait_dma2 semaphore(%run_scoped3A : memref<!tpu.dma_semaphore, #tpu.memory_space<semaphore_mem>>) src(%dma_wait3A_114 : memref<2816xf32, #tpu.memory_space<hbm>>) dst(%arg11 : memref<2816xf32, #tpu.memory_space<vmem>>)
      tpu.yield
    }) : () -> ()
    %add3A_69 = arith.constant 8 : i32
    %add3A_70 = arith.addi %add3A_69, %add3A : i32
    %mul3A_71 = arith.constant 2816 : i32
    %mul3A_72 = arith.muli %add3A_70, %mul3A_71 : i32
    %multiple_of3A_73 = tpu.assume_multiple %mul3A_72, 8 : i32
    "tpu.region"() ({
      %run_scoped3A = tpu.sem_alloc : memref<!tpu.dma_semaphore, #tpu.memory_space<semaphore_mem>>
      %dma_start3A = tpu.memref_slice %arg2[%multiple_of3A_73] : memref<90112xf32, #tpu.memory_space<hbm>> -> memref<2816xf32, #tpu.memory_space<hbm>>
      %dma_start3A_113 = tpu.memref_slice %arg2[%multiple_of3A_73] : memref<90112xf32, #tpu.memory_space<hbm>> -> memref<2816xf32, #tpu.memory_space<hbm>>
      tpu.enqueue_dma source(%dma_start3A_113 : memref<2816xf32, #tpu.memory_space<hbm>>) target(%arg12 : memref<2816xf32, #tpu.memory_space<vmem>>) target_semaphore(%run_scoped3A : memref<!tpu.dma_semaphore, #tpu.memory_space<semaphore_mem>>)
      %dma_wait3A = tpu.memref_slice %arg2[%multiple_of3A_73] : memref<90112xf32, #tpu.memory_space<hbm>> -> memref<2816xf32, #tpu.memory_space<hbm>>
      %dma_wait3A_114 = tpu.memref_slice %arg2[%multiple_of3A_73] : memref<90112xf32, #tpu.memory_space<hbm>> -> memref<2816xf32, #tpu.memory_space<hbm>>
      tpu.wait_dma2 semaphore(%run_scoped3A : memref<!tpu.dma_semaphore, #tpu.memory_space<semaphore_mem>>) src(%dma_wait3A_114 : memref<2816xf32, #tpu.memory_space<hbm>>) dst(%arg12 : memref<2816xf32, #tpu.memory_space<vmem>>)
      tpu.yield
    }) : () -> ()
    %add3A_74 = arith.constant 16 : i32
    %add3A_75 = arith.addi %add3A_74, %add3A : i32
    %mul3A_76 = arith.constant 2816 : i32
    %mul3A_77 = arith.muli %add3A_75, %mul3A_76 : i32
    %multiple_of3A_78 = tpu.assume_multiple %mul3A_77, 8 : i32
    "tpu.region"() ({
      %run_scoped3A = tpu.sem_alloc : memref<!tpu.dma_semaphore, #tpu.memory_space<semaphore_mem>>
      %dma_start3A = tpu.memref_slice %arg2[%multiple_of3A_78] : memref<90112xf32, #tpu.memory_space<hbm>> -> memref<2816xf32, #tpu.memory_space<hbm>>
      %dma_start3A_113 = tpu.memref_slice %arg2[%multiple_of3A_78] : memref<90112xf32, #tpu.memory_space<hbm>> -> memref<2816xf32, #tpu.memory_space<hbm>>
      tpu.enqueue_dma source(%dma_start3A_113 : memref<2816xf32, #tpu.memory_space<hbm>>) target(%arg13 : memref<2816xf32, #tpu.memory_space<vmem>>) target_semaphore(%run_scoped3A : memref<!tpu.dma_semaphore, #tpu.memory_space<semaphore_mem>>)
      %dma_wait3A = tpu.memref_slice %arg2[%multiple_of3A_78] : memref<90112xf32, #tpu.memory_space<hbm>> -> memref<2816xf32, #tpu.memory_space<hbm>>
      %dma_wait3A_114 = tpu.memref_slice %arg2[%multiple_of3A_78] : memref<90112xf32, #tpu.memory_space<hbm>> -> memref<2816xf32, #tpu.memory_space<hbm>>
      tpu.wait_dma2 semaphore(%run_scoped3A : memref<!tpu.dma_semaphore, #tpu.memory_space<semaphore_mem>>) src(%dma_wait3A_114 : memref<2816xf32, #tpu.memory_space<hbm>>) dst(%arg13 : memref<2816xf32, #tpu.memory_space<vmem>>)
      tpu.yield
    }) : () -> ()
    %add3A_79 = arith.constant 24 : i32
    %add3A_80 = arith.addi %add3A_79, %add3A : i32
    %mul3A_81 = arith.constant 2816 : i32
    %mul3A_82 = arith.muli %add3A_80, %mul3A_81 : i32
    %multiple_of3A_83 = tpu.assume_multiple %mul3A_82, 8 : i32
    "tpu.region"() ({
      %run_scoped3A = tpu.sem_alloc : memref<!tpu.dma_semaphore, #tpu.memory_space<semaphore_mem>>
      %dma_start3A = tpu.memref_slice %arg2[%multiple_of3A_83] : memref<90112xf32, #tpu.memory_space<hbm>> -> memref<2816xf32, #tpu.memory_space<hbm>>
      %dma_start3A_113 = tpu.memref_slice %arg2[%multiple_of3A_83] : memref<90112xf32, #tpu.memory_space<hbm>> -> memref<2816xf32, #tpu.memory_space<hbm>>
      tpu.enqueue_dma source(%dma_start3A_113 : memref<2816xf32, #tpu.memory_space<hbm>>) target(%arg14 : memref<2816xf32, #tpu.memory_space<vmem>>) target_semaphore(%run_scoped3A : memref<!tpu.dma_semaphore, #tpu.memory_space<semaphore_mem>>)
      %dma_wait3A = tpu.memref_slice %arg2[%multiple_of3A_83] : memref<90112xf32, #tpu.memory_space<hbm>> -> memref<2816xf32, #tpu.memory_space<hbm>>
      %dma_wait3A_114 = tpu.memref_slice %arg2[%multiple_of3A_83] : memref<90112xf32, #tpu.memory_space<hbm>> -> memref<2816xf32, #tpu.memory_space<hbm>>
      tpu.wait_dma2 semaphore(%run_scoped3A : memref<!tpu.dma_semaphore, #tpu.memory_space<semaphore_mem>>) src(%dma_wait3A_114 : memref<2816xf32, #tpu.memory_space<hbm>>) dst(%arg14 : memref<2816xf32, #tpu.memory_space<vmem>>)
      tpu.yield
    }) : () -> ()
    "tpu.region"() ({
      %run_scoped3A = tpu.sem_alloc : memref<!tpu.dma_semaphore, #tpu.memory_space<semaphore_mem>>
      %dma_start3A = tpu.memref_slice %arg4[%multiple_of3A] : memref<22528xi32, #tpu.memory_space<hbm>> -> memref<2816xi32, #tpu.memory_space<hbm>>
      %dma_start3A_113 = tpu.memref_slice %arg4[%multiple_of3A] : memref<22528xi32, #tpu.memory_space<hbm>> -> memref<2816xi32, #tpu.memory_space<hbm>>
      tpu.enqueue_dma source(%dma_start3A_113 : memref<2816xi32, #tpu.memory_space<hbm>>) target(%arg15 : memref<2816xi32, #tpu.memory_space<vmem>>) target_semaphore(%run_scoped3A : memref<!tpu.dma_semaphore, #tpu.memory_space<semaphore_mem>>)
      %dma_wait3A = tpu.memref_slice %arg4[%multiple_of3A] : memref<22528xi32, #tpu.memory_space<hbm>> -> memref<2816xi32, #tpu.memory_space<hbm>>
      %dma_wait3A_114 = tpu.memref_slice %arg4[%multiple_of3A] : memref<22528xi32, #tpu.memory_space<hbm>> -> memref<2816xi32, #tpu.memory_space<hbm>>
      tpu.wait_dma2 semaphore(%run_scoped3A : memref<!tpu.dma_semaphore, #tpu.memory_space<semaphore_mem>>) src(%dma_wait3A_114 : memref<2816xi32, #tpu.memory_space<hbm>>) dst(%arg15 : memref<2816xi32, #tpu.memory_space<vmem>>)
      tpu.yield
    }) : () -> ()
    %mul3A_84 = arith.constant 2816 : i32
    %mul3A_85 = arith.muli %add3A, %mul3A_84 : i32
    %add3A_86 = arith.addi %mul3A_85, %mul3A_32 : i32
    %multiple_of3A_87 = tpu.assume_multiple %add3A_86, 8 : i32
    "tpu.region"() ({
      %run_scoped3A = tpu.sem_alloc : memref<!tpu.dma_semaphore, #tpu.memory_space<semaphore_mem>>
      %dma_start3A = tpu.memref_slice %arg3[%multiple_of3A_87] : memref<22528xf32, #tpu.memory_space<hbm>> -> memref<704xf32, #tpu.memory_space<hbm>>
      %dma_start3A_113 = tpu.memref_slice %arg3[%multiple_of3A_87] : memref<22528xf32, #tpu.memory_space<hbm>> -> memref<704xf32, #tpu.memory_space<hbm>>
      tpu.enqueue_dma source(%dma_start3A_113 : memref<704xf32, #tpu.memory_space<hbm>>) target(%arg16 : memref<704xf32, #tpu.memory_space<vmem>>) target_semaphore(%run_scoped3A : memref<!tpu.dma_semaphore, #tpu.memory_space<semaphore_mem>>)
      %dma_wait3A = tpu.memref_slice %arg3[%multiple_of3A_87] : memref<22528xf32, #tpu.memory_space<hbm>> -> memref<704xf32, #tpu.memory_space<hbm>>
      %dma_wait3A_114 = tpu.memref_slice %arg3[%multiple_of3A_87] : memref<22528xf32, #tpu.memory_space<hbm>> -> memref<704xf32, #tpu.memory_space<hbm>>
      tpu.wait_dma2 semaphore(%run_scoped3A : memref<!tpu.dma_semaphore, #tpu.memory_space<semaphore_mem>>) src(%dma_wait3A_114 : memref<704xf32, #tpu.memory_space<hbm>>) dst(%arg16 : memref<704xf32, #tpu.memory_space<vmem>>)
      tpu.yield
    }) : () -> ()
    %scan3A = arith.constant 0 : i32
    %scan3A_88 = arith.constant 0 : i32
    %scan3A_89 = arith.constant 44 : i32
    %scan3A_90 = arith.addi %scan3A_88, %scan3A_89 : i32
    %scan3A_91 = arith.constant 4 : i32
    %scan3A_92 = scf.for %scan3A_113 = %scan3A_88 to %scan3A_90 step %scan3A_91 iter_args(%scan3A_114 = %scan3A) -> (i32)  : i32 {
      %mul3A_115 = arith.constant 16 : i32
      %mul3A_116 = arith.muli %scan3A_113, %mul3A_115 : i32
      %add3A_117 = arith.addi %mul3A_32, %mul3A_116 : i32
      %get3A = arith.index_cast %add3A_117 : i32 to index
      %get3A_118 = tpu.vector_load %arg13[%get3A] {strides = array<i32>} : memref<2816xf32, #tpu.memory_space<vmem>>, vector<16xf32>,
      %get3A_119 = arith.index_cast %add3A_117 : i32 to index
      %get3A_120 = tpu.vector_load %arg11[%get3A_119] {strides = array<i32>} : memref<2816xf32, #tpu.memory_space<vmem>>, vector<16xf32>,
      %sub3A_121 = arith.subf %get3A_118, %get3A_120 : vector<16xf32>
      %get3A_122 = arith.index_cast %add3A_117 : i32 to index
      %get3A_123 = tpu.vector_load %arg14[%get3A_122] {strides = array<i32>} : memref<2816xf32, #tpu.memory_space<vmem>>, vector<16xf32>,
      %get3A_124 = arith.index_cast %add3A_117 : i32 to index
      %get3A_125 = tpu.vector_load %arg12[%get3A_124] {strides = array<i32>} : memref<2816xf32, #tpu.memory_space<vmem>>, vector<16xf32>,
      %sub3A_126 = arith.subf %get3A_123, %get3A_125 : vector<16xf32>
      %mul3A_127 = arith.mulf %sub3A_121, %sub3A_126 : vector<16xf32>
      %mul3A_128 = arith.constant 16 : i32
      %mul3A_129 = arith.muli %scan3A_113, %mul3A_128 : i32
      %swap3A = arith.index_cast %mul3A_129 : i32 to index
      %swap3A_130 = tpu.vector_load %arg17[%swap3A] {strides = array<i32>} : memref<704xf32, #tpu.memory_space<vmem>>, vector<16xf32>,
      tpu.vector_store %arg17[%swap3A], %mul3A_127 {strides = array<i32>} : memref<704xf32, #tpu.memory_space<vmem>>, vector<16xf32>,
      %scan3A_131 = arith.constant 0 : i32
      %scan3A_132 = arith.constant 1 : i32
      %scan3A_133 = arith.addi %scan3A_113, %scan3A_132 : i32
      %mul3A_134 = arith.constant 16 : i32
      %mul3A_135 = arith.muli %scan3A_133, %mul3A_134 : i32
      %add3A_136 = arith.addi %mul3A_32, %mul3A_135 : i32
      %get3A_137 = arith.index_cast %add3A_136 : i32 to index
      %get3A_138 = tpu.vector_load %arg13[%get3A_137] {strides = array<i32>} : memref<2816xf32, #tpu.memory_space<vmem>>, vector<16xf32>,
      %get3A_139 = arith.index_cast %add3A_136 : i32 to index
      %get3A_140 = tpu.vector_load %arg11[%get3A_139] {strides = array<i32>} : memref<2816xf32, #tpu.memory_space<vmem>>, vector<16xf32>,
      %sub3A_141 = arith.subf %get3A_138, %get3A_140 : vector<16xf32>
      %get3A_142 = arith.index_cast %add3A_136 : i32 to index
      %get3A_143 = tpu.vector_load %arg14[%get3A_142] {strides = array<i32>} : memref<2816xf32, #tpu.memory_space<vmem>>, vector<16xf32>,
      %get3A_144 = arith.index_cast %add3A_136 : i32 to index
      %get3A_145 = tpu.vector_load %arg12[%get3A_144] {strides = array<i32>} : memref<2816xf32, #tpu.memory_space<vmem>>, vector<16xf32>,
      %sub3A_146 = arith.subf %get3A_143, %get3A_145 : vector<16xf32>
      %mul3A_147 = arith.mulf %sub3A_141, %sub3A_146 : vector<16xf32>
      %mul3A_148 = arith.constant 16 : i32
      %mul3A_149 = arith.muli %scan3A_133, %mul3A_148 : i32
      %swap3A_150 = arith.index_cast %mul3A_149 : i32 to index
      %swap3A_151 = tpu.vector_load %arg17[%swap3A_150] {strides = array<i32>} : memref<704xf32, #tpu.memory_space<vmem>>, vector<16xf32>,
      tpu.vector_store %arg17[%swap3A_150], %mul3A_147 {strides = array<i32>} : memref<704xf32, #tpu.memory_space<vmem>>, vector<16xf32>,
      %scan3A_152 = arith.constant 0 : i32
      %scan3A_153 = arith.constant 2 : i32
      %scan3A_154 = arith.addi %scan3A_113, %scan3A_153 : i32
      %mul3A_155 = arith.constant 16 : i32
      %mul3A_156 = arith.muli %scan3A_154, %mul3A_155 : i32
      %add3A_157 = arith.addi %mul3A_32, %mul3A_156 : i32
      %get3A_158 = arith.index_cast %add3A_157 : i32 to index
      %get3A_159 = tpu.vector_load %arg13[%get3A_158] {strides = array<i32>} : memref<2816xf32, #tpu.memory_space<vmem>>, vector<16xf32>,
      %get3A_160 = arith.index_cast %add3A_157 : i32 to index
      %get3A_161 = tpu.vector_load %arg11[%get3A_160] {strides = array<i32>} : memref<2816xf32, #tpu.memory_space<vmem>>, vector<16xf32>,
      %sub3A_162 = arith.subf %get3A_159, %get3A_161 : vector<16xf32>
      %get3A_163 = arith.index_cast %add3A_157 : i32 to index
      %get3A_164 = tpu.vector_load %arg14[%get3A_163] {strides = array<i32>} : memref<2816xf32, #tpu.memory_space<vmem>>, vector<16xf32>,
      %get3A_165 = arith.index_cast %add3A_157 : i32 to index
      %get3A_166 = tpu.vector_load %arg12[%get3A_165] {strides = array<i32>} : memref<2816xf32, #tpu.memory_space<vmem>>, vector<16xf32>,
      %sub3A_167 = arith.subf %get3A_164, %get3A_166 : vector<16xf32>
      %mul3A_168 = arith.mulf %sub3A_162, %sub3A_167 : vector<16xf32>
      %mul3A_169 = arith.constant 16 : i32
      %mul3A_170 = arith.muli %scan3A_154, %mul3A_169 : i32
      %swap3A_171 = arith.index_cast %mul3A_170 : i32 to index
      %swap3A_172 = tpu.vector_load %arg17[%swap3A_171] {strides = array<i32>} : memref<704xf32, #tpu.memory_space<vmem>>, vector<16xf32>,
      tpu.vector_store %arg17[%swap3A_171], %mul3A_168 {strides = array<i32>} : memref<704xf32, #tpu.memory_space<vmem>>, vector<16xf32>,
      %scan3A_173 = arith.constant 0 : i32
      %scan3A_174 = arith.constant 3 : i32
      %scan3A_175 = arith.addi %scan3A_113, %scan3A_174 : i32
      %mul3A_176 = arith.constant 16 : i32
      %mul3A_177 = arith.muli %scan3A_175, %mul3A_176 : i32
      %add3A_178 = arith.addi %mul3A_32, %mul3A_177 : i32
      %get3A_179 = arith.index_cast %add3A_178 : i32 to index
      %get3A_180 = tpu.vector_load %arg13[%get3A_179] {strides = array<i32>} : memref<2816xf32, #tpu.memory_space<vmem>>, vector<16xf32>,
      %get3A_181 = arith.index_cast %add3A_178 : i32 to index
      %get3A_182 = tpu.vector_load %arg11[%get3A_181] {strides = array<i32>} : memref<2816xf32, #tpu.memory_space<vmem>>, vector<16xf32>,
      %sub3A_183 = arith.subf %get3A_180, %get3A_182 : vector<16xf32>
      %get3A_184 = arith.index_cast %add3A_178 : i32 to index
      %get3A_185 = tpu.vector_load %arg14[%get3A_184] {strides = array<i32>} : memref<2816xf32, #tpu.memory_space<vmem>>, vector<16xf32>,
      %get3A_186 = arith.index_cast %add3A_178 : i32 to index
      %get3A_187 = tpu.vector_load %arg12[%get3A_186] {strides = array<i32>} : memref<2816xf32, #tpu.memory_space<vmem>>, vector<16xf32>,
      %sub3A_188 = arith.subf %get3A_185, %get3A_187 : vector<16xf32>
      %mul3A_189 = arith.mulf %sub3A_183, %sub3A_188 : vector<16xf32>
      %mul3A_190 = arith.constant 16 : i32
      %mul3A_191 = arith.muli %scan3A_175, %mul3A_190 : i32
      %swap3A_192 = arith.index_cast %mul3A_191 : i32 to index
      %swap3A_193 = tpu.vector_load %arg17[%swap3A_192] {strides = array<i32>} : memref<704xf32, #tpu.memory_space<vmem>>, vector<16xf32>,
      tpu.vector_store %arg17[%swap3A_192], %mul3A_189 {strides = array<i32>} : memref<704xf32, #tpu.memory_space<vmem>>, vector<16xf32>,
      %scan3A_194 = arith.constant 0 : i32
      scf.yield %scan3A_194 : i32
    }
    %scan3A_93 = arith.constant 44 : i32
    %broadcast_in_dim3A = arith.constant 0xFF800000 : f32
    %broadcast_in_dim3A_94 = vector.broadcast %broadcast_in_dim3A : f32 to vector<16xf32>
    %broadcast_in_dim3A_95 = arith.constant 1073741824 : i32
    %broadcast_in_dim3A_96 = vector.broadcast %broadcast_in_dim3A_95 : i32 to vector<16xi32>
    %scan3A_97 = arith.constant 0 : i32
    %scan3A_98 = arith.constant 44 : i32
    %scan3A_99 = arith.addi %scan3A_97, %scan3A_98 : i32
    %scan3A_100 = arith.constant 4 : i32
    %scan3A_101:2 = scf.for %scan3A_113 = %scan3A_97 to %scan3A_99 step %scan3A_100 iter_args(%scan3A_114 = %broadcast_in_dim3A_94, %scan3A_115 = %broadcast_in_dim3A_96) -> (vector<16xf32>, vector<16xi32>)  : i32 {
      %mul3A_116 = arith.constant 16 : i32
      %mul3A_117 = arith.muli %scan3A_113, %mul3A_116 : i32
      %get3A = arith.index_cast %mul3A_117 : i32 to index
      %get3A_118 = tpu.vector_load %arg16[%get3A] {strides = array<i32>} : memref<704xf32, #tpu.memory_space<vmem>>, vector<16xf32>,
      %mul3A_119 = arith.constant 16 : i32
      %mul3A_120 = arith.muli %scan3A_113, %mul3A_119 : i32
      %add3A_121 = arith.addi %mul3A_32, %mul3A_120 : i32
      %add3A_122 = vector.broadcast %add3A_121 : i32 to vector<16xi32>
      %add3A_123 = arith.addi %add3A_122, %iota3A : vector<16xi32>
      %gt3A = arith.cmpf ogt, %get3A_118, %scan3A_114 : vector<16xf32>
      %select_n3A_124 = arith.select %gt3A, %get3A_118, %scan3A_114 : vector<16xi1>, vector<16xf32>
      %select_n3A_125 = arith.select %gt3A, %add3A_123, %scan3A_115 : vector<16xi1>, vector<16xi32>
      %scan3A_126 = arith.constant 1 : i32
      %scan3A_127 = arith.addi %scan3A_113, %scan3A_126 : i32
      %mul3A_128 = arith.constant 16 : i32
      %mul3A_129 = arith.muli %scan3A_127, %mul3A_128 : i32
      %get3A_130 = arith.index_cast %mul3A_129 : i32 to index
      %get3A_131 = tpu.vector_load %arg16[%get3A_130] {strides = array<i32>} : memref<704xf32, #tpu.memory_space<vmem>>, vector<16xf32>,
      %mul3A_132 = arith.constant 16 : i32
      %mul3A_133 = arith.muli %scan3A_127, %mul3A_132 : i32
      %add3A_134 = arith.addi %mul3A_32, %mul3A_133 : i32
      %add3A_135 = vector.broadcast %add3A_134 : i32 to vector<16xi32>
      %add3A_136 = arith.addi %add3A_135, %iota3A : vector<16xi32>
      %gt3A_137 = arith.cmpf ogt, %get3A_131, %select_n3A_124 : vector<16xf32>
      %select_n3A_138 = arith.select %gt3A_137, %get3A_131, %select_n3A_124 : vector<16xi1>, vector<16xf32>
      %select_n3A_139 = arith.select %gt3A_137, %add3A_136, %select_n3A_125 : vector<16xi1>, vector<16xi32>
      %scan3A_140 = arith.constant 2 : i32
      %scan3A_141 = arith.addi %scan3A_113, %scan3A_140 : i32
      %mul3A_142 = arith.constant 16 : i32
      %mul3A_143 = arith.muli %scan3A_141, %mul3A_142 : i32
      %get3A_144 = arith.index_cast %mul3A_143 : i32 to index
      %get3A_145 = tpu.vector_load %arg16[%get3A_144] {strides = array<i32>} : memref<704xf32, #tpu.memory_space<vmem>>, vector<16xf32>,
      %mul3A_146 = arith.constant 16 : i32
      %mul3A_147 = arith.muli %scan3A_141, %mul3A_146 : i32
      %add3A_148 = arith.addi %mul3A_32, %mul3A_147 : i32
      %add3A_149 = vector.broadcast %add3A_148 : i32 to vector<16xi32>
      %add3A_150 = arith.addi %add3A_149, %iota3A : vector<16xi32>
      %gt3A_151 = arith.cmpf ogt, %get3A_145, %select_n3A_138 : vector<16xf32>
      %select_n3A_152 = arith.select %gt3A_151, %get3A_145, %select_n3A_138 : vector<16xi1>, vector<16xf32>
      %select_n3A_153 = arith.select %gt3A_151, %add3A_150, %select_n3A_139 : vector<16xi1>, vector<16xi32>
      %scan3A_154 = arith.constant 3 : i32
      %scan3A_155 = arith.addi %scan3A_113, %scan3A_154 : i32
      %mul3A_156 = arith.constant 16 : i32
      %mul3A_157 = arith.muli %scan3A_155, %mul3A_156 : i32
      %get3A_158 = arith.index_cast %mul3A_157 : i32 to index
      %get3A_159 = tpu.vector_load %arg16[%get3A_158] {strides = array<i32>} : memref<704xf32, #tpu.memory_space<vmem>>, vector<16xf32>,
      %mul3A_160 = arith.constant 16 : i32
      %mul3A_161 = arith.muli %scan3A_155, %mul3A_160 : i32
      %add3A_162 = arith.addi %mul3A_32, %mul3A_161 : i32
      %add3A_163 = vector.broadcast %add3A_162 : i32 to vector<16xi32>
      %add3A_164 = arith.addi %add3A_163, %iota3A : vector<16xi32>
      %gt3A_165 = arith.cmpf ogt, %get3A_159, %select_n3A_152 : vector<16xf32>
      %select_n3A_166 = arith.select %gt3A_165, %get3A_159, %select_n3A_152 : vector<16xi1>, vector<16xf32>
      %select_n3A_167 = arith.select %gt3A_165, %add3A_164, %select_n3A_153 : vector<16xi1>, vector<16xi32>
      scf.yield %select_n3A_166, %select_n3A_167 : vector<16xf32>, vector<16xi32>
    }
    %scan3A_102 = arith.constant 44 : i32
    %scan3A_103 = arith.constant 0xFF800000 : f32
    %scan3A_104 = arith.constant 0 : i32
    %scan3A_105 = arith.constant 200 : i32
    %scan3A_106 = arith.addi %scan3A_104, %scan3A_105 : i32
    %scan3A_107 = arith.constant 1 : i32
    %scan3A_108:2 = scf.for %scan3A_113 = %scan3A_104 to %scan3A_106 step %scan3A_107 iter_args(%scan3A_114 = %scan3A_101#0, %scan3A_115 = %scan3A_101#1) -> (vector<16xf32>, vector<16xi32>)  : i32 {
      %xor3A = arith.constant 8 : i32
      %xor3A_116 = vector.broadcast %xor3A : i32 to vector<16xi32>
      %xor3A_117 = arith.xori %iota3A, %xor3A_116 : vector<16xi32>
      %lt3A_118 = arith.constant 0 : i32
      %lt3A_119 = vector.broadcast %lt3A_118 : i32 to vector<16xi32>
      %lt3A_120 = arith.cmpi slt, %xor3A_117, %lt3A_119 : vector<16xi32>
      %add3A_121 = arith.constant 16 : i32
      %add3A_122 = vector.broadcast %add3A_121 : i32 to vector<16xi32>
      %add3A_123 = arith.addi %xor3A_117, %add3A_122 : vector<16xi32>
      %select_n3A_124 = arith.select %lt3A_120, %add3A_123, %xor3A_117 : vector<16xi1>, vector<16xi32>
      %broadcast_in_dim3A_125 = vector.shape_cast %select_n3A_124 : vector<16xi32> to vector<16x1xi32>
      %gather3A = vector.shape_cast %broadcast_in_dim3A_125 : vector<16x1xi32> to vector<16xi32>
      %gather3A_126 = tpu.dynamic_gather %scan3A_114[%gather3A] in [0] : vector<16xf32>, vector<16xi32> -> vector<16xf32>
      %lt3A_127 = arith.constant 0 : i32
      %lt3A_128 = vector.broadcast %lt3A_127 : i32 to vector<16xi32>
      %lt3A_129 = arith.cmpi slt, %xor3A_117, %lt3A_128 : vector<16xi32>
      %add3A_130 = arith.constant 16 : i32
      %add3A_131 = vector.broadcast %add3A_130 : i32 to vector<16xi32>
      %add3A_132 = arith.addi %xor3A_117, %add3A_131 : vector<16xi32>
      %select_n3A_133 = arith.select %lt3A_129, %add3A_132, %xor3A_117 : vector<16xi1>, vector<16xi32>
      %broadcast_in_dim3A_134 = vector.shape_cast %select_n3A_133 : vector<16xi32> to vector<16x1xi32>
      %gather3A_135 = vector.shape_cast %broadcast_in_dim3A_134 : vector<16x1xi32> to vector<16xi32>
      %gather3A_136 = tpu.dynamic_gather %scan3A_115[%gather3A_135] in [0] : vector<16xi32>, vector<16xi32> -> vector<16xi32>
      %gt3A = arith.cmpf ogt, %gather3A_126, %scan3A_114 : vector<16xf32>
      %eq3A_137 = arith.cmpf oeq, %gather3A_126, %scan3A_114 : vector<16xf32>
      %lt3A_138 = arith.cmpi slt, %gather3A_136, %scan3A_115 : vector<16xi32>
      %and3A_139 = arith.andi %eq3A_137, %lt3A_138 : vector<16xi1>
      %or3A = arith.ori %gt3A, %and3A_139 : vector<16xi1>
      %select_n3A_140 = arith.select %or3A, %gather3A_126, %scan3A_114 : vector<16xi1>, vector<16xf32>
      %select_n3A_141 = arith.select %or3A, %gather3A_136, %scan3A_115 : vector<16xi1>, vector<16xi32>
      %xor3A_142 = arith.constant 4 : i32
      %xor3A_143 = vector.broadcast %xor3A_142 : i32 to vector<16xi32>
      %xor3A_144 = arith.xori %iota3A, %xor3A_143 : vector<16xi32>
      %lt3A_145 = arith.constant 0 : i32
      %lt3A_146 = vector.broadcast %lt3A_145 : i32 to vector<16xi32>
      %lt3A_147 = arith.cmpi slt, %xor3A_144, %lt3A_146 : vector<16xi32>
      %add3A_148 = arith.constant 16 : i32
      %add3A_149 = vector.broadcast %add3A_148 : i32 to vector<16xi32>
      %add3A_150 = arith.addi %xor3A_144, %add3A_149 : vector<16xi32>
      %select_n3A_151 = arith.select %lt3A_147, %add3A_150, %xor3A_144 : vector<16xi1>, vector<16xi32>
      %broadcast_in_dim3A_152 = vector.shape_cast %select_n3A_151 : vector<16xi32> to vector<16x1xi32>
      %gather3A_153 = vector.shape_cast %broadcast_in_dim3A_152 : vector<16x1xi32> to vector<16xi32>
      %gather3A_154 = tpu.dynamic_gather %select_n3A_140[%gather3A_153] in [0] : vector<16xf32>, vector<16xi32> -> vector<16xf32>
      %lt3A_155 = arith.constant 0 : i32
      %lt3A_156 = vector.broadcast %lt3A_155 : i32 to vector<16xi32>
      %lt3A_157 = arith.cmpi slt, %xor3A_144, %lt3A_156 : vector<16xi32>
      %add3A_158 = arith.constant 16 : i32
      %add3A_159 = vector.broadcast %add3A_158 : i32 to vector<16xi32>
      %add3A_160 = arith.addi %xor3A_144, %add3A_159 : vector<16xi32>
      %select_n3A_161 = arith.select %lt3A_157, %add3A_160, %xor3A_144 : vector<16xi1>, vector<16xi32>
      %broadcast_in_dim3A_162 = vector.shape_cast %select_n3A_161 : vector<16xi32> to vector<16x1xi32>
      %gather3A_163 = vector.shape_cast %broadcast_in_dim3A_162 : vector<16x1xi32> to vector<16xi32>
      %gather3A_164 = tpu.dynamic_gather %select_n3A_141[%gather3A_163] in [0] : vector<16xi32>, vector<16xi32> -> vector<16xi32>
      %gt3A_165 = arith.cmpf ogt, %gather3A_154, %select_n3A_140 : vector<16xf32>
      %eq3A_166 = arith.cmpf oeq, %gather3A_154, %select_n3A_140 : vector<16xf32>
      %lt3A_167 = arith.cmpi slt, %gather3A_164, %select_n3A_141 : vector<16xi32>
      %and3A_168 = arith.andi %eq3A_166, %lt3A_167 : vector<16xi1>
      %or3A_169 = arith.ori %gt3A_165, %and3A_168 : vector<16xi1>
      %select_n3A_170 = arith.select %or3A_169, %gather3A_154, %select_n3A_140 : vector<16xi1>, vector<16xf32>
      %select_n3A_171 = arith.select %or3A_169, %gather3A_164, %select_n3A_141 : vector<16xi1>, vector<16xi32>
      %xor3A_172 = arith.constant 2 : i32
      %xor3A_173 = vector.broadcast %xor3A_172 : i32 to vector<16xi32>
      %xor3A_174 = arith.xori %iota3A, %xor3A_173 : vector<16xi32>
      %lt3A_175 = arith.constant 0 : i32
      %lt3A_176 = vector.broadcast %lt3A_175 : i32 to vector<16xi32>
      %lt3A_177 = arith.cmpi slt, %xor3A_174, %lt3A_176 : vector<16xi32>
      %add3A_178 = arith.constant 16 : i32
      %add3A_179 = vector.broadcast %add3A_178 : i32 to vector<16xi32>
      %add3A_180 = arith.addi %xor3A_174, %add3A_179 : vector<16xi32>
      %select_n3A_181 = arith.select %lt3A_177, %add3A_180, %xor3A_174 : vector<16xi1>, vector<16xi32>
      %broadcast_in_dim3A_182 = vector.shape_cast %select_n3A_181 : vector<16xi32> to vector<16x1xi32>
      %gather3A_183 = vector.shape_cast %broadcast_in_dim3A_182 : vector<16x1xi32> to vector<16xi32>
      %gather3A_184 = tpu.dynamic_gather %select_n3A_170[%gather3A_183] in [0] : vector<16xf32>, vector<16xi32> -> vector<16xf32>
      %lt3A_185 = arith.constant 0 : i32
      %lt3A_186 = vector.broadcast %lt3A_185 : i32 to vector<16xi32>
      %lt3A_187 = arith.cmpi slt, %xor3A_174, %lt3A_186 : vector<16xi32>
      %add3A_188 = arith.constant 16 : i32
      %add3A_189 = vector.broadcast %add3A_188 : i32 to vector<16xi32>
      %add3A_190 = arith.addi %xor3A_174, %add3A_189 : vector<16xi32>
      %select_n3A_191 = arith.select %lt3A_187, %add3A_190, %xor3A_174 : vector<16xi1>, vector<16xi32>
      %broadcast_in_dim3A_192 = vector.shape_cast %select_n3A_191 : vector<16xi32> to vector<16x1xi32>
      %gather3A_193 = vector.shape_cast %broadcast_in_dim3A_192 : vector<16x1xi32> to vector<16xi32>
      %gather3A_194 = tpu.dynamic_gather %select_n3A_171[%gather3A_193] in [0] : vector<16xi32>, vector<16xi32> -> vector<16xi32>
      %gt3A_195 = arith.cmpf ogt, %gather3A_184, %select_n3A_170 : vector<16xf32>
      %eq3A_196 = arith.cmpf oeq, %gather3A_184, %select_n3A_170 : vector<16xf32>
      %lt3A_197 = arith.cmpi slt, %gather3A_194, %select_n3A_171 : vector<16xi32>
      %and3A_198 = arith.andi %eq3A_196, %lt3A_197 : vector<16xi1>
      %or3A_199 = arith.ori %gt3A_195, %and3A_198 : vector<16xi1>
      %select_n3A_200 = arith.select %or3A_199, %gather3A_184, %select_n3A_170 : vector<16xi1>, vector<16xf32>
      %select_n3A_201 = arith.select %or3A_199, %gather3A_194, %select_n3A_171 : vector<16xi1>, vector<16xi32>
      %xor3A_202 = arith.constant 1 : i32
      %xor3A_203 = vector.broadcast %xor3A_202 : i32 to vector<16xi32>
      %xor3A_204 = arith.xori %iota3A, %xor3A_203 : vector<16xi32>
      %lt3A_205 = arith.constant 0 : i32
      %lt3A_206 = vector.broadcast %lt3A_205 : i32 to vector<16xi32>
      %lt3A_207 = arith.cmpi slt, %xor3A_204, %lt3A_206 : vector<16xi32>
      %add3A_208 = arith.constant 16 : i32
      %add3A_209 = vector.broadcast %add3A_208 : i32 to vector<16xi32>
      %add3A_210 = arith.addi %xor3A_204, %add3A_209 : vector<16xi32>
      %select_n3A_211 = arith.select %lt3A_207, %add3A_210, %xor3A_204 : vector<16xi1>, vector<16xi32>
      %broadcast_in_dim3A_212 = vector.shape_cast %select_n3A_211 : vector<16xi32> to vector<16x1xi32>
      %gather3A_213 = vector.shape_cast %broadcast_in_dim3A_212 : vector<16x1xi32> to vector<16xi32>
      %gather3A_214 = tpu.dynamic_gather %select_n3A_200[%gather3A_213] in [0] : vector<16xf32>, vector<16xi32> -> vector<16xf32>
      %lt3A_215 = arith.constant 0 : i32
      %lt3A_216 = vector.broadcast %lt3A_215 : i32 to vector<16xi32>
      %lt3A_217 = arith.cmpi slt, %xor3A_204, %lt3A_216 : vector<16xi32>
      %add3A_218 = arith.constant 16 : i32
      %add3A_219 = vector.broadcast %add3A_218 : i32 to vector<16xi32>
      %add3A_220 = arith.addi %xor3A_204, %add3A_219 : vector<16xi32>
      %select_n3A_221 = arith.select %lt3A_217, %add3A_220, %xor3A_204 : vector<16xi1>, vector<16xi32>
      %broadcast_in_dim3A_222 = vector.shape_cast %select_n3A_221 : vector<16xi32> to vector<16x1xi32>
      %gather3A_223 = vector.shape_cast %broadcast_in_dim3A_222 : vector<16x1xi32> to vector<16xi32>
      %gather3A_224 = tpu.dynamic_gather %select_n3A_201[%gather3A_223] in [0] : vector<16xi32>, vector<16xi32> -> vector<16xi32>
      %gt3A_225 = arith.cmpf ogt, %gather3A_214, %select_n3A_200 : vector<16xf32>
      %eq3A_226 = arith.cmpf oeq, %gather3A_214, %select_n3A_200 : vector<16xf32>
      %lt3A_227 = arith.cmpi slt, %gather3A_224, %select_n3A_201 : vector<16xi32>
      %and3A_228 = arith.andi %eq3A_226, %lt3A_227 : vector<16xi1>
      %or3A_229 = arith.ori %gt3A_225, %and3A_228 : vector<16xi1>
      %select_n3A_230 = arith.select %or3A_229, %gather3A_214, %select_n3A_200 : vector<16xi1>, vector<16xf32>
      %select_n3A_231 = arith.select %or3A_229, %gather3A_224, %select_n3A_201 : vector<16xi1>, vector<16xi32>
      %jit3A_232 = arith.constant 2 : i32
      %eq3A_233 = arith.constant 0 : i32
      %eq3A_234 = arith.cmpi eq, %jit3A_232, %eq3A_233 : i32
      %jit3A_235 = arith.constant 1 : i32
      %select_n3A_236 = arith.select %eq3A_234, %jit3A_235, %jit3A_232 : i32
      %rem3A_237 = arith.remsi %scan3A_113, %select_n3A_236 : i32
      %ne3A_238 = arith.constant 0 : i32
      %ne3A_239 = arith.cmpi ne, %rem3A_237, %ne3A_238 : i32
      %lt3A_240 = arith.constant 0 : i32
      %lt3A_241 = arith.cmpi slt, %rem3A_237, %lt3A_240 : i32
      %lt3A_242 = arith.constant 0 : i32
      %lt3A_243 = arith.cmpi slt, %select_n3A_236, %lt3A_242 : i32
      %ne3A_244 = arith.xori %lt3A_241, %lt3A_243 : i1
      %and3A_245 = arith.andi %ne3A_244, %ne3A_239 : i1
      %add3A_246 = arith.addi %rem3A_237, %select_n3A_236 : i32
      %select_n3A_247 = arith.select %and3A_245, %add3A_246, %rem3A_237 : i32
      %swap3A = arith.constant 0 : index
      %swap3A_248 = tpu.vector_load %arg18[%swap3A] {strides = array<i32>} : memref<32xf32, #tpu.memory_space<vmem>>, vector<16xf32>,
      tpu.vector_store %arg18[%swap3A], %select_n3A_230 {strides = array<i32>} : memref<32xf32, #tpu.memory_space<vmem>>, vector<16xf32>,
      %bitcast3A = vector.bitcast %select_n3A_231 : vector<16xi32> to vector<16xf32>
      %swap3A_249 = arith.constant 16 : index
      %swap3A_250 = tpu.vector_load %arg18[%swap3A_249] {strides = array<i32>} : memref<32xf32, #tpu.memory_space<vmem>>, vector<16xf32>,
      tpu.vector_store %arg18[%swap3A_249], %bitcast3A {strides = array<i32>} : memref<32xf32, #tpu.memory_space<vmem>>, vector<16xf32>,
      %mul3A_251 = arith.constant 512 : i32
      %mul3A_252 = arith.muli %select_n3A_247, %mul3A_251 : i32
      %mul3A_253 = arith.constant 32 : i32
      %mul3A_254 = arith.muli %arg1, %mul3A_253 : i32
      %add3A_255 = arith.addi %mul3A_252, %mul3A_254 : i32
      %multiple_of3A_256 = tpu.assume_multiple %add3A_255, 8 : i32
      %mul3A_257 = arith.constant 512 : i32
      %mul3A_258 = arith.muli %select_n3A_247, %mul3A_257 : i32
      %mul3A_259 = arith.constant 32 : i32
      %mul3A_260 = arith.muli %mul3A_61, %mul3A_259 : i32
      %add3A_261 = arith.addi %mul3A_258, %mul3A_260 : i32
      %multiple_of3A_262 = tpu.assume_multiple %add3A_261, 8 : i32
      "tpu.region"() ({
        %run_scoped3A = tpu.sem_alloc : memref<!tpu.dma_semaphore, #tpu.memory_space<semaphore_mem>>
        %dma_start3A = tpu.memref_slice %arg26[%multiple_of3A_256] : memref<1024xf32, #tpu.memory_space<vmem_shared>> -> memref<32xf32, #tpu.memory_space<vmem_shared>>
        %dma_start3A_344 = tpu.memref_slice %arg26[%multiple_of3A_256] : memref<1024xf32, #tpu.memory_space<vmem_shared>> -> memref<32xf32, #tpu.memory_space<vmem_shared>>
        tpu.enqueue_dma source(%arg18 : memref<32xf32, #tpu.memory_space<vmem>>) target(%dma_start3A_344 : memref<32xf32, #tpu.memory_space<vmem_shared>>) target_semaphore(%run_scoped3A : memref<!tpu.dma_semaphore, #tpu.memory_space<semaphore_mem>>)
        %dma_wait3A = tpu.memref_slice %arg26[%multiple_of3A_256] : memref<1024xf32, #tpu.memory_space<vmem_shared>> -> memref<32xf32, #tpu.memory_space<vmem_shared>>
        %dma_wait3A_345 = tpu.memref_slice %arg26[%multiple_of3A_256] : memref<1024xf32, #tpu.memory_space<vmem_shared>> -> memref<32xf32, #tpu.memory_space<vmem_shared>>
        tpu.wait_dma2 semaphore(%run_scoped3A : memref<!tpu.dma_semaphore, #tpu.memory_space<semaphore_mem>>) src(%arg18 : memref<32xf32, #tpu.memory_space<vmem>>) dst(%dma_wait3A_345 : memref<32xf32, #tpu.memory_space<vmem_shared>>)
        tpu.yield
      }) : () -> ()
      %barrier3A = arith.constant 0 : index
      tpu.barrier barrier_id(%barrier3A)
      "tpu.region"() ({
        %run_scoped3A = tpu.sem_alloc : memref<!tpu.dma_semaphore, #tpu.memory_space<semaphore_mem>>
        %dma_start3A = tpu.memref_slice %arg26[%multiple_of3A_262] : memref<1024xf32, #tpu.memory_space<vmem_shared>> -> memref<128xf32, #tpu.memory_space<vmem_shared>>
        %dma_start3A_344 = tpu.memref_slice %arg26[%multiple_of3A_262] : memref<1024xf32, #tpu.memory_space<vmem_shared>> -> memref<128xf32, #tpu.memory_space<vmem_shared>>
        tpu.enqueue_dma source(%dma_start3A_344 : memref<128xf32, #tpu.memory_space<vmem_shared>>) target(%arg19 : memref<128xf32, #tpu.memory_space<vmem>>) target_semaphore(%run_scoped3A : memref<!tpu.dma_semaphore, #tpu.memory_space<semaphore_mem>>)
        %dma_wait3A = tpu.memref_slice %arg26[%multiple_of3A_262] : memref<1024xf32, #tpu.memory_space<vmem_shared>> -> memref<128xf32, #tpu.memory_space<vmem_shared>>
        %dma_wait3A_345 = tpu.memref_slice %arg26[%multiple_of3A_262] : memref<1024xf32, #tpu.memory_space<vmem_shared>> -> memref<128xf32, #tpu.memory_space<vmem_shared>>
        tpu.wait_dma2 semaphore(%run_scoped3A : memref<!tpu.dma_semaphore, #tpu.memory_space<semaphore_mem>>) src(%dma_wait3A_345 : memref<128xf32, #tpu.memory_space<vmem_shared>>) dst(%arg19 : memref<128xf32, #tpu.memory_space<vmem>>)
        tpu.yield
      }) : () -> ()
      %get3A = arith.constant 0 : index
      %get3A_263 = tpu.vector_load %arg19[%get3A] {strides = array<i32>} : memref<128xf32, #tpu.memory_space<vmem>>, vector<16xf32>,
      %get3A_264 = arith.constant 16 : index
      %get3A_265 = tpu.vector_load %arg19[%get3A_264] {strides = array<i32>} : memref<128xf32, #tpu.memory_space<vmem>>, vector<16xf32>,
      %bitcast3A_266 = vector.bitcast %get3A_265 : vector<16xf32> to vector<16xi32>
      %get3A_267 = arith.constant 32 : index
      %get3A_268 = tpu.vector_load %arg19[%get3A_267] {strides = array<i32>} : memref<128xf32, #tpu.memory_space<vmem>>, vector<16xf32>,
      %get3A_269 = arith.constant 48 : index
      %get3A_270 = tpu.vector_load %arg19[%get3A_269] {strides = array<i32>} : memref<128xf32, #tpu.memory_space<vmem>>, vector<16xf32>,
      %bitcast3A_271 = vector.bitcast %get3A_270 : vector<16xf32> to vector<16xi32>
      %gt3A_272 = arith.cmpf ogt, %get3A_268, %get3A_263 : vector<16xf32>
      %eq3A_273 = arith.cmpf oeq, %get3A_268, %get3A_263 : vector<16xf32>
      %lt3A_274 = arith.cmpi slt, %bitcast3A_271, %bitcast3A_266 : vector<16xi32>
      %and3A_275 = arith.andi %eq3A_273, %lt3A_274 : vector<16xi1>
      %or3A_276 = arith.ori %gt3A_272, %and3A_275 : vector<16xi1>
      %select_n3A_277 = arith.select %or3A_276, %get3A_268, %get3A_263 : vector<16xi1>, vector<16xf32>
      %select_n3A_278 = arith.select %or3A_276, %bitcast3A_271, %bitcast3A_266 : vector<16xi1>, vector<16xi32>
      %get3A_279 = arith.constant 64 : index
      %get3A_280 = tpu.vector_load %arg19[%get3A_279] {strides = array<i32>} : memref<128xf32, #tpu.memory_space<vmem>>, vector<16xf32>,
      %get3A_281 = arith.constant 80 : index
      %get3A_282 = tpu.vector_load %arg19[%get3A_281] {strides = array<i32>} : memref<128xf32, #tpu.memory_space<vmem>>, vector<16xf32>,
      %bitcast3A_283 = vector.bitcast %get3A_282 : vector<16xf32> to vector<16xi32>
      %gt3A_284 = arith.cmpf ogt, %get3A_280, %select_n3A_277 : vector<16xf32>
      %eq3A_285 = arith.cmpf oeq, %get3A_280, %select_n3A_277 : vector<16xf32>
      %lt3A_286 = arith.cmpi slt, %bitcast3A_283, %select_n3A_278 : vector<16xi32>
      %and3A_287 = arith.andi %eq3A_285, %lt3A_286 : vector<16xi1>
      %or3A_288 = arith.ori %gt3A_284, %and3A_287 : vector<16xi1>
      %select_n3A_289 = arith.select %or3A_288, %get3A_280, %select_n3A_277 : vector<16xi1>, vector<16xf32>
      %select_n3A_290 = arith.select %or3A_288, %bitcast3A_283, %select_n3A_278 : vector<16xi1>, vector<16xi32>
      %get3A_291 = arith.constant 96 : index
      %get3A_292 = tpu.vector_load %arg19[%get3A_291] {strides = array<i32>} : memref<128xf32, #tpu.memory_space<vmem>>, vector<16xf32>,
      %get3A_293 = arith.constant 112 : index
      %get3A_294 = tpu.vector_load %arg19[%get3A_293] {strides = array<i32>} : memref<128xf32, #tpu.memory_space<vmem>>, vector<16xf32>,
      %bitcast3A_295 = vector.bitcast %get3A_294 : vector<16xf32> to vector<16xi32>
      %gt3A_296 = arith.cmpf ogt, %get3A_292, %select_n3A_289 : vector<16xf32>
      %eq3A_297 = arith.cmpf oeq, %get3A_292, %select_n3A_289 : vector<16xf32>
      %lt3A_298 = arith.cmpi slt, %bitcast3A_295, %select_n3A_290 : vector<16xi32>
      %and3A_299 = arith.andi %eq3A_297, %lt3A_298 : vector<16xi1>
      %or3A_300 = arith.ori %gt3A_296, %and3A_299 : vector<16xi1>
      %select_n3A_301 = arith.select %or3A_300, %get3A_292, %select_n3A_289 : vector<16xi1>, vector<16xf32>
      %select_n3A_302 = arith.select %or3A_300, %bitcast3A_295, %select_n3A_290 : vector<16xi1>, vector<16xi32>
      %ne3A_303 = vector.broadcast %scan3A_103 : f32 to vector<16xf32>
      %ne3A_304 = arith.cmpf one, %select_n3A_301, %ne3A_303 : vector<16xf32>
      %jit3A_305 = arith.constant 0 : i32
      %broadcast_in_dim3A_306 = vector.broadcast %jit3A_305 : i32 to vector<16xi32>
      %select_n3A_307 = arith.select %ne3A_304, %select_n3A_302, %broadcast_in_dim3A_306 : vector<16xi1>, vector<16xi32>
      %gather3A_308 = tpu.vector_load_idx %arg11[%select_n3A_307] : memref<2816xf32, #tpu.memory_space<vmem>>[vector<16xi32>], vector<16xf32>,
      %gather3A_309 = tpu.vector_load_idx %arg12[%select_n3A_307] : memref<2816xf32, #tpu.memory_space<vmem>>[vector<16xi32>], vector<16xf32>,
      %gather3A_310 = tpu.vector_load_idx %arg13[%select_n3A_307] : memref<2816xf32, #tpu.memory_space<vmem>>[vector<16xi32>], vector<16xf32>,
      %gather3A_311 = tpu.vector_load_idx %arg14[%select_n3A_307] : memref<2816xf32, #tpu.memory_space<vmem>>[vector<16xi32>], vector<16xf32>,
      %sub3A_312 = arith.subf %gather3A_310, %gather3A_308 : vector<16xf32>
      %sub3A_313 = arith.subf %gather3A_311, %gather3A_309 : vector<16xf32>
      %mul3A_314 = arith.mulf %sub3A_312, %sub3A_313 : vector<16xf32>
      %sub3A_315 = vector.broadcast %mul3A_32 : i32 to vector<16xi32>
      %sub3A_316 = arith.subi %select_n3A_307, %sub3A_315 : vector<16xi32>
      %jit3A_317 = arith.constant 0 : i32
      %jit3A_318 = arith.constant 703 : i32
      %max3A = vector.broadcast %jit3A_317 : i32 to vector<16xi32>
      %max3A_319 = arith.maxsi %max3A, %sub3A_316 : vector<16xi32>
      %min3A = vector.broadcast %jit3A_318 : i32 to vector<16xi32>
      %min3A_320 = arith.minsi %min3A, %max3A_319 : vector<16xi32>
      %ge3A = vector.broadcast %mul3A_32 : i32 to vector<16xi32>
      %ge3A_321 = arith.cmpi sge, %select_n3A_307, %ge3A : vector<16xi32>
      %and3A_322 = arith.andi %ne3A_304, %ge3A_321 : vector<16xi1>
      %add3A_323 = arith.constant 704 : i32
      %add3A_324 = arith.addi %mul3A_32, %add3A_323 : i32
      %lt3A_325 = vector.broadcast %add3A_324 : i32 to vector<16xi32>
      %lt3A_326 = arith.cmpi slt, %select_n3A_307, %lt3A_325 : vector<16xi32>
      %and3A_327 = arith.andi %and3A_322, %lt3A_326 : vector<16xi1>
      %broadcast_in_dim3A_328 = vector.broadcast %scan3A_103 : f32 to vector<16xf32>
      %and3A_329 = arith.andi %eq3A_35, %and3A_327 : vector<16xi1>
      tpu.vector_store_idx %arg16[%min3A_320], %broadcast_in_dim3A_328 masked %and3A_329 : memref<704xf32, #tpu.memory_space<vmem>>[vector<16xi32>], vector<16xf32>, vector<16xi1>
      %broadcast_in_dim3A_330 = vector.broadcast %scan3A_103 : f32 to vector<16xf32>
      %broadcast_in_dim3A_331 = arith.constant 1073741824 : i32
      %broadcast_in_dim3A_332 = vector.broadcast %broadcast_in_dim3A_331 : i32 to vector<16xi32>
      %scan3A_333 = arith.constant 0 : i32
      %scan3A_334 = arith.constant 44 : i32
      %scan3A_335 = arith.addi %scan3A_333, %scan3A_334 : i32
      %scan3A_336 = arith.constant 22 : i32
      %scan3A_337:2 = scf.for %scan3A_344 = %scan3A_333 to %scan3A_335 step %scan3A_336 iter_args(%scan3A_345 = %broadcast_in_dim3A_330, %scan3A_346 = %broadcast_in_dim3A_332) -> (vector<16xf32>, vector<16xi32>)  : i32 {
        %mul3A_347 = arith.constant 16 : i32
        %mul3A_348 = arith.muli %scan3A_344, %mul3A_347 : i32
        %add3A_349 = arith.addi %mul3A_32, %mul3A_348 : i32
        %get3A_350 = arith.index_cast %add3A_349 : i32 to index
        %get3A_351 = tpu.vector_load %arg11[%get3A_350] {strides = array<i32>} : memref<2816xf32, #tpu.memory_space<vmem>>, vector<16xf32>,
        %get3A_352 = arith.index_cast %add3A_349 : i32 to index
        %get3A_353 = tpu.vector_load %arg12[%get3A_352] {strides = array<i32>} : memref<2816xf32, #tpu.memory_space<vmem>>, vector<16xf32>,
        %get3A_354 = arith.index_cast %add3A_349 : i32 to index
        %get3A_355 = tpu.vector_load %arg13[%get3A_354] {strides = array<i32>} : memref<2816xf32, #tpu.memory_space<vmem>>, vector<16xf32>,
        %get3A_356 = arith.index_cast %add3A_349 : i32 to index
        %get3A_357 = tpu.vector_load %arg14[%get3A_356] {strides = array<i32>} : memref<2816xf32, #tpu.memory_space<vmem>>, vector<16xf32>,
        %mul3A_358 = arith.constant 16 : i32
        %mul3A_359 = arith.muli %scan3A_344, %mul3A_358 : i32
        %get3A_360 = arith.index_cast %mul3A_359 : i32 to index
        %get3A_361 = tpu.vector_load %arg16[%get3A_360] {strides = array<i32>} : memref<704xf32, #tpu.memory_space<vmem>>, vector<16xf32>,
        %max3A_362 = arith.maximumf %gather3A_308, %get3A_351 : vector<16xf32>
        %max3A_363 = arith.maximumf %gather3A_309, %get3A_353 : vector<16xf32>
        %min3A_364 = arith.minimumf %gather3A_310, %get3A_355 : vector<16xf32>
        %min3A_365 = arith.minimumf %gather3A_311, %get3A_357 : vector<16xf32>
        %sub3A_366 = arith.subf %min3A_364, %max3A_362 : vector<16xf32>
        %max3A_367 = arith.constant 0.000000e+00 : f32
        %max3A_368 = vector.broadcast %max3A_367 : f32 to vector<16xf32>
        %max3A_369 = arith.maximumf %sub3A_366, %max3A_368 : vector<16xf32>
        %sub3A_370 = arith.subf %min3A_365, %max3A_363 : vector<16xf32>
        %max3A_371 = arith.constant 0.000000e+00 : f32
        %max3A_372 = vector.broadcast %max3A_371 : f32 to vector<16xf32>
        %max3A_373 = arith.maximumf %sub3A_370, %max3A_372 : vector<16xf32>
        %mul3A_374 = arith.mulf %max3A_369, %max3A_373 : vector<16xf32>
        %mul3A_375 = arith.constant 16 : i32
        %mul3A_376 = arith.muli %scan3A_344, %mul3A_375 : i32
        %get3A_377 = arith.index_cast %mul3A_376 : i32 to index
        %get3A_378 = tpu.vector_load %arg17[%get3A_377] {strides = array<i32>} : memref<704xf32, #tpu.memory_space<vmem>>, vector<16xf32>,
        %add3A_379 = arith.addf %mul3A_314, %get3A_378 : vector<16xf32>
        %sub3A_380 = arith.subf %add3A_379, %mul3A_374 : vector<16xf32>
        %div3A_381 = arith.divf %mul3A_374, %sub3A_380 : vector<16xf32>
        %le3A = arith.constant 5.000000e-01 : f32
        %le3A_382 = vector.broadcast %le3A : f32 to vector<16xf32>
        %le3A_383 = arith.cmpf ole, %div3A_381, %le3A_382 : vector<16xf32>
        %broadcast_in_dim3A_384 = vector.broadcast %scan3A_103 : f32 to vector<16xf32>
        %select_n3A_385 = arith.select %le3A_383, %get3A_361, %broadcast_in_dim3A_384 : vector<16xi1>, vector<16xf32>
        %mul3A_386 = arith.constant 16 : i32
        %mul3A_387 = arith.muli %scan3A_344, %mul3A_386 : i32
        %swap3A_388 = arith.index_cast %mul3A_387 : i32 to index
        %swap3A_389 = tpu.vector_load %arg16[%swap3A_388] {strides = array<i32>} : memref<704xf32, #tpu.memory_space<vmem>>, vector<16xf32>,
        tpu.vector_store %arg16[%swap3A_388], %select_n3A_385 {strides = array<i32>} : memref<704xf32, #tpu.memory_space<vmem>>, vector<16xf32>,
        %gt3A_390 = arith.cmpf ogt, %select_n3A_385, %scan3A_345 : vector<16xf32>
        %add3A_391 = vector.broadcast %add3A_349 : i32 to vector<16xi32>
        %add3A_392 = arith.addi %add3A_391, %iota3A : vector<16xi32>
        %select_n3A_393 = arith.select %gt3A_390, %select_n3A_385, %scan3A_345 : vector<16xi1>, vector<16xf32>
        %select_n3A_394 = arith.select %gt3A_390, %add3A_392, %scan3A_346 : vector<16xi1>, vector<16xi32>
        %scan3A_395 = arith.constant 1 : i32
        %scan3A_396 = arith.addi %scan3A_344, %scan3A_395 : i32
        %mul3A_397 = arith.constant 16 : i32
        %mul3A_398 = arith.muli %scan3A_396, %mul3A_397 : i32
        %add3A_399 = arith.addi %mul3A_32, %mul3A_398 : i32
        %get3A_400 = arith.index_cast %add3A_399 : i32 to index
        %get3A_401 = tpu.vector_load %arg11[%get3A_400] {strides = array<i32>} : memref<2816xf32, #tpu.memory_space<vmem>>, vector<16xf32>,
        %get3A_402 = arith.index_cast %add3A_399 : i32 to index
        %get3A_403 = tpu.vector_load %arg12[%get3A_402] {strides = array<i32>} : memref<2816xf32, #tpu.memory_space<vmem>>, vector<16xf32>,
        %get3A_404 = arith.index_cast %add3A_399 : i32 to index
        %get3A_405 = tpu.vector_load %arg13[%get3A_404] {strides = array<i32>} : memref<2816xf32, #tpu.memory_space<vmem>>, vector<16xf32>,
        %get3A_406 = arith.index_cast %add3A_399 : i32 to index
        %get3A_407 = tpu.vector_load %arg14[%get3A_406] {strides = array<i32>} : memref<2816xf32, #tpu.memory_space<vmem>>, vector<16xf32>,
        %mul3A_408 = arith.constant 16 : i32
        %mul3A_409 = arith.muli %scan3A_396, %mul3A_408 : i32
        %get3A_410 = arith.index_cast %mul3A_409 : i32 to index
        %get3A_411 = tpu.vector_load %arg16[%get3A_410] {strides = array<i32>} : memref<704xf32, #tpu.memory_space<vmem>>, vector<16xf32>,
        %max3A_412 = arith.maximumf %gather3A_308, %get3A_401 : vector<16xf32>
        %max3A_413 = arith.maximumf %gather3A_309, %get3A_403 : vector<16xf32>
        %min3A_414 = arith.minimumf %gather3A_310, %get3A_405 : vector<16xf32>
        %min3A_415 = arith.minimumf %gather3A_311, %get3A_407 : vector<16xf32>
        %sub3A_416 = arith.subf %min3A_414, %max3A_412 : vector<16xf32>
        %max3A_417 = arith.constant 0.000000e+00 : f32
        %max3A_418 = vector.broadcast %max3A_417 : f32 to vector<16xf32>
        %max3A_419 = arith.maximumf %sub3A_416, %max3A_418 : vector<16xf32>
        %sub3A_420 = arith.subf %min3A_415, %max3A_413 : vector<16xf32>
        %max3A_421 = arith.constant 0.000000e+00 : f32
        %max3A_422 = vector.broadcast %max3A_421 : f32 to vector<16xf32>
        %max3A_423 = arith.maximumf %sub3A_420, %max3A_422 : vector<16xf32>
        %mul3A_424 = arith.mulf %max3A_419, %max3A_423 : vector<16xf32>
        %mul3A_425 = arith.constant 16 : i32
        %mul3A_426 = arith.muli %scan3A_396, %mul3A_425 : i32
        %get3A_427 = arith.index_cast %mul3A_426 : i32 to index
        %get3A_428 = tpu.vector_load %arg17[%get3A_427] {strides = array<i32>} : memref<704xf32, #tpu.memory_space<vmem>>, vector<16xf32>,
        %add3A_429 = arith.addf %mul3A_314, %get3A_428 : vector<16xf32>
        %sub3A_430 = arith.subf %add3A_429, %mul3A_424 : vector<16xf32>
        %div3A_431 = arith.divf %mul3A_424, %sub3A_430 : vector<16xf32>
        %le3A_432 = arith.constant 5.000000e-01 : f32
        %le3A_433 = vector.broadcast %le3A_432 : f32 to vector<16xf32>
        %le3A_434 = arith.cmpf ole, %div3A_431, %le3A_433 : vector<16xf32>
        %broadcast_in_dim3A_435 = vector.broadcast %scan3A_103 : f32 to vector<16xf32>
        %select_n3A_436 = arith.select %le3A_434, %get3A_411, %broadcast_in_dim3A_435 : vector<16xi1>, vector<16xf32>
        %mul3A_437 = arith.constant 16 : i32
        %mul3A_438 = arith.muli %scan3A_396, %mul3A_437 : i32
        %swap3A_439 = arith.index_cast %mul3A_438 : i32 to index
        %swap3A_440 = tpu.vector_load %arg16[%swap3A_439] {strides = array<i32>} : memref<704xf32, #tpu.memory_space<vmem>>, vector<16xf32>,
        tpu.vector_store %arg16[%swap3A_439], %select_n3A_436 {strides = array<i32>} : memref<704xf32, #tpu.memory_space<vmem>>, vector<16xf32>,
        %gt3A_441 = arith.cmpf ogt, %select_n3A_436, %select_n3A_393 : vector<16xf32>
        %add3A_442 = vector.broadcast %add3A_399 : i32 to vector<16xi32>
        %add3A_443 = arith.addi %add3A_442, %iota3A : vector<16xi32>
        %select_n3A_444 = arith.select %gt3A_441, %select_n3A_436, %select_n3A_393 : vector<16xi1>, vector<16xf32>
        %select_n3A_445 = arith.select %gt3A_441, %add3A_443, %select_n3A_394 : vector<16xi1>, vector<16xi32>
        %scan3A_446 = arith.constant 2 : i32
        %scan3A_447 = arith.addi %scan3A_344, %scan3A_446 : i32
        %mul3A_448 = arith.constant 16 : i32
        %mul3A_449 = arith.muli %scan3A_447, %mul3A_448 : i32
        %add3A_450 = arith.addi %mul3A_32, %mul3A_449 : i32
        %get3A_451 = arith.index_cast %add3A_450 : i32 to index
        %get3A_452 = tpu.vector_load %arg11[%get3A_451] {strides = array<i32>} : memref<2816xf32, #tpu.memory_space<vmem>>, vector<16xf32>,
        %get3A_453 = arith.index_cast %add3A_450 : i32 to index
        %get3A_454 = tpu.vector_load %arg12[%get3A_453] {strides = array<i32>} : memref<2816xf32, #tpu.memory_space<vmem>>, vector<16xf32>,
        %get3A_455 = arith.index_cast %add3A_450 : i32 to index
        %get3A_456 = tpu.vector_load %arg13[%get3A_455] {strides = array<i32>} : memref<2816xf32, #tpu.memory_space<vmem>>, vector<16xf32>,
        %get3A_457 = arith.index_cast %add3A_450 : i32 to index
        %get3A_458 = tpu.vector_load %arg14[%get3A_457] {strides = array<i32>} : memref<2816xf32, #tpu.memory_space<vmem>>, vector<16xf32>,
        %mul3A_459 = arith.constant 16 : i32
        %mul3A_460 = arith.muli %scan3A_447, %mul3A_459 : i32
        %get3A_461 = arith.index_cast %mul3A_460 : i32 to index
        %get3A_462 = tpu.vector_load %arg16[%get3A_461] {strides = array<i32>} : memref<704xf32, #tpu.memory_space<vmem>>, vector<16xf32>,
        %max3A_463 = arith.maximumf %gather3A_308, %get3A_452 : vector<16xf32>
        %max3A_464 = arith.maximumf %gather3A_309, %get3A_454 : vector<16xf32>
        %min3A_465 = arith.minimumf %gather3A_310, %get3A_456 : vector<16xf32>
        %min3A_466 = arith.minimumf %gather3A_311, %get3A_458 : vector<16xf32>
        %sub3A_467 = arith.subf %min3A_465, %max3A_463 : vector<16xf32>
        %max3A_468 = arith.constant 0.000000e+00 : f32
        %max3A_469 = vector.broadcast %max3A_468 : f32 to vector<16xf32>
        %max3A_470 = arith.maximumf %sub3A_467, %max3A_469 : vector<16xf32>
        %sub3A_471 = arith.subf %min3A_466, %max3A_464 : vector<16xf32>
        %max3A_472 = arith.constant 0.000000e+00 : f32
        %max3A_473 = vector.broadcast %max3A_472 : f32 to vector<16xf32>
        %max3A_474 = arith.maximumf %sub3A_471, %max3A_473 : vector<16xf32>
        %mul3A_475 = arith.mulf %max3A_470, %max3A_474 : vector<16xf32>
        %mul3A_476 = arith.constant 16 : i32
        %mul3A_477 = arith.muli %scan3A_447, %mul3A_476 : i32
        %get3A_478 = arith.index_cast %mul3A_477 : i32 to index
        %get3A_479 = tpu.vector_load %arg17[%get3A_478] {strides = array<i32>} : memref<704xf32, #tpu.memory_space<vmem>>, vector<16xf32>,
        %add3A_480 = arith.addf %mul3A_314, %get3A_479 : vector<16xf32>
        %sub3A_481 = arith.subf %add3A_480, %mul3A_475 : vector<16xf32>
        %div3A_482 = arith.divf %mul3A_475, %sub3A_481 : vector<16xf32>
        %le3A_483 = arith.constant 5.000000e-01 : f32
        %le3A_484 = vector.broadcast %le3A_483 : f32 to vector<16xf32>
        %le3A_485 = arith.cmpf ole, %div3A_482, %le3A_484 : vector<16xf32>
        %broadcast_in_dim3A_486 = vector.broadcast %scan3A_103 : f32 to vector<16xf32>
        %select_n3A_487 = arith.select %le3A_485, %get3A_462, %broadcast_in_dim3A_486 : vector<16xi1>, vector<16xf32>
        %mul3A_488 = arith.constant 16 : i32
        %mul3A_489 = arith.muli %scan3A_447, %mul3A_488 : i32
        %swap3A_490 = arith.index_cast %mul3A_489 : i32 to index
        %swap3A_491 = tpu.vector_load %arg16[%swap3A_490] {strides = array<i32>} : memref<704xf32, #tpu.memory_space<vmem>>, vector<16xf32>,
        tpu.vector_store %arg16[%swap3A_490], %select_n3A_487 {strides = array<i32>} : memref<704xf32, #tpu.memory_space<vmem>>, vector<16xf32>,
        %gt3A_492 = arith.cmpf ogt, %select_n3A_487, %select_n3A_444 : vector<16xf32>
        %add3A_493 = vector.broadcast %add3A_450 : i32 to vector<16xi32>
        %add3A_494 = arith.addi %add3A_493, %iota3A : vector<16xi32>
        %select_n3A_495 = arith.select %gt3A_492, %select_n3A_487, %select_n3A_444 : vector<16xi1>, vector<16xf32>
        %select_n3A_496 = arith.select %gt3A_492, %add3A_494, %select_n3A_445 : vector<16xi1>, vector<16xi32>
        %scan3A_497 = arith.constant 3 : i32
        %scan3A_498 = arith.addi %scan3A_344, %scan3A_497 : i32
        %mul3A_499 = arith.constant 16 : i32
        %mul3A_500 = arith.muli %scan3A_498, %mul3A_499 : i32
        %add3A_501 = arith.addi %mul3A_32, %mul3A_500 : i32
        %get3A_502 = arith.index_cast %add3A_501 : i32 to index
        %get3A_503 = tpu.vector_load %arg11[%get3A_502] {strides = array<i32>} : memref<2816xf32, #tpu.memory_space<vmem>>, vector<16xf32>,
        %get3A_504 = arith.index_cast %add3A_501 : i32 to index
        %get3A_505 = tpu.vector_load %arg12[%get3A_504] {strides = array<i32>} : memref<2816xf32, #tpu.memory_space<vmem>>, vector<16xf32>,
        %get3A_506 = arith.index_cast %add3A_501 : i32 to index
        %get3A_507 = tpu.vector_load %arg13[%get3A_506] {strides = array<i32>} : memref<2816xf32, #tpu.memory_space<vmem>>, vector<16xf32>,
        %get3A_508 = arith.index_cast %add3A_501 : i32 to index
        %get3A_509 = tpu.vector_load %arg14[%get3A_508] {strides = array<i32>} : memref<2816xf32, #tpu.memory_space<vmem>>, vector<16xf32>,
        %mul3A_510 = arith.constant 16 : i32
        %mul3A_511 = arith.muli %scan3A_498, %mul3A_510 : i32
        %get3A_512 = arith.index_cast %mul3A_511 : i32 to index
        %get3A_513 = tpu.vector_load %arg16[%get3A_512] {strides = array<i32>} : memref<704xf32, #tpu.memory_space<vmem>>, vector<16xf32>,
        %max3A_514 = arith.maximumf %gather3A_308, %get3A_503 : vector<16xf32>
        %max3A_515 = arith.maximumf %gather3A_309, %get3A_505 : vector<16xf32>
        %min3A_516 = arith.minimumf %gather3A_310, %get3A_507 : vector<16xf32>
        %min3A_517 = arith.minimumf %gather3A_311, %get3A_509 : vector<16xf32>
        %sub3A_518 = arith.subf %min3A_516, %max3A_514 : vector<16xf32>
        %max3A_519 = arith.constant 0.000000e+00 : f32
        %max3A_520 = vector.broadcast %max3A_519 : f32 to vector<16xf32>
        %max3A_521 = arith.maximumf %sub3A_518, %max3A_520 : vector<16xf32>
        %sub3A_522 = arith.subf %min3A_517, %max3A_515 : vector<16xf32>
        %max3A_523 = arith.constant 0.000000e+00 : f32
        %max3A_524 = vector.broadcast %max3A_523 : f32 to vector<16xf32>
        %max3A_525 = arith.maximumf %sub3A_522, %max3A_524 : vector<16xf32>
        %mul3A_526 = arith.mulf %max3A_521, %max3A_525 : vector<16xf32>
        %mul3A_527 = arith.constant 16 : i32
        %mul3A_528 = arith.muli %scan3A_498, %mul3A_527 : i32
        %get3A_529 = arith.index_cast %mul3A_528 : i32 to index
        %get3A_530 = tpu.vector_load %arg17[%get3A_529] {strides = array<i32>} : memref<704xf32, #tpu.memory_space<vmem>>, vector<16xf32>,
        %add3A_531 = arith.addf %mul3A_314, %get3A_530 : vector<16xf32>
        %sub3A_532 = arith.subf %add3A_531, %mul3A_526 : vector<16xf32>
        %div3A_533 = arith.divf %mul3A_526, %sub3A_532 : vector<16xf32>
        %le3A_534 = arith.constant 5.000000e-01 : f32
        %le3A_535 = vector.broadcast %le3A_534 : f32 to vector<16xf32>
        %le3A_536 = arith.cmpf ole, %div3A_533, %le3A_535 : vector<16xf32>
        %broadcast_in_dim3A_537 = vector.broadcast %scan3A_103 : f32 to vector<16xf32>
        %select_n3A_538 = arith.select %le3A_536, %get3A_513, %broadcast_in_dim3A_537 : vector<16xi1>, vector<16xf32>
        %mul3A_539 = arith.constant 16 : i32
        %mul3A_540 = arith.muli %scan3A_498, %mul3A_539 : i32
        %swap3A_541 = arith.index_cast %mul3A_540 : i32 to index
        %swap3A_542 = tpu.vector_load %arg16[%swap3A_541] {strides = array<i32>} : memref<704xf32, #tpu.memory_space<vmem>>, vector<16xf32>,
        tpu.vector_store %arg16[%swap3A_541], %select_n3A_538 {strides = array<i32>} : memref<704xf32, #tpu.memory_space<vmem>>, vector<16xf32>,
        %gt3A_543 = arith.cmpf ogt, %select_n3A_538, %select_n3A_495 : vector<16xf32>
        %add3A_544 = vector.broadcast %add3A_501 : i32 to vector<16xi32>
        %add3A_545 = arith.addi %add3A_544, %iota3A : vector<16xi32>
        %select_n3A_546 = arith.select %gt3A_543, %select_n3A_538, %select_n3A_495 : vector<16xi1>, vector<16xf32>
        %select_n3A_547 = arith.select %gt3A_543, %add3A_545, %select_n3A_496 : vector<16xi1>, vector<16xi32>
        %scan3A_548 = arith.constant 4 : i32
        %scan3A_549 = arith.addi %scan3A_344, %scan3A_548 : i32
        %mul3A_550 = arith.constant 16 : i32
        %mul3A_551 = arith.muli %scan3A_549, %mul3A_550 : i32
        %add3A_552 = arith.addi %mul3A_32, %mul3A_551 : i32
        %get3A_553 = arith.index_cast %add3A_552 : i32 to index
        %get3A_554 = tpu.vector_load %arg11[%get3A_553] {strides = array<i32>} : memref<2816xf32, #tpu.memory_space<vmem>>, vector<16xf32>,
        %get3A_555 = arith.index_cast %add3A_552 : i32 to index
        %get3A_556 = tpu.vector_load %arg12[%get3A_555] {strides = array<i32>} : memref<2816xf32, #tpu.memory_space<vmem>>, vector<16xf32>,
        %get3A_557 = arith.index_cast %add3A_552 : i32 to index
        %get3A_558 = tpu.vector_load %arg13[%get3A_557] {strides = array<i32>} : memref<2816xf32, #tpu.memory_space<vmem>>, vector<16xf32>,
        %get3A_559 = arith.index_cast %add3A_552 : i32 to index
        %get3A_560 = tpu.vector_load %arg14[%get3A_559] {strides = array<i32>} : memref<2816xf32, #tpu.memory_space<vmem>>, vector<16xf32>,
        %mul3A_561 = arith.constant 16 : i32
        %mul3A_562 = arith.muli %scan3A_549, %mul3A_561 : i32
        %get3A_563 = arith.index_cast %mul3A_562 : i32 to index
        %get3A_564 = tpu.vector_load %arg16[%get3A_563] {strides = array<i32>} : memref<704xf32, #tpu.memory_space<vmem>>, vector<16xf32>,
        %max3A_565 = arith.maximumf %gather3A_308, %get3A_554 : vector<16xf32>
        %max3A_566 = arith.maximumf %gather3A_309, %get3A_556 : vector<16xf32>
        %min3A_567 = arith.minimumf %gather3A_310, %get3A_558 : vector<16xf32>
        %min3A_568 = arith.minimumf %gather3A_311, %get3A_560 : vector<16xf32>
        %sub3A_569 = arith.subf %min3A_567, %max3A_565 : vector<16xf32>
        %max3A_570 = arith.constant 0.000000e+00 : f32
        %max3A_571 = vector.broadcast %max3A_570 : f32 to vector<16xf32>
        %max3A_572 = arith.maximumf %sub3A_569, %max3A_571 : vector<16xf32>
        %sub3A_573 = arith.subf %min3A_568, %max3A_566 : vector<16xf32>
        %max3A_574 = arith.constant 0.000000e+00 : f32
        %max3A_575 = vector.broadcast %max3A_574 : f32 to vector<16xf32>
        %max3A_576 = arith.maximumf %sub3A_573, %max3A_575 : vector<16xf32>
        %mul3A_577 = arith.mulf %max3A_572, %max3A_576 : vector<16xf32>
        %mul3A_578 = arith.constant 16 : i32
        %mul3A_579 = arith.muli %scan3A_549, %mul3A_578 : i32
        %get3A_580 = arith.index_cast %mul3A_579 : i32 to index
        %get3A_581 = tpu.vector_load %arg17[%get3A_580] {strides = array<i32>} : memref<704xf32, #tpu.memory_space<vmem>>, vector<16xf32>,
        %add3A_582 = arith.addf %mul3A_314, %get3A_581 : vector<16xf32>
        %sub3A_583 = arith.subf %add3A_582, %mul3A_577 : vector<16xf32>
        %div3A_584 = arith.divf %mul3A_577, %sub3A_583 : vector<16xf32>
        %le3A_585 = arith.constant 5.000000e-01 : f32
        %le3A_586 = vector.broadcast %le3A_585 : f32 to vector<16xf32>
        %le3A_587 = arith.cmpf ole, %div3A_584, %le3A_586 : vector<16xf32>
        %broadcast_in_dim3A_588 = vector.broadcast %scan3A_103 : f32 to vector<16xf32>
        %select_n3A_589 = arith.select %le3A_587, %get3A_564, %broadcast_in_dim3A_588 : vector<16xi1>, vector<16xf32>
        %mul3A_590 = arith.constant 16 : i32
        %mul3A_591 = arith.muli %scan3A_549, %mul3A_590 : i32
        %swap3A_592 = arith.index_cast %mul3A_591 : i32 to index
        %swap3A_593 = tpu.vector_load %arg16[%swap3A_592] {strides = array<i32>} : memref<704xf32, #tpu.memory_space<vmem>>, vector<16xf32>,
        tpu.vector_store %arg16[%swap3A_592], %select_n3A_589 {strides = array<i32>} : memref<704xf32, #tpu.memory_space<vmem>>, vector<16xf32>,
        %gt3A_594 = arith.cmpf ogt, %select_n3A_589, %select_n3A_546 : vector<16xf32>
        %add3A_595 = vector.broadcast %add3A_552 : i32 to vector<16xi32>
        %add3A_596 = arith.addi %add3A_595, %iota3A : vector<16xi32>
        %select_n3A_597 = arith.select %gt3A_594, %select_n3A_589, %select_n3A_546 : vector<16xi1>, vector<16xf32>
        %select_n3A_598 = arith.select %gt3A_594, %add3A_596, %select_n3A_547 : vector<16xi1>, vector<16xi32>
        %scan3A_599 = arith.constant 5 : i32
        %scan3A_600 = arith.addi %scan3A_344, %scan3A_599 : i32
        %mul3A_601 = arith.constant 16 : i32
        %mul3A_602 = arith.muli %scan3A_600, %mul3A_601 : i32
        %add3A_603 = arith.addi %mul3A_32, %mul3A_602 : i32
        %get3A_604 = arith.index_cast %add3A_603 : i32 to index
        %get3A_605 = tpu.vector_load %arg11[%get3A_604] {strides = array<i32>} : memref<2816xf32, #tpu.memory_space<vmem>>, vector<16xf32>,
        %get3A_606 = arith.index_cast %add3A_603 : i32 to index
        %get3A_607 = tpu.vector_load %arg12[%get3A_606] {strides = array<i32>} : memref<2816xf32, #tpu.memory_space<vmem>>, vector<16xf32>,
        %get3A_608 = arith.index_cast %add3A_603 : i32 to index
        %get3A_609 = tpu.vector_load %arg13[%get3A_608] {strides = array<i32>} : memref<2816xf32, #tpu.memory_space<vmem>>, vector<16xf32>,
        %get3A_610 = arith.index_cast %add3A_603 : i32 to index
        %get3A_611 = tpu.vector_load %arg14[%get3A_610] {strides = array<i32>} : memref<2816xf32, #tpu.memory_space<vmem>>, vector<16xf32>,
        %mul3A_612 = arith.constant 16 : i32
        %mul3A_613 = arith.muli %scan3A_600, %mul3A_612 : i32
        %get3A_614 = arith.index_cast %mul3A_613 : i32 to index
        %get3A_615 = tpu.vector_load %arg16[%get3A_614] {strides = array<i32>} : memref<704xf32, #tpu.memory_space<vmem>>, vector<16xf32>,
        %max3A_616 = arith.maximumf %gather3A_308, %get3A_605 : vector<16xf32>
        %max3A_617 = arith.maximumf %gather3A_309, %get3A_607 : vector<16xf32>
        %min3A_618 = arith.minimumf %gather3A_310, %get3A_609 : vector<16xf32>
        %min3A_619 = arith.minimumf %gather3A_311, %get3A_611 : vector<16xf32>
        %sub3A_620 = arith.subf %min3A_618, %max3A_616 : vector<16xf32>
        %max3A_621 = arith.constant 0.000000e+00 : f32
        %max3A_622 = vector.broadcast %max3A_621 : f32 to vector<16xf32>
        %max3A_623 = arith.maximumf %sub3A_620, %max3A_622 : vector<16xf32>
        %sub3A_624 = arith.subf %min3A_619, %max3A_617 : vector<16xf32>
        %max3A_625 = arith.constant 0.000000e+00 : f32
        %max3A_626 = vector.broadcast %max3A_625 : f32 to vector<16xf32>
        %max3A_627 = arith.maximumf %sub3A_624, %max3A_626 : vector<16xf32>
        %mul3A_628 = arith.mulf %max3A_623, %max3A_627 : vector<16xf32>
        %mul3A_629 = arith.constant 16 : i32
        %mul3A_630 = arith.muli %scan3A_600, %mul3A_629 : i32
        %get3A_631 = arith.index_cast %mul3A_630 : i32 to index
        %get3A_632 = tpu.vector_load %arg17[%get3A_631] {strides = array<i32>} : memref<704xf32, #tpu.memory_space<vmem>>, vector<16xf32>,
        %add3A_633 = arith.addf %mul3A_314, %get3A_632 : vector<16xf32>
        %sub3A_634 = arith.subf %add3A_633, %mul3A_628 : vector<16xf32>
        %div3A_635 = arith.divf %mul3A_628, %sub3A_634 : vector<16xf32>
        %le3A_636 = arith.constant 5.000000e-01 : f32
        %le3A_637 = vector.broadcast %le3A_636 : f32 to vector<16xf32>
        %le3A_638 = arith.cmpf ole, %div3A_635, %le3A_637 : vector<16xf32>
        %broadcast_in_dim3A_639 = vector.broadcast %scan3A_103 : f32 to vector<16xf32>
        %select_n3A_640 = arith.select %le3A_638, %get3A_615, %broadcast_in_dim3A_639 : vector<16xi1>, vector<16xf32>
        %mul3A_641 = arith.constant 16 : i32
        %mul3A_642 = arith.muli %scan3A_600, %mul3A_641 : i32
        %swap3A_643 = arith.index_cast %mul3A_642 : i32 to index
        %swap3A_644 = tpu.vector_load %arg16[%swap3A_643] {strides = array<i32>} : memref<704xf32, #tpu.memory_space<vmem>>, vector<16xf32>,
        tpu.vector_store %arg16[%swap3A_643], %select_n3A_640 {strides = array<i32>} : memref<704xf32, #tpu.memory_space<vmem>>, vector<16xf32>,
        %gt3A_645 = arith.cmpf ogt, %select_n3A_640, %select_n3A_597 : vector<16xf32>
        %add3A_646 = vector.broadcast %add3A_603 : i32 to vector<16xi32>
        %add3A_647 = arith.addi %add3A_646, %iota3A : vector<16xi32>
        %select_n3A_648 = arith.select %gt3A_645, %select_n3A_640, %select_n3A_597 : vector<16xi1>, vector<16xf32>
        %select_n3A_649 = arith.select %gt3A_645, %add3A_647, %select_n3A_598 : vector<16xi1>, vector<16xi32>
        %scan3A_650 = arith.constant 6 : i32
        %scan3A_651 = arith.addi %scan3A_344, %scan3A_650 : i32
        %mul3A_652 = arith.constant 16 : i32
        %mul3A_653 = arith.muli %scan3A_651, %mul3A_652 : i32
        %add3A_654 = arith.addi %mul3A_32, %mul3A_653 : i32
        %get3A_655 = arith.index_cast %add3A_654 : i32 to index
        %get3A_656 = tpu.vector_load %arg11[%get3A_655] {strides = array<i32>} : memref<2816xf32, #tpu.memory_space<vmem>>, vector<16xf32>,
        %get3A_657 = arith.index_cast %add3A_654 : i32 to index
        %get3A_658 = tpu.vector_load %arg12[%get3A_657] {strides = array<i32>} : memref<2816xf32, #tpu.memory_space<vmem>>, vector<16xf32>,
        %get3A_659 = arith.index_cast %add3A_654 : i32 to index
        %get3A_660 = tpu.vector_load %arg13[%get3A_659] {strides = array<i32>} : memref<2816xf32, #tpu.memory_space<vmem>>, vector<16xf32>,
        %get3A_661 = arith.index_cast %add3A_654 : i32 to index
        %get3A_662 = tpu.vector_load %arg14[%get3A_661] {strides = array<i32>} : memref<2816xf32, #tpu.memory_space<vmem>>, vector<16xf32>,
        %mul3A_663 = arith.constant 16 : i32
        %mul3A_664 = arith.muli %scan3A_651, %mul3A_663 : i32
        %get3A_665 = arith.index_cast %mul3A_664 : i32 to index
        %get3A_666 = tpu.vector_load %arg16[%get3A_665] {strides = array<i32>} : memref<704xf32, #tpu.memory_space<vmem>>, vector<16xf32>,
        %max3A_667 = arith.maximumf %gather3A_308, %get3A_656 : vector<16xf32>
        %max3A_668 = arith.maximumf %gather3A_309, %get3A_658 : vector<16xf32>
        %min3A_669 = arith.minimumf %gather3A_310, %get3A_660 : vector<16xf32>
        %min3A_670 = arith.minimumf %gather3A_311, %get3A_662 : vector<16xf32>
        %sub3A_671 = arith.subf %min3A_669, %max3A_667 : vector<16xf32>
        %max3A_672 = arith.constant 0.000000e+00 : f32
        %max3A_673 = vector.broadcast %max3A_672 : f32 to vector<16xf32>
        %max3A_674 = arith.maximumf %sub3A_671, %max3A_673 : vector<16xf32>
        %sub3A_675 = arith.subf %min3A_670, %max3A_668 : vector<16xf32>
        %max3A_676 = arith.constant 0.000000e+00 : f32
        %max3A_677 = vector.broadcast %max3A_676 : f32 to vector<16xf32>
        %max3A_678 = arith.maximumf %sub3A_675, %max3A_677 : vector<16xf32>
        %mul3A_679 = arith.mulf %max3A_674, %max3A_678 : vector<16xf32>
        %mul3A_680 = arith.constant 16 : i32
        %mul3A_681 = arith.muli %scan3A_651, %mul3A_680 : i32
        %get3A_682 = arith.index_cast %mul3A_681 : i32 to index
        %get3A_683 = tpu.vector_load %arg17[%get3A_682] {strides = array<i32>} : memref<704xf32, #tpu.memory_space<vmem>>, vector<16xf32>,
        %add3A_684 = arith.addf %mul3A_314, %get3A_683 : vector<16xf32>
        %sub3A_685 = arith.subf %add3A_684, %mul3A_679 : vector<16xf32>
        %div3A_686 = arith.divf %mul3A_679, %sub3A_685 : vector<16xf32>
        %le3A_687 = arith.constant 5.000000e-01 : f32
        %le3A_688 = vector.broadcast %le3A_687 : f32 to vector<16xf32>
        %le3A_689 = arith.cmpf ole, %div3A_686, %le3A_688 : vector<16xf32>
        %broadcast_in_dim3A_690 = vector.broadcast %scan3A_103 : f32 to vector<16xf32>
        %select_n3A_691 = arith.select %le3A_689, %get3A_666, %broadcast_in_dim3A_690 : vector<16xi1>, vector<16xf32>
        %mul3A_692 = arith.constant 16 : i32
        %mul3A_693 = arith.muli %scan3A_651, %mul3A_692 : i32
        %swap3A_694 = arith.index_cast %mul3A_693 : i32 to index
        %swap3A_695 = tpu.vector_load %arg16[%swap3A_694] {strides = array<i32>} : memref<704xf32, #tpu.memory_space<vmem>>, vector<16xf32>,
        tpu.vector_store %arg16[%swap3A_694], %select_n3A_691 {strides = array<i32>} : memref<704xf32, #tpu.memory_space<vmem>>, vector<16xf32>,
        %gt3A_696 = arith.cmpf ogt, %select_n3A_691, %select_n3A_648 : vector<16xf32>
        %add3A_697 = vector.broadcast %add3A_654 : i32 to vector<16xi32>
        %add3A_698 = arith.addi %add3A_697, %iota3A : vector<16xi32>
        %select_n3A_699 = arith.select %gt3A_696, %select_n3A_691, %select_n3A_648 : vector<16xi1>, vector<16xf32>
        %select_n3A_700 = arith.select %gt3A_696, %add3A_698, %select_n3A_649 : vector<16xi1>, vector<16xi32>
        %scan3A_701 = arith.constant 7 : i32
        %scan3A_702 = arith.addi %scan3A_344, %scan3A_701 : i32
        %mul3A_703 = arith.constant 16 : i32
        %mul3A_704 = arith.muli %scan3A_702, %mul3A_703 : i32
        %add3A_705 = arith.addi %mul3A_32, %mul3A_704 : i32
        %get3A_706 = arith.index_cast %add3A_705 : i32 to index
        %get3A_707 = tpu.vector_load %arg11[%get3A_706] {strides = array<i32>} : memref<2816xf32, #tpu.memory_space<vmem>>, vector<16xf32>,
        %get3A_708 = arith.index_cast %add3A_705 : i32 to index
        %get3A_709 = tpu.vector_load %arg12[%get3A_708] {strides = array<i32>} : memref<2816xf32, #tpu.memory_space<vmem>>, vector<16xf32>,
        %get3A_710 = arith.index_cast %add3A_705 : i32 to index
        %get3A_711 = tpu.vector_load %arg13[%get3A_710] {strides = array<i32>} : memref<2816xf32, #tpu.memory_space<vmem>>, vector<16xf32>,
        %get3A_712 = arith.index_cast %add3A_705 : i32 to index
        %get3A_713 = tpu.vector_load %arg14[%get3A_712] {strides = array<i32>} : memref<2816xf32, #tpu.memory_space<vmem>>, vector<16xf32>,
        %mul3A_714 = arith.constant 16 : i32
        %mul3A_715 = arith.muli %scan3A_702, %mul3A_714 : i32
        %get3A_716 = arith.index_cast %mul3A_715 : i32 to index
        %get3A_717 = tpu.vector_load %arg16[%get3A_716] {strides = array<i32>} : memref<704xf32, #tpu.memory_space<vmem>>, vector<16xf32>,
        %max3A_718 = arith.maximumf %gather3A_308, %get3A_707 : vector<16xf32>
        %max3A_719 = arith.maximumf %gather3A_309, %get3A_709 : vector<16xf32>
        %min3A_720 = arith.minimumf %gather3A_310, %get3A_711 : vector<16xf32>
        %min3A_721 = arith.minimumf %gather3A_311, %get3A_713 : vector<16xf32>
        %sub3A_722 = arith.subf %min3A_720, %max3A_718 : vector<16xf32>
        %max3A_723 = arith.constant 0.000000e+00 : f32
        %max3A_724 = vector.broadcast %max3A_723 : f32 to vector<16xf32>
        %max3A_725 = arith.maximumf %sub3A_722, %max3A_724 : vector<16xf32>
        %sub3A_726 = arith.subf %min3A_721, %max3A_719 : vector<16xf32>
        %max3A_727 = arith.constant 0.000000e+00 : f32
        %max3A_728 = vector.broadcast %max3A_727 : f32 to vector<16xf32>
        %max3A_729 = arith.maximumf %sub3A_726, %max3A_728 : vector<16xf32>
        %mul3A_730 = arith.mulf %max3A_725, %max3A_729 : vector<16xf32>
        %mul3A_731 = arith.constant 16 : i32
        %mul3A_732 = arith.muli %scan3A_702, %mul3A_731 : i32
        %get3A_733 = arith.index_cast %mul3A_732 : i32 to index
        %get3A_734 = tpu.vector_load %arg17[%get3A_733] {strides = array<i32>} : memref<704xf32, #tpu.memory_space<vmem>>, vector<16xf32>,
        %add3A_735 = arith.addf %mul3A_314, %get3A_734 : vector<16xf32>
        %sub3A_736 = arith.subf %add3A_735, %mul3A_730 : vector<16xf32>
        %div3A_737 = arith.divf %mul3A_730, %sub3A_736 : vector<16xf32>
        %le3A_738 = arith.constant 5.000000e-01 : f32
        %le3A_739 = vector.broadcast %le3A_738 : f32 to vector<16xf32>
        %le3A_740 = arith.cmpf ole, %div3A_737, %le3A_739 : vector<16xf32>
        %broadcast_in_dim3A_741 = vector.broadcast %scan3A_103 : f32 to vector<16xf32>
        %select_n3A_742 = arith.select %le3A_740, %get3A_717, %broadcast_in_dim3A_741 : vector<16xi1>, vector<16xf32>
        %mul3A_743 = arith.constant 16 : i32
        %mul3A_744 = arith.muli %scan3A_702, %mul3A_743 : i32
        %swap3A_745 = arith.index_cast %mul3A_744 : i32 to index
        %swap3A_746 = tpu.vector_load %arg16[%swap3A_745] {strides = array<i32>} : memref<704xf32, #tpu.memory_space<vmem>>, vector<16xf32>,
        tpu.vector_store %arg16[%swap3A_745], %select_n3A_742 {strides = array<i32>} : memref<704xf32, #tpu.memory_space<vmem>>, vector<16xf32>,
        %gt3A_747 = arith.cmpf ogt, %select_n3A_742, %select_n3A_699 : vector<16xf32>
        %add3A_748 = vector.broadcast %add3A_705 : i32 to vector<16xi32>
        %add3A_749 = arith.addi %add3A_748, %iota3A : vector<16xi32>
        %select_n3A_750 = arith.select %gt3A_747, %select_n3A_742, %select_n3A_699 : vector<16xi1>, vector<16xf32>
        %select_n3A_751 = arith.select %gt3A_747, %add3A_749, %select_n3A_700 : vector<16xi1>, vector<16xi32>
        %scan3A_752 = arith.constant 8 : i32
        %scan3A_753 = arith.addi %scan3A_344, %scan3A_752 : i32
        %mul3A_754 = arith.constant 16 : i32
        %mul3A_755 = arith.muli %scan3A_753, %mul3A_754 : i32
        %add3A_756 = arith.addi %mul3A_32, %mul3A_755 : i32
        %get3A_757 = arith.index_cast %add3A_756 : i32 to index
        %get3A_758 = tpu.vector_load %arg11[%get3A_757] {strides = array<i32>} : memref<2816xf32, #tpu.memory_space<vmem>>, vector<16xf32>,
        %get3A_759 = arith.index_cast %add3A_756 : i32 to index
        %get3A_760 = tpu.vector_load %arg12[%get3A_759] {strides = array<i32>} : memref<2816xf32, #tpu.memory_space<vmem>>, vector<16xf32>,
        %get3A_761 = arith.index_cast %add3A_756 : i32 to index
        %get3A_762 = tpu.vector_load %arg13[%get3A_761] {strides = array<i32>} : memref<2816xf32, #tpu.memory_space<vmem>>, vector<16xf32>,
        %get3A_763 = arith.index_cast %add3A_756 : i32 to index
        %get3A_764 = tpu.vector_load %arg14[%get3A_763] {strides = array<i32>} : memref<2816xf32, #tpu.memory_space<vmem>>, vector<16xf32>,
        %mul3A_765 = arith.constant 16 : i32
        %mul3A_766 = arith.muli %scan3A_753, %mul3A_765 : i32
        %get3A_767 = arith.index_cast %mul3A_766 : i32 to index
        %get3A_768 = tpu.vector_load %arg16[%get3A_767] {strides = array<i32>} : memref<704xf32, #tpu.memory_space<vmem>>, vector<16xf32>,
        %max3A_769 = arith.maximumf %gather3A_308, %get3A_758 : vector<16xf32>
        %max3A_770 = arith.maximumf %gather3A_309, %get3A_760 : vector<16xf32>
        %min3A_771 = arith.minimumf %gather3A_310, %get3A_762 : vector<16xf32>
        %min3A_772 = arith.minimumf %gather3A_311, %get3A_764 : vector<16xf32>
        %sub3A_773 = arith.subf %min3A_771, %max3A_769 : vector<16xf32>
        %max3A_774 = arith.constant 0.000000e+00 : f32
        %max3A_775 = vector.broadcast %max3A_774 : f32 to vector<16xf32>
        %max3A_776 = arith.maximumf %sub3A_773, %max3A_775 : vector<16xf32>
        %sub3A_777 = arith.subf %min3A_772, %max3A_770 : vector<16xf32>
        %max3A_778 = arith.constant 0.000000e+00 : f32
        %max3A_779 = vector.broadcast %max3A_778 : f32 to vector<16xf32>
        %max3A_780 = arith.maximumf %sub3A_777, %max3A_779 : vector<16xf32>
        %mul3A_781 = arith.mulf %max3A_776, %max3A_780 : vector<16xf32>
        %mul3A_782 = arith.constant 16 : i32
        %mul3A_783 = arith.muli %scan3A_753, %mul3A_782 : i32
        %get3A_784 = arith.index_cast %mul3A_783 : i32 to index
        %get3A_785 = tpu.vector_load %arg17[%get3A_784] {strides = array<i32>} : memref<704xf32, #tpu.memory_space<vmem>>, vector<16xf32>,
        %add3A_786 = arith.addf %mul3A_314, %get3A_785 : vector<16xf32>
        %sub3A_787 = arith.subf %add3A_786, %mul3A_781 : vector<16xf32>
        %div3A_788 = arith.divf %mul3A_781, %sub3A_787 : vector<16xf32>
        %le3A_789 = arith.constant 5.000000e-01 : f32
        %le3A_790 = vector.broadcast %le3A_789 : f32 to vector<16xf32>
        %le3A_791 = arith.cmpf ole, %div3A_788, %le3A_790 : vector<16xf32>
        %broadcast_in_dim3A_792 = vector.broadcast %scan3A_103 : f32 to vector<16xf32>
        %select_n3A_793 = arith.select %le3A_791, %get3A_768, %broadcast_in_dim3A_792 : vector<16xi1>, vector<16xf32>
        %mul3A_794 = arith.constant 16 : i32
        %mul3A_795 = arith.muli %scan3A_753, %mul3A_794 : i32
        %swap3A_796 = arith.index_cast %mul3A_795 : i32 to index
        %swap3A_797 = tpu.vector_load %arg16[%swap3A_796] {strides = array<i32>} : memref<704xf32, #tpu.memory_space<vmem>>, vector<16xf32>,
        tpu.vector_store %arg16[%swap3A_796], %select_n3A_793 {strides = array<i32>} : memref<704xf32, #tpu.memory_space<vmem>>, vector<16xf32>,
        %gt3A_798 = arith.cmpf ogt, %select_n3A_793, %select_n3A_750 : vector<16xf32>
        %add3A_799 = vector.broadcast %add3A_756 : i32 to vector<16xi32>
        %add3A_800 = arith.addi %add3A_799, %iota3A : vector<16xi32>
        %select_n3A_801 = arith.select %gt3A_798, %select_n3A_793, %select_n3A_750 : vector<16xi1>, vector<16xf32>
        %select_n3A_802 = arith.select %gt3A_798, %add3A_800, %select_n3A_751 : vector<16xi1>, vector<16xi32>
        %scan3A_803 = arith.constant 9 : i32
        %scan3A_804 = arith.addi %scan3A_344, %scan3A_803 : i32
        %mul3A_805 = arith.constant 16 : i32
        %mul3A_806 = arith.muli %scan3A_804, %mul3A_805 : i32
        %add3A_807 = arith.addi %mul3A_32, %mul3A_806 : i32
        %get3A_808 = arith.index_cast %add3A_807 : i32 to index
        %get3A_809 = tpu.vector_load %arg11[%get3A_808] {strides = array<i32>} : memref<2816xf32, #tpu.memory_space<vmem>>, vector<16xf32>,
        %get3A_810 = arith.index_cast %add3A_807 : i32 to index
        %get3A_811 = tpu.vector_load %arg12[%get3A_810] {strides = array<i32>} : memref<2816xf32, #tpu.memory_space<vmem>>, vector<16xf32>,
        %get3A_812 = arith.index_cast %add3A_807 : i32 to index
        %get3A_813 = tpu.vector_load %arg13[%get3A_812] {strides = array<i32>} : memref<2816xf32, #tpu.memory_space<vmem>>, vector<16xf32>,
        %get3A_814 = arith.index_cast %add3A_807 : i32 to index
        %get3A_815 = tpu.vector_load %arg14[%get3A_814] {strides = array<i32>} : memref<2816xf32, #tpu.memory_space<vmem>>, vector<16xf32>,
        %mul3A_816 = arith.constant 16 : i32
        %mul3A_817 = arith.muli %scan3A_804, %mul3A_816 : i32
        %get3A_818 = arith.index_cast %mul3A_817 : i32 to index
        %get3A_819 = tpu.vector_load %arg16[%get3A_818] {strides = array<i32>} : memref<704xf32, #tpu.memory_space<vmem>>, vector<16xf32>,
        %max3A_820 = arith.maximumf %gather3A_308, %get3A_809 : vector<16xf32>
        %max3A_821 = arith.maximumf %gather3A_309, %get3A_811 : vector<16xf32>
        %min3A_822 = arith.minimumf %gather3A_310, %get3A_813 : vector<16xf32>
        %min3A_823 = arith.minimumf %gather3A_311, %get3A_815 : vector<16xf32>
        %sub3A_824 = arith.subf %min3A_822, %max3A_820 : vector<16xf32>
        %max3A_825 = arith.constant 0.000000e+00 : f32
        %max3A_826 = vector.broadcast %max3A_825 : f32 to vector<16xf32>
        %max3A_827 = arith.maximumf %sub3A_824, %max3A_826 : vector<16xf32>
        %sub3A_828 = arith.subf %min3A_823, %max3A_821 : vector<16xf32>
        %max3A_829 = arith.constant 0.000000e+00 : f32
        %max3A_830 = vector.broadcast %max3A_829 : f32 to vector<16xf32>
        %max3A_831 = arith.maximumf %sub3A_828, %max3A_830 : vector<16xf32>
        %mul3A_832 = arith.mulf %max3A_827, %max3A_831 : vector<16xf32>
        %mul3A_833 = arith.constant 16 : i32
        %mul3A_834 = arith.muli %scan3A_804, %mul3A_833 : i32
        %get3A_835 = arith.index_cast %mul3A_834 : i32 to index
        %get3A_836 = tpu.vector_load %arg17[%get3A_835] {strides = array<i32>} : memref<704xf32, #tpu.memory_space<vmem>>, vector<16xf32>,
        %add3A_837 = arith.addf %mul3A_314, %get3A_836 : vector<16xf32>
        %sub3A_838 = arith.subf %add3A_837, %mul3A_832 : vector<16xf32>
        %div3A_839 = arith.divf %mul3A_832, %sub3A_838 : vector<16xf32>
        %le3A_840 = arith.constant 5.000000e-01 : f32
        %le3A_841 = vector.broadcast %le3A_840 : f32 to vector<16xf32>
        %le3A_842 = arith.cmpf ole, %div3A_839, %le3A_841 : vector<16xf32>
        %broadcast_in_dim3A_843 = vector.broadcast %scan3A_103 : f32 to vector<16xf32>
        %select_n3A_844 = arith.select %le3A_842, %get3A_819, %broadcast_in_dim3A_843 : vector<16xi1>, vector<16xf32>
        %mul3A_845 = arith.constant 16 : i32
        %mul3A_846 = arith.muli %scan3A_804, %mul3A_845 : i32
        %swap3A_847 = arith.index_cast %mul3A_846 : i32 to index
        %swap3A_848 = tpu.vector_load %arg16[%swap3A_847] {strides = array<i32>} : memref<704xf32, #tpu.memory_space<vmem>>, vector<16xf32>,
        tpu.vector_store %arg16[%swap3A_847], %select_n3A_844 {strides = array<i32>} : memref<704xf32, #tpu.memory_space<vmem>>, vector<16xf32>,
        %gt3A_849 = arith.cmpf ogt, %select_n3A_844, %select_n3A_801 : vector<16xf32>
        %add3A_850 = vector.broadcast %add3A_807 : i32 to vector<16xi32>
        %add3A_851 = arith.addi %add3A_850, %iota3A : vector<16xi32>
        %select_n3A_852 = arith.select %gt3A_849, %select_n3A_844, %select_n3A_801 : vector<16xi1>, vector<16xf32>
        %select_n3A_853 = arith.select %gt3A_849, %add3A_851, %select_n3A_802 : vector<16xi1>, vector<16xi32>
        %scan3A_854 = arith.constant 10 : i32
        %scan3A_855 = arith.addi %scan3A_344, %scan3A_854 : i32
        %mul3A_856 = arith.constant 16 : i32
        %mul3A_857 = arith.muli %scan3A_855, %mul3A_856 : i32
        %add3A_858 = arith.addi %mul3A_32, %mul3A_857 : i32
        %get3A_859 = arith.index_cast %add3A_858 : i32 to index
        %get3A_860 = tpu.vector_load %arg11[%get3A_859] {strides = array<i32>} : memref<2816xf32, #tpu.memory_space<vmem>>, vector<16xf32>,
        %get3A_861 = arith.index_cast %add3A_858 : i32 to index
        %get3A_862 = tpu.vector_load %arg12[%get3A_861] {strides = array<i32>} : memref<2816xf32, #tpu.memory_space<vmem>>, vector<16xf32>,
        %get3A_863 = arith.index_cast %add3A_858 : i32 to index
        %get3A_864 = tpu.vector_load %arg13[%get3A_863] {strides = array<i32>} : memref<2816xf32, #tpu.memory_space<vmem>>, vector<16xf32>,
        %get3A_865 = arith.index_cast %add3A_858 : i32 to index
        %get3A_866 = tpu.vector_load %arg14[%get3A_865] {strides = array<i32>} : memref<2816xf32, #tpu.memory_space<vmem>>, vector<16xf32>,
        %mul3A_867 = arith.constant 16 : i32
        %mul3A_868 = arith.muli %scan3A_855, %mul3A_867 : i32
        %get3A_869 = arith.index_cast %mul3A_868 : i32 to index
        %get3A_870 = tpu.vector_load %arg16[%get3A_869] {strides = array<i32>} : memref<704xf32, #tpu.memory_space<vmem>>, vector<16xf32>,
        %max3A_871 = arith.maximumf %gather3A_308, %get3A_860 : vector<16xf32>
        %max3A_872 = arith.maximumf %gather3A_309, %get3A_862 : vector<16xf32>
        %min3A_873 = arith.minimumf %gather3A_310, %get3A_864 : vector<16xf32>
        %min3A_874 = arith.minimumf %gather3A_311, %get3A_866 : vector<16xf32>
        %sub3A_875 = arith.subf %min3A_873, %max3A_871 : vector<16xf32>
        %max3A_876 = arith.constant 0.000000e+00 : f32
        %max3A_877 = vector.broadcast %max3A_876 : f32 to vector<16xf32>
        %max3A_878 = arith.maximumf %sub3A_875, %max3A_877 : vector<16xf32>
        %sub3A_879 = arith.subf %min3A_874, %max3A_872 : vector<16xf32>
        %max3A_880 = arith.constant 0.000000e+00 : f32
        %max3A_881 = vector.broadcast %max3A_880 : f32 to vector<16xf32>
        %max3A_882 = arith.maximumf %sub3A_879, %max3A_881 : vector<16xf32>
        %mul3A_883 = arith.mulf %max3A_878, %max3A_882 : vector<16xf32>
        %mul3A_884 = arith.constant 16 : i32
        %mul3A_885 = arith.muli %scan3A_855, %mul3A_884 : i32
        %get3A_886 = arith.index_cast %mul3A_885 : i32 to index
        %get3A_887 = tpu.vector_load %arg17[%get3A_886] {strides = array<i32>} : memref<704xf32, #tpu.memory_space<vmem>>, vector<16xf32>,
        %add3A_888 = arith.addf %mul3A_314, %get3A_887 : vector<16xf32>
        %sub3A_889 = arith.subf %add3A_888, %mul3A_883 : vector<16xf32>
        %div3A_890 = arith.divf %mul3A_883, %sub3A_889 : vector<16xf32>
        %le3A_891 = arith.constant 5.000000e-01 : f32
        %le3A_892 = vector.broadcast %le3A_891 : f32 to vector<16xf32>
        %le3A_893 = arith.cmpf ole, %div3A_890, %le3A_892 : vector<16xf32>
        %broadcast_in_dim3A_894 = vector.broadcast %scan3A_103 : f32 to vector<16xf32>
        %select_n3A_895 = arith.select %le3A_893, %get3A_870, %broadcast_in_dim3A_894 : vector<16xi1>, vector<16xf32>
        %mul3A_896 = arith.constant 16 : i32
        %mul3A_897 = arith.muli %scan3A_855, %mul3A_896 : i32
        %swap3A_898 = arith.index_cast %mul3A_897 : i32 to index
        %swap3A_899 = tpu.vector_load %arg16[%swap3A_898] {strides = array<i32>} : memref<704xf32, #tpu.memory_space<vmem>>, vector<16xf32>,
        tpu.vector_store %arg16[%swap3A_898], %select_n3A_895 {strides = array<i32>} : memref<704xf32, #tpu.memory_space<vmem>>, vector<16xf32>,
        %gt3A_900 = arith.cmpf ogt, %select_n3A_895, %select_n3A_852 : vector<16xf32>
        %add3A_901 = vector.broadcast %add3A_858 : i32 to vector<16xi32>
        %add3A_902 = arith.addi %add3A_901, %iota3A : vector<16xi32>
        %select_n3A_903 = arith.select %gt3A_900, %select_n3A_895, %select_n3A_852 : vector<16xi1>, vector<16xf32>
        %select_n3A_904 = arith.select %gt3A_900, %add3A_902, %select_n3A_853 : vector<16xi1>, vector<16xi32>
        %scan3A_905 = arith.constant 11 : i32
        %scan3A_906 = arith.addi %scan3A_344, %scan3A_905 : i32
        %mul3A_907 = arith.constant 16 : i32
        %mul3A_908 = arith.muli %scan3A_906, %mul3A_907 : i32
        %add3A_909 = arith.addi %mul3A_32, %mul3A_908 : i32
        %get3A_910 = arith.index_cast %add3A_909 : i32 to index
        %get3A_911 = tpu.vector_load %arg11[%get3A_910] {strides = array<i32>} : memref<2816xf32, #tpu.memory_space<vmem>>, vector<16xf32>,
        %get3A_912 = arith.index_cast %add3A_909 : i32 to index
        %get3A_913 = tpu.vector_load %arg12[%get3A_912] {strides = array<i32>} : memref<2816xf32, #tpu.memory_space<vmem>>, vector<16xf32>,
        %get3A_914 = arith.index_cast %add3A_909 : i32 to index
        %get3A_915 = tpu.vector_load %arg13[%get3A_914] {strides = array<i32>} : memref<2816xf32, #tpu.memory_space<vmem>>, vector<16xf32>,
        %get3A_916 = arith.index_cast %add3A_909 : i32 to index
        %get3A_917 = tpu.vector_load %arg14[%get3A_916] {strides = array<i32>} : memref<2816xf32, #tpu.memory_space<vmem>>, vector<16xf32>,
        %mul3A_918 = arith.constant 16 : i32
        %mul3A_919 = arith.muli %scan3A_906, %mul3A_918 : i32
        %get3A_920 = arith.index_cast %mul3A_919 : i32 to index
        %get3A_921 = tpu.vector_load %arg16[%get3A_920] {strides = array<i32>} : memref<704xf32, #tpu.memory_space<vmem>>, vector<16xf32>,
        %max3A_922 = arith.maximumf %gather3A_308, %get3A_911 : vector<16xf32>
        %max3A_923 = arith.maximumf %gather3A_309, %get3A_913 : vector<16xf32>
        %min3A_924 = arith.minimumf %gather3A_310, %get3A_915 : vector<16xf32>
        %min3A_925 = arith.minimumf %gather3A_311, %get3A_917 : vector<16xf32>
        %sub3A_926 = arith.subf %min3A_924, %max3A_922 : vector<16xf32>
        %max3A_927 = arith.constant 0.000000e+00 : f32
        %max3A_928 = vector.broadcast %max3A_927 : f32 to vector<16xf32>
        %max3A_929 = arith.maximumf %sub3A_926, %max3A_928 : vector<16xf32>
        %sub3A_930 = arith.subf %min3A_925, %max3A_923 : vector<16xf32>
        %max3A_931 = arith.constant 0.000000e+00 : f32
        %max3A_932 = vector.broadcast %max3A_931 : f32 to vector<16xf32>
        %max3A_933 = arith.maximumf %sub3A_930, %max3A_932 : vector<16xf32>
        %mul3A_934 = arith.mulf %max3A_929, %max3A_933 : vector<16xf32>
        %mul3A_935 = arith.constant 16 : i32
        %mul3A_936 = arith.muli %scan3A_906, %mul3A_935 : i32
        %get3A_937 = arith.index_cast %mul3A_936 : i32 to index
        %get3A_938 = tpu.vector_load %arg17[%get3A_937] {strides = array<i32>} : memref<704xf32, #tpu.memory_space<vmem>>, vector<16xf32>,
        %add3A_939 = arith.addf %mul3A_314, %get3A_938 : vector<16xf32>
        %sub3A_940 = arith.subf %add3A_939, %mul3A_934 : vector<16xf32>
        %div3A_941 = arith.divf %mul3A_934, %sub3A_940 : vector<16xf32>
        %le3A_942 = arith.constant 5.000000e-01 : f32
        %le3A_943 = vector.broadcast %le3A_942 : f32 to vector<16xf32>
        %le3A_944 = arith.cmpf ole, %div3A_941, %le3A_943 : vector<16xf32>
        %broadcast_in_dim3A_945 = vector.broadcast %scan3A_103 : f32 to vector<16xf32>
        %select_n3A_946 = arith.select %le3A_944, %get3A_921, %broadcast_in_dim3A_945 : vector<16xi1>, vector<16xf32>
        %mul3A_947 = arith.constant 16 : i32
        %mul3A_948 = arith.muli %scan3A_906, %mul3A_947 : i32
        %swap3A_949 = arith.index_cast %mul3A_948 : i32 to index
        %swap3A_950 = tpu.vector_load %arg16[%swap3A_949] {strides = array<i32>} : memref<704xf32, #tpu.memory_space<vmem>>, vector<16xf32>,
        tpu.vector_store %arg16[%swap3A_949], %select_n3A_946 {strides = array<i32>} : memref<704xf32, #tpu.memory_space<vmem>>, vector<16xf32>,
        %gt3A_951 = arith.cmpf ogt, %select_n3A_946, %select_n3A_903 : vector<16xf32>
        %add3A_952 = vector.broadcast %add3A_909 : i32 to vector<16xi32>
        %add3A_953 = arith.addi %add3A_952, %iota3A : vector<16xi32>
        %select_n3A_954 = arith.select %gt3A_951, %select_n3A_946, %select_n3A_903 : vector<16xi1>, vector<16xf32>
        %select_n3A_955 = arith.select %gt3A_951, %add3A_953, %select_n3A_904 : vector<16xi1>, vector<16xi32>
        %scan3A_956 = arith.constant 12 : i32
        %scan3A_957 = arith.addi %scan3A_344, %scan3A_956 : i32
        %mul3A_958 = arith.constant 16 : i32
        %mul3A_959 = arith.muli %scan3A_957, %mul3A_958 : i32
        %add3A_960 = arith.addi %mul3A_32, %mul3A_959 : i32
        %get3A_961 = arith.index_cast %add3A_960 : i32 to index
        %get3A_962 = tpu.vector_load %arg11[%get3A_961] {strides = array<i32>} : memref<2816xf32, #tpu.memory_space<vmem>>, vector<16xf32>,
        %get3A_963 = arith.index_cast %add3A_960 : i32 to index
        %get3A_964 = tpu.vector_load %arg12[%get3A_963] {strides = array<i32>} : memref<2816xf32, #tpu.memory_space<vmem>>, vector<16xf32>,
        %get3A_965 = arith.index_cast %add3A_960 : i32 to index
        %get3A_966 = tpu.vector_load %arg13[%get3A_965] {strides = array<i32>} : memref<2816xf32, #tpu.memory_space<vmem>>, vector<16xf32>,
        %get3A_967 = arith.index_cast %add3A_960 : i32 to index
        %get3A_968 = tpu.vector_load %arg14[%get3A_967] {strides = array<i32>} : memref<2816xf32, #tpu.memory_space<vmem>>, vector<16xf32>,
        %mul3A_969 = arith.constant 16 : i32
        %mul3A_970 = arith.muli %scan3A_957, %mul3A_969 : i32
        %get3A_971 = arith.index_cast %mul3A_970 : i32 to index
        %get3A_972 = tpu.vector_load %arg16[%get3A_971] {strides = array<i32>} : memref<704xf32, #tpu.memory_space<vmem>>, vector<16xf32>,
        %max3A_973 = arith.maximumf %gather3A_308, %get3A_962 : vector<16xf32>
        %max3A_974 = arith.maximumf %gather3A_309, %get3A_964 : vector<16xf32>
        %min3A_975 = arith.minimumf %gather3A_310, %get3A_966 : vector<16xf32>
        %min3A_976 = arith.minimumf %gather3A_311, %get3A_968 : vector<16xf32>
        %sub3A_977 = arith.subf %min3A_975, %max3A_973 : vector<16xf32>
        %max3A_978 = arith.constant 0.000000e+00 : f32
        %max3A_979 = vector.broadcast %max3A_978 : f32 to vector<16xf32>
        %max3A_980 = arith.maximumf %sub3A_977, %max3A_979 : vector<16xf32>
        %sub3A_981 = arith.subf %min3A_976, %max3A_974 : vector<16xf32>
        %max3A_982 = arith.constant 0.000000e+00 : f32
        %max3A_983 = vector.broadcast %max3A_982 : f32 to vector<16xf32>
        %max3A_984 = arith.maximumf %sub3A_981, %max3A_983 : vector<16xf32>
        %mul3A_985 = arith.mulf %max3A_980, %max3A_984 : vector<16xf32>
        %mul3A_986 = arith.constant 16 : i32
        %mul3A_987 = arith.muli %scan3A_957, %mul3A_986 : i32
        %get3A_988 = arith.index_cast %mul3A_987 : i32 to index
        %get3A_989 = tpu.vector_load %arg17[%get3A_988] {strides = array<i32>} : memref<704xf32, #tpu.memory_space<vmem>>, vector<16xf32>,
        %add3A_990 = arith.addf %mul3A_314, %get3A_989 : vector<16xf32>
        %sub3A_991 = arith.subf %add3A_990, %mul3A_985 : vector<16xf32>
        %div3A_992 = arith.divf %mul3A_985, %sub3A_991 : vector<16xf32>
        %le3A_993 = arith.constant 5.000000e-01 : f32
        %le3A_994 = vector.broadcast %le3A_993 : f32 to vector<16xf32>
        %le3A_995 = arith.cmpf ole, %div3A_992, %le3A_994 : vector<16xf32>
        %broadcast_in_dim3A_996 = vector.broadcast %scan3A_103 : f32 to vector<16xf32>
        %select_n3A_997 = arith.select %le3A_995, %get3A_972, %broadcast_in_dim3A_996 : vector<16xi1>, vector<16xf32>
        %mul3A_998 = arith.constant 16 : i32
        %mul3A_999 = arith.muli %scan3A_957, %mul3A_998 : i32
        %swap3A_1000 = arith.index_cast %mul3A_999 : i32 to index
        %swap3A_1001 = tpu.vector_load %arg16[%swap3A_1000] {strides = array<i32>} : memref<704xf32, #tpu.memory_space<vmem>>, vector<16xf32>,
        tpu.vector_store %arg16[%swap3A_1000], %select_n3A_997 {strides = array<i32>} : memref<704xf32, #tpu.memory_space<vmem>>, vector<16xf32>,
        %gt3A_1002 = arith.cmpf ogt, %select_n3A_997, %select_n3A_954 : vector<16xf32>
        %add3A_1003 = vector.broadcast %add3A_960 : i32 to vector<16xi32>
        %add3A_1004 = arith.addi %add3A_1003, %iota3A : vector<16xi32>
        %select_n3A_1005 = arith.select %gt3A_1002, %select_n3A_997, %select_n3A_954 : vector<16xi1>, vector<16xf32>
        %select_n3A_1006 = arith.select %gt3A_1002, %add3A_1004, %select_n3A_955 : vector<16xi1>, vector<16xi32>
        %scan3A_1007 = arith.constant 13 : i32
        %scan3A_1008 = arith.addi %scan3A_344, %scan3A_1007 : i32
        %mul3A_1009 = arith.constant 16 : i32
        %mul3A_1010 = arith.muli %scan3A_1008, %mul3A_1009 : i32
        %add3A_1011 = arith.addi %mul3A_32, %mul3A_1010 : i32
        %get3A_1012 = arith.index_cast %add3A_1011 : i32 to index
        %get3A_1013 = tpu.vector_load %arg11[%get3A_1012] {strides = array<i32>} : memref<2816xf32, #tpu.memory_space<vmem>>, vector<16xf32>,
        %get3A_1014 = arith.index_cast %add3A_1011 : i32 to index
        %get3A_1015 = tpu.vector_load %arg12[%get3A_1014] {strides = array<i32>} : memref<2816xf32, #tpu.memory_space<vmem>>, vector<16xf32>,
        %get3A_1016 = arith.index_cast %add3A_1011 : i32 to index
        %get3A_1017 = tpu.vector_load %arg13[%get3A_1016] {strides = array<i32>} : memref<2816xf32, #tpu.memory_space<vmem>>, vector<16xf32>,
        %get3A_1018 = arith.index_cast %add3A_1011 : i32 to index
        %get3A_1019 = tpu.vector_load %arg14[%get3A_1018] {strides = array<i32>} : memref<2816xf32, #tpu.memory_space<vmem>>, vector<16xf32>,
        %mul3A_1020 = arith.constant 16 : i32
        %mul3A_1021 = arith.muli %scan3A_1008, %mul3A_1020 : i32
        %get3A_1022 = arith.index_cast %mul3A_1021 : i32 to index
        %get3A_1023 = tpu.vector_load %arg16[%get3A_1022] {strides = array<i32>} : memref<704xf32, #tpu.memory_space<vmem>>, vector<16xf32>,
        %max3A_1024 = arith.maximumf %gather3A_308, %get3A_1013 : vector<16xf32>
        %max3A_1025 = arith.maximumf %gather3A_309, %get3A_1015 : vector<16xf32>
        %min3A_1026 = arith.minimumf %gather3A_310, %get3A_1017 : vector<16xf32>
        %min3A_1027 = arith.minimumf %gather3A_311, %get3A_1019 : vector<16xf32>
        %sub3A_1028 = arith.subf %min3A_1026, %max3A_1024 : vector<16xf32>
        %max3A_1029 = arith.constant 0.000000e+00 : f32
        %max3A_1030 = vector.broadcast %max3A_1029 : f32 to vector<16xf32>
        %max3A_1031 = arith.maximumf %sub3A_1028, %max3A_1030 : vector<16xf32>
        %sub3A_1032 = arith.subf %min3A_1027, %max3A_1025 : vector<16xf32>
        %max3A_1033 = arith.constant 0.000000e+00 : f32
        %max3A_1034 = vector.broadcast %max3A_1033 : f32 to vector<16xf32>
        %max3A_1035 = arith.maximumf %sub3A_1032, %max3A_1034 : vector<16xf32>
        %mul3A_1036 = arith.mulf %max3A_1031, %max3A_1035 : vector<16xf32>
        %mul3A_1037 = arith.constant 16 : i32
        %mul3A_1038 = arith.muli %scan3A_1008, %mul3A_1037 : i32
        %get3A_1039 = arith.index_cast %mul3A_1038 : i32 to index
        %get3A_1040 = tpu.vector_load %arg17[%get3A_1039] {strides = array<i32>} : memref<704xf32, #tpu.memory_space<vmem>>, vector<16xf32>,
        %add3A_1041 = arith.addf %mul3A_314, %get3A_1040 : vector<16xf32>
        %sub3A_1042 = arith.subf %add3A_1041, %mul3A_1036 : vector<16xf32>
        %div3A_1043 = arith.divf %mul3A_1036, %sub3A_1042 : vector<16xf32>
        %le3A_1044 = arith.constant 5.000000e-01 : f32
        %le3A_1045 = vector.broadcast %le3A_1044 : f32 to vector<16xf32>
        %le3A_1046 = arith.cmpf ole, %div3A_1043, %le3A_1045 : vector<16xf32>
        %broadcast_in_dim3A_1047 = vector.broadcast %scan3A_103 : f32 to vector<16xf32>
        %select_n3A_1048 = arith.select %le3A_1046, %get3A_1023, %broadcast_in_dim3A_1047 : vector<16xi1>, vector<16xf32>
        %mul3A_1049 = arith.constant 16 : i32
        %mul3A_1050 = arith.muli %scan3A_1008, %mul3A_1049 : i32
        %swap3A_1051 = arith.index_cast %mul3A_1050 : i32 to index
        %swap3A_1052 = tpu.vector_load %arg16[%swap3A_1051] {strides = array<i32>} : memref<704xf32, #tpu.memory_space<vmem>>, vector<16xf32>,
        tpu.vector_store %arg16[%swap3A_1051], %select_n3A_1048 {strides = array<i32>} : memref<704xf32, #tpu.memory_space<vmem>>, vector<16xf32>,
        %gt3A_1053 = arith.cmpf ogt, %select_n3A_1048, %select_n3A_1005 : vector<16xf32>
        %add3A_1054 = vector.broadcast %add3A_1011 : i32 to vector<16xi32>
        %add3A_1055 = arith.addi %add3A_1054, %iota3A : vector<16xi32>
        %select_n3A_1056 = arith.select %gt3A_1053, %select_n3A_1048, %select_n3A_1005 : vector<16xi1>, vector<16xf32>
        %select_n3A_1057 = arith.select %gt3A_1053, %add3A_1055, %select_n3A_1006 : vector<16xi1>, vector<16xi32>
        %scan3A_1058 = arith.constant 14 : i32
        %scan3A_1059 = arith.addi %scan3A_344, %scan3A_1058 : i32
        %mul3A_1060 = arith.constant 16 : i32
        %mul3A_1061 = arith.muli %scan3A_1059, %mul3A_1060 : i32
        %add3A_1062 = arith.addi %mul3A_32, %mul3A_1061 : i32
        %get3A_1063 = arith.index_cast %add3A_1062 : i32 to index
        %get3A_1064 = tpu.vector_load %arg11[%get3A_1063] {strides = array<i32>} : memref<2816xf32, #tpu.memory_space<vmem>>, vector<16xf32>,
        %get3A_1065 = arith.index_cast %add3A_1062 : i32 to index
        %get3A_1066 = tpu.vector_load %arg12[%get3A_1065] {strides = array<i32>} : memref<2816xf32, #tpu.memory_space<vmem>>, vector<16xf32>,
        %get3A_1067 = arith.index_cast %add3A_1062 : i32 to index
        %get3A_1068 = tpu.vector_load %arg13[%get3A_1067] {strides = array<i32>} : memref<2816xf32, #tpu.memory_space<vmem>>, vector<16xf32>,
        %get3A_1069 = arith.index_cast %add3A_1062 : i32 to index
        %get3A_1070 = tpu.vector_load %arg14[%get3A_1069] {strides = array<i32>} : memref<2816xf32, #tpu.memory_space<vmem>>, vector<16xf32>,
        %mul3A_1071 = arith.constant 16 : i32
        %mul3A_1072 = arith.muli %scan3A_1059, %mul3A_1071 : i32
        %get3A_1073 = arith.index_cast %mul3A_1072 : i32 to index
        %get3A_1074 = tpu.vector_load %arg16[%get3A_1073] {strides = array<i32>} : memref<704xf32, #tpu.memory_space<vmem>>, vector<16xf32>,
        %max3A_1075 = arith.maximumf %gather3A_308, %get3A_1064 : vector<16xf32>
        %max3A_1076 = arith.maximumf %gather3A_309, %get3A_1066 : vector<16xf32>
        %min3A_1077 = arith.minimumf %gather3A_310, %get3A_1068 : vector<16xf32>
        %min3A_1078 = arith.minimumf %gather3A_311, %get3A_1070 : vector<16xf32>
        %sub3A_1079 = arith.subf %min3A_1077, %max3A_1075 : vector<16xf32>
        %max3A_1080 = arith.constant 0.000000e+00 : f32
        %max3A_1081 = vector.broadcast %max3A_1080 : f32 to vector<16xf32>
        %max3A_1082 = arith.maximumf %sub3A_1079, %max3A_1081 : vector<16xf32>
        %sub3A_1083 = arith.subf %min3A_1078, %max3A_1076 : vector<16xf32>
        %max3A_1084 = arith.constant 0.000000e+00 : f32
        %max3A_1085 = vector.broadcast %max3A_1084 : f32 to vector<16xf32>
        %max3A_1086 = arith.maximumf %sub3A_1083, %max3A_1085 : vector<16xf32>
        %mul3A_1087 = arith.mulf %max3A_1082, %max3A_1086 : vector<16xf32>
        %mul3A_1088 = arith.constant 16 : i32
        %mul3A_1089 = arith.muli %scan3A_1059, %mul3A_1088 : i32
        %get3A_1090 = arith.index_cast %mul3A_1089 : i32 to index
        %get3A_1091 = tpu.vector_load %arg17[%get3A_1090] {strides = array<i32>} : memref<704xf32, #tpu.memory_space<vmem>>, vector<16xf32>,
        %add3A_1092 = arith.addf %mul3A_314, %get3A_1091 : vector<16xf32>
        %sub3A_1093 = arith.subf %add3A_1092, %mul3A_1087 : vector<16xf32>
        %div3A_1094 = arith.divf %mul3A_1087, %sub3A_1093 : vector<16xf32>
        %le3A_1095 = arith.constant 5.000000e-01 : f32
        %le3A_1096 = vector.broadcast %le3A_1095 : f32 to vector<16xf32>
        %le3A_1097 = arith.cmpf ole, %div3A_1094, %le3A_1096 : vector<16xf32>
        %broadcast_in_dim3A_1098 = vector.broadcast %scan3A_103 : f32 to vector<16xf32>
        %select_n3A_1099 = arith.select %le3A_1097, %get3A_1074, %broadcast_in_dim3A_1098 : vector<16xi1>, vector<16xf32>
        %mul3A_1100 = arith.constant 16 : i32
        %mul3A_1101 = arith.muli %scan3A_1059, %mul3A_1100 : i32
        %swap3A_1102 = arith.index_cast %mul3A_1101 : i32 to index
        %swap3A_1103 = tpu.vector_load %arg16[%swap3A_1102] {strides = array<i32>} : memref<704xf32, #tpu.memory_space<vmem>>, vector<16xf32>,
        tpu.vector_store %arg16[%swap3A_1102], %select_n3A_1099 {strides = array<i32>} : memref<704xf32, #tpu.memory_space<vmem>>, vector<16xf32>,
        %gt3A_1104 = arith.cmpf ogt, %select_n3A_1099, %select_n3A_1056 : vector<16xf32>
        %add3A_1105 = vector.broadcast %add3A_1062 : i32 to vector<16xi32>
        %add3A_1106 = arith.addi %add3A_1105, %iota3A : vector<16xi32>
        %select_n3A_1107 = arith.select %gt3A_1104, %select_n3A_1099, %select_n3A_1056 : vector<16xi1>, vector<16xf32>
        %select_n3A_1108 = arith.select %gt3A_1104, %add3A_1106, %select_n3A_1057 : vector<16xi1>, vector<16xi32>
        %scan3A_1109 = arith.constant 15 : i32
        %scan3A_1110 = arith.addi %scan3A_344, %scan3A_1109 : i32
        %mul3A_1111 = arith.constant 16 : i32
        %mul3A_1112 = arith.muli %scan3A_1110, %mul3A_1111 : i32
        %add3A_1113 = arith.addi %mul3A_32, %mul3A_1112 : i32
        %get3A_1114 = arith.index_cast %add3A_1113 : i32 to index
        %get3A_1115 = tpu.vector_load %arg11[%get3A_1114] {strides = array<i32>} : memref<2816xf32, #tpu.memory_space<vmem>>, vector<16xf32>,
        %get3A_1116 = arith.index_cast %add3A_1113 : i32 to index
        %get3A_1117 = tpu.vector_load %arg12[%get3A_1116] {strides = array<i32>} : memref<2816xf32, #tpu.memory_space<vmem>>, vector<16xf32>,
        %get3A_1118 = arith.index_cast %add3A_1113 : i32 to index
        %get3A_1119 = tpu.vector_load %arg13[%get3A_1118] {strides = array<i32>} : memref<2816xf32, #tpu.memory_space<vmem>>, vector<16xf32>,
        %get3A_1120 = arith.index_cast %add3A_1113 : i32 to index
        %get3A_1121 = tpu.vector_load %arg14[%get3A_1120] {strides = array<i32>} : memref<2816xf32, #tpu.memory_space<vmem>>, vector<16xf32>,
        %mul3A_1122 = arith.constant 16 : i32
        %mul3A_1123 = arith.muli %scan3A_1110, %mul3A_1122 : i32
        %get3A_1124 = arith.index_cast %mul3A_1123 : i32 to index
        %get3A_1125 = tpu.vector_load %arg16[%get3A_1124] {strides = array<i32>} : memref<704xf32, #tpu.memory_space<vmem>>, vector<16xf32>,
        %max3A_1126 = arith.maximumf %gather3A_308, %get3A_1115 : vector<16xf32>
        %max3A_1127 = arith.maximumf %gather3A_309, %get3A_1117 : vector<16xf32>
        %min3A_1128 = arith.minimumf %gather3A_310, %get3A_1119 : vector<16xf32>
        %min3A_1129 = arith.minimumf %gather3A_311, %get3A_1121 : vector<16xf32>
        %sub3A_1130 = arith.subf %min3A_1128, %max3A_1126 : vector<16xf32>
        %max3A_1131 = arith.constant 0.000000e+00 : f32
        %max3A_1132 = vector.broadcast %max3A_1131 : f32 to vector<16xf32>
        %max3A_1133 = arith.maximumf %sub3A_1130, %max3A_1132 : vector<16xf32>
        %sub3A_1134 = arith.subf %min3A_1129, %max3A_1127 : vector<16xf32>
        %max3A_1135 = arith.constant 0.000000e+00 : f32
        %max3A_1136 = vector.broadcast %max3A_1135 : f32 to vector<16xf32>
        %max3A_1137 = arith.maximumf %sub3A_1134, %max3A_1136 : vector<16xf32>
        %mul3A_1138 = arith.mulf %max3A_1133, %max3A_1137 : vector<16xf32>
        %mul3A_1139 = arith.constant 16 : i32
        %mul3A_1140 = arith.muli %scan3A_1110, %mul3A_1139 : i32
        %get3A_1141 = arith.index_cast %mul3A_1140 : i32 to index
        %get3A_1142 = tpu.vector_load %arg17[%get3A_1141] {strides = array<i32>} : memref<704xf32, #tpu.memory_space<vmem>>, vector<16xf32>,
        %add3A_1143 = arith.addf %mul3A_314, %get3A_1142 : vector<16xf32>
        %sub3A_1144 = arith.subf %add3A_1143, %mul3A_1138 : vector<16xf32>
        %div3A_1145 = arith.divf %mul3A_1138, %sub3A_1144 : vector<16xf32>
        %le3A_1146 = arith.constant 5.000000e-01 : f32
        %le3A_1147 = vector.broadcast %le3A_1146 : f32 to vector<16xf32>
        %le3A_1148 = arith.cmpf ole, %div3A_1145, %le3A_1147 : vector<16xf32>
        %broadcast_in_dim3A_1149 = vector.broadcast %scan3A_103 : f32 to vector<16xf32>
        %select_n3A_1150 = arith.select %le3A_1148, %get3A_1125, %broadcast_in_dim3A_1149 : vector<16xi1>, vector<16xf32>
        %mul3A_1151 = arith.constant 16 : i32
        %mul3A_1152 = arith.muli %scan3A_1110, %mul3A_1151 : i32
        %swap3A_1153 = arith.index_cast %mul3A_1152 : i32 to index
        %swap3A_1154 = tpu.vector_load %arg16[%swap3A_1153] {strides = array<i32>} : memref<704xf32, #tpu.memory_space<vmem>>, vector<16xf32>,
        tpu.vector_store %arg16[%swap3A_1153], %select_n3A_1150 {strides = array<i32>} : memref<704xf32, #tpu.memory_space<vmem>>, vector<16xf32>,
        %gt3A_1155 = arith.cmpf ogt, %select_n3A_1150, %select_n3A_1107 : vector<16xf32>
        %add3A_1156 = vector.broadcast %add3A_1113 : i32 to vector<16xi32>
        %add3A_1157 = arith.addi %add3A_1156, %iota3A : vector<16xi32>
        %select_n3A_1158 = arith.select %gt3A_1155, %select_n3A_1150, %select_n3A_1107 : vector<16xi1>, vector<16xf32>
        %select_n3A_1159 = arith.select %gt3A_1155, %add3A_1157, %select_n3A_1108 : vector<16xi1>, vector<16xi32>
        %scan3A_1160 = arith.constant 16 : i32
        %scan3A_1161 = arith.addi %scan3A_344, %scan3A_1160 : i32
        %mul3A_1162 = arith.constant 16 : i32
        %mul3A_1163 = arith.muli %scan3A_1161, %mul3A_1162 : i32
        %add3A_1164 = arith.addi %mul3A_32, %mul3A_1163 : i32
        %get3A_1165 = arith.index_cast %add3A_1164 : i32 to index
        %get3A_1166 = tpu.vector_load %arg11[%get3A_1165] {strides = array<i32>} : memref<2816xf32, #tpu.memory_space<vmem>>, vector<16xf32>,
        %get3A_1167 = arith.index_cast %add3A_1164 : i32 to index
        %get3A_1168 = tpu.vector_load %arg12[%get3A_1167] {strides = array<i32>} : memref<2816xf32, #tpu.memory_space<vmem>>, vector<16xf32>,
        %get3A_1169 = arith.index_cast %add3A_1164 : i32 to index
        %get3A_1170 = tpu.vector_load %arg13[%get3A_1169] {strides = array<i32>} : memref<2816xf32, #tpu.memory_space<vmem>>, vector<16xf32>,
        %get3A_1171 = arith.index_cast %add3A_1164 : i32 to index
        %get3A_1172 = tpu.vector_load %arg14[%get3A_1171] {strides = array<i32>} : memref<2816xf32, #tpu.memory_space<vmem>>, vector<16xf32>,
        %mul3A_1173 = arith.constant 16 : i32
        %mul3A_1174 = arith.muli %scan3A_1161, %mul3A_1173 : i32
        %get3A_1175 = arith.index_cast %mul3A_1174 : i32 to index
        %get3A_1176 = tpu.vector_load %arg16[%get3A_1175] {strides = array<i32>} : memref<704xf32, #tpu.memory_space<vmem>>, vector<16xf32>,
        %max3A_1177 = arith.maximumf %gather3A_308, %get3A_1166 : vector<16xf32>
        %max3A_1178 = arith.maximumf %gather3A_309, %get3A_1168 : vector<16xf32>
        %min3A_1179 = arith.minimumf %gather3A_310, %get3A_1170 : vector<16xf32>
        %min3A_1180 = arith.minimumf %gather3A_311, %get3A_1172 : vector<16xf32>
        %sub3A_1181 = arith.subf %min3A_1179, %max3A_1177 : vector<16xf32>
        %max3A_1182 = arith.constant 0.000000e+00 : f32
        %max3A_1183 = vector.broadcast %max3A_1182 : f32 to vector<16xf32>
        %max3A_1184 = arith.maximumf %sub3A_1181, %max3A_1183 : vector<16xf32>
        %sub3A_1185 = arith.subf %min3A_1180, %max3A_1178 : vector<16xf32>
        %max3A_1186 = arith.constant 0.000000e+00 : f32
        %max3A_1187 = vector.broadcast %max3A_1186 : f32 to vector<16xf32>
        %max3A_1188 = arith.maximumf %sub3A_1185, %max3A_1187 : vector<16xf32>
        %mul3A_1189 = arith.mulf %max3A_1184, %max3A_1188 : vector<16xf32>
        %mul3A_1190 = arith.constant 16 : i32
        %mul3A_1191 = arith.muli %scan3A_1161, %mul3A_1190 : i32
        %get3A_1192 = arith.index_cast %mul3A_1191 : i32 to index
        %get3A_1193 = tpu.vector_load %arg17[%get3A_1192] {strides = array<i32>} : memref<704xf32, #tpu.memory_space<vmem>>, vector<16xf32>,
        %add3A_1194 = arith.addf %mul3A_314, %get3A_1193 : vector<16xf32>
        %sub3A_1195 = arith.subf %add3A_1194, %mul3A_1189 : vector<16xf32>
        %div3A_1196 = arith.divf %mul3A_1189, %sub3A_1195 : vector<16xf32>
        %le3A_1197 = arith.constant 5.000000e-01 : f32
        %le3A_1198 = vector.broadcast %le3A_1197 : f32 to vector<16xf32>
        %le3A_1199 = arith.cmpf ole, %div3A_1196, %le3A_1198 : vector<16xf32>
        %broadcast_in_dim3A_1200 = vector.broadcast %scan3A_103 : f32 to vector<16xf32>
        %select_n3A_1201 = arith.select %le3A_1199, %get3A_1176, %broadcast_in_dim3A_1200 : vector<16xi1>, vector<16xf32>
        %mul3A_1202 = arith.constant 16 : i32
        %mul3A_1203 = arith.muli %scan3A_1161, %mul3A_1202 : i32
        %swap3A_1204 = arith.index_cast %mul3A_1203 : i32 to index
        %swap3A_1205 = tpu.vector_load %arg16[%swap3A_1204] {strides = array<i32>} : memref<704xf32, #tpu.memory_space<vmem>>, vector<16xf32>,
        tpu.vector_store %arg16[%swap3A_1204], %select_n3A_1201 {strides = array<i32>} : memref<704xf32, #tpu.memory_space<vmem>>, vector<16xf32>,
        %gt3A_1206 = arith.cmpf ogt, %select_n3A_1201, %select_n3A_1158 : vector<16xf32>
        %add3A_1207 = vector.broadcast %add3A_1164 : i32 to vector<16xi32>
        %add3A_1208 = arith.addi %add3A_1207, %iota3A : vector<16xi32>
        %select_n3A_1209 = arith.select %gt3A_1206, %select_n3A_1201, %select_n3A_1158 : vector<16xi1>, vector<16xf32>
        %select_n3A_1210 = arith.select %gt3A_1206, %add3A_1208, %select_n3A_1159 : vector<16xi1>, vector<16xi32>
        %scan3A_1211 = arith.constant 17 : i32
        %scan3A_1212 = arith.addi %scan3A_344, %scan3A_1211 : i32
        %mul3A_1213 = arith.constant 16 : i32
        %mul3A_1214 = arith.muli %scan3A_1212, %mul3A_1213 : i32
        %add3A_1215 = arith.addi %mul3A_32, %mul3A_1214 : i32
        %get3A_1216 = arith.index_cast %add3A_1215 : i32 to index
        %get3A_1217 = tpu.vector_load %arg11[%get3A_1216] {strides = array<i32>} : memref<2816xf32, #tpu.memory_space<vmem>>, vector<16xf32>,
        %get3A_1218 = arith.index_cast %add3A_1215 : i32 to index
        %get3A_1219 = tpu.vector_load %arg12[%get3A_1218] {strides = array<i32>} : memref<2816xf32, #tpu.memory_space<vmem>>, vector<16xf32>,
        %get3A_1220 = arith.index_cast %add3A_1215 : i32 to index
        %get3A_1221 = tpu.vector_load %arg13[%get3A_1220] {strides = array<i32>} : memref<2816xf32, #tpu.memory_space<vmem>>, vector<16xf32>,
        %get3A_1222 = arith.index_cast %add3A_1215 : i32 to index
        %get3A_1223 = tpu.vector_load %arg14[%get3A_1222] {strides = array<i32>} : memref<2816xf32, #tpu.memory_space<vmem>>, vector<16xf32>,
        %mul3A_1224 = arith.constant 16 : i32
        %mul3A_1225 = arith.muli %scan3A_1212, %mul3A_1224 : i32
        %get3A_1226 = arith.index_cast %mul3A_1225 : i32 to index
        %get3A_1227 = tpu.vector_load %arg16[%get3A_1226] {strides = array<i32>} : memref<704xf32, #tpu.memory_space<vmem>>, vector<16xf32>,
        %max3A_1228 = arith.maximumf %gather3A_308, %get3A_1217 : vector<16xf32>
        %max3A_1229 = arith.maximumf %gather3A_309, %get3A_1219 : vector<16xf32>
        %min3A_1230 = arith.minimumf %gather3A_310, %get3A_1221 : vector<16xf32>
        %min3A_1231 = arith.minimumf %gather3A_311, %get3A_1223 : vector<16xf32>
        %sub3A_1232 = arith.subf %min3A_1230, %max3A_1228 : vector<16xf32>
        %max3A_1233 = arith.constant 0.000000e+00 : f32
        %max3A_1234 = vector.broadcast %max3A_1233 : f32 to vector<16xf32>
        %max3A_1235 = arith.maximumf %sub3A_1232, %max3A_1234 : vector<16xf32>
        %sub3A_1236 = arith.subf %min3A_1231, %max3A_1229 : vector<16xf32>
        %max3A_1237 = arith.constant 0.000000e+00 : f32
        %max3A_1238 = vector.broadcast %max3A_1237 : f32 to vector<16xf32>
        %max3A_1239 = arith.maximumf %sub3A_1236, %max3A_1238 : vector<16xf32>
        %mul3A_1240 = arith.mulf %max3A_1235, %max3A_1239 : vector<16xf32>
        %mul3A_1241 = arith.constant 16 : i32
        %mul3A_1242 = arith.muli %scan3A_1212, %mul3A_1241 : i32
        %get3A_1243 = arith.index_cast %mul3A_1242 : i32 to index
        %get3A_1244 = tpu.vector_load %arg17[%get3A_1243] {strides = array<i32>} : memref<704xf32, #tpu.memory_space<vmem>>, vector<16xf32>,
        %add3A_1245 = arith.addf %mul3A_314, %get3A_1244 : vector<16xf32>
        %sub3A_1246 = arith.subf %add3A_1245, %mul3A_1240 : vector<16xf32>
        %div3A_1247 = arith.divf %mul3A_1240, %sub3A_1246 : vector<16xf32>
        %le3A_1248 = arith.constant 5.000000e-01 : f32
        %le3A_1249 = vector.broadcast %le3A_1248 : f32 to vector<16xf32>
        %le3A_1250 = arith.cmpf ole, %div3A_1247, %le3A_1249 : vector<16xf32>
        %broadcast_in_dim3A_1251 = vector.broadcast %scan3A_103 : f32 to vector<16xf32>
        %select_n3A_1252 = arith.select %le3A_1250, %get3A_1227, %broadcast_in_dim3A_1251 : vector<16xi1>, vector<16xf32>
        %mul3A_1253 = arith.constant 16 : i32
        %mul3A_1254 = arith.muli %scan3A_1212, %mul3A_1253 : i32
        %swap3A_1255 = arith.index_cast %mul3A_1254 : i32 to index
        %swap3A_1256 = tpu.vector_load %arg16[%swap3A_1255] {strides = array<i32>} : memref<704xf32, #tpu.memory_space<vmem>>, vector<16xf32>,
        tpu.vector_store %arg16[%swap3A_1255], %select_n3A_1252 {strides = array<i32>} : memref<704xf32, #tpu.memory_space<vmem>>, vector<16xf32>,
        %gt3A_1257 = arith.cmpf ogt, %select_n3A_1252, %select_n3A_1209 : vector<16xf32>
        %add3A_1258 = vector.broadcast %add3A_1215 : i32 to vector<16xi32>
        %add3A_1259 = arith.addi %add3A_1258, %iota3A : vector<16xi32>
        %select_n3A_1260 = arith.select %gt3A_1257, %select_n3A_1252, %select_n3A_1209 : vector<16xi1>, vector<16xf32>
        %select_n3A_1261 = arith.select %gt3A_1257, %add3A_1259, %select_n3A_1210 : vector<16xi1>, vector<16xi32>
        %scan3A_1262 = arith.constant 18 : i32
        %scan3A_1263 = arith.addi %scan3A_344, %scan3A_1262 : i32
        %mul3A_1264 = arith.constant 16 : i32
        %mul3A_1265 = arith.muli %scan3A_1263, %mul3A_1264 : i32
        %add3A_1266 = arith.addi %mul3A_32, %mul3A_1265 : i32
        %get3A_1267 = arith.index_cast %add3A_1266 : i32 to index
        %get3A_1268 = tpu.vector_load %arg11[%get3A_1267] {strides = array<i32>} : memref<2816xf32, #tpu.memory_space<vmem>>, vector<16xf32>,
        %get3A_1269 = arith.index_cast %add3A_1266 : i32 to index
        %get3A_1270 = tpu.vector_load %arg12[%get3A_1269] {strides = array<i32>} : memref<2816xf32, #tpu.memory_space<vmem>>, vector<16xf32>,
        %get3A_1271 = arith.index_cast %add3A_1266 : i32 to index
        %get3A_1272 = tpu.vector_load %arg13[%get3A_1271] {strides = array<i32>} : memref<2816xf32, #tpu.memory_space<vmem>>, vector<16xf32>,
        %get3A_1273 = arith.index_cast %add3A_1266 : i32 to index
        %get3A_1274 = tpu.vector_load %arg14[%get3A_1273] {strides = array<i32>} : memref<2816xf32, #tpu.memory_space<vmem>>, vector<16xf32>,
        %mul3A_1275 = arith.constant 16 : i32
        %mul3A_1276 = arith.muli %scan3A_1263, %mul3A_1275 : i32
        %get3A_1277 = arith.index_cast %mul3A_1276 : i32 to index
        %get3A_1278 = tpu.vector_load %arg16[%get3A_1277] {strides = array<i32>} : memref<704xf32, #tpu.memory_space<vmem>>, vector<16xf32>,
        %max3A_1279 = arith.maximumf %gather3A_308, %get3A_1268 : vector<16xf32>
        %max3A_1280 = arith.maximumf %gather3A_309, %get3A_1270 : vector<16xf32>
        %min3A_1281 = arith.minimumf %gather3A_310, %get3A_1272 : vector<16xf32>
        %min3A_1282 = arith.minimumf %gather3A_311, %get3A_1274 : vector<16xf32>
        %sub3A_1283 = arith.subf %min3A_1281, %max3A_1279 : vector<16xf32>
        %max3A_1284 = arith.constant 0.000000e+00 : f32
        %max3A_1285 = vector.broadcast %max3A_1284 : f32 to vector<16xf32>
        %max3A_1286 = arith.maximumf %sub3A_1283, %max3A_1285 : vector<16xf32>
        %sub3A_1287 = arith.subf %min3A_1282, %max3A_1280 : vector<16xf32>
        %max3A_1288 = arith.constant 0.000000e+00 : f32
        %max3A_1289 = vector.broadcast %max3A_1288 : f32 to vector<16xf32>
        %max3A_1290 = arith.maximumf %sub3A_1287, %max3A_1289 : vector<16xf32>
        %mul3A_1291 = arith.mulf %max3A_1286, %max3A_1290 : vector<16xf32>
        %mul3A_1292 = arith.constant 16 : i32
        %mul3A_1293 = arith.muli %scan3A_1263, %mul3A_1292 : i32
        %get3A_1294 = arith.index_cast %mul3A_1293 : i32 to index
        %get3A_1295 = tpu.vector_load %arg17[%get3A_1294] {strides = array<i32>} : memref<704xf32, #tpu.memory_space<vmem>>, vector<16xf32>,
        %add3A_1296 = arith.addf %mul3A_314, %get3A_1295 : vector<16xf32>
        %sub3A_1297 = arith.subf %add3A_1296, %mul3A_1291 : vector<16xf32>
        %div3A_1298 = arith.divf %mul3A_1291, %sub3A_1297 : vector<16xf32>
        %le3A_1299 = arith.constant 5.000000e-01 : f32
        %le3A_1300 = vector.broadcast %le3A_1299 : f32 to vector<16xf32>
        %le3A_1301 = arith.cmpf ole, %div3A_1298, %le3A_1300 : vector<16xf32>
        %broadcast_in_dim3A_1302 = vector.broadcast %scan3A_103 : f32 to vector<16xf32>
        %select_n3A_1303 = arith.select %le3A_1301, %get3A_1278, %broadcast_in_dim3A_1302 : vector<16xi1>, vector<16xf32>
        %mul3A_1304 = arith.constant 16 : i32
        %mul3A_1305 = arith.muli %scan3A_1263, %mul3A_1304 : i32
        %swap3A_1306 = arith.index_cast %mul3A_1305 : i32 to index
        %swap3A_1307 = tpu.vector_load %arg16[%swap3A_1306] {strides = array<i32>} : memref<704xf32, #tpu.memory_space<vmem>>, vector<16xf32>,
        tpu.vector_store %arg16[%swap3A_1306], %select_n3A_1303 {strides = array<i32>} : memref<704xf32, #tpu.memory_space<vmem>>, vector<16xf32>,
        %gt3A_1308 = arith.cmpf ogt, %select_n3A_1303, %select_n3A_1260 : vector<16xf32>
        %add3A_1309 = vector.broadcast %add3A_1266 : i32 to vector<16xi32>
        %add3A_1310 = arith.addi %add3A_1309, %iota3A : vector<16xi32>
        %select_n3A_1311 = arith.select %gt3A_1308, %select_n3A_1303, %select_n3A_1260 : vector<16xi1>, vector<16xf32>
        %select_n3A_1312 = arith.select %gt3A_1308, %add3A_1310, %select_n3A_1261 : vector<16xi1>, vector<16xi32>
        %scan3A_1313 = arith.constant 19 : i32
        %scan3A_1314 = arith.addi %scan3A_344, %scan3A_1313 : i32
        %mul3A_1315 = arith.constant 16 : i32
        %mul3A_1316 = arith.muli %scan3A_1314, %mul3A_1315 : i32
        %add3A_1317 = arith.addi %mul3A_32, %mul3A_1316 : i32
        %get3A_1318 = arith.index_cast %add3A_1317 : i32 to index
        %get3A_1319 = tpu.vector_load %arg11[%get3A_1318] {strides = array<i32>} : memref<2816xf32, #tpu.memory_space<vmem>>, vector<16xf32>,
        %get3A_1320 = arith.index_cast %add3A_1317 : i32 to index
        %get3A_1321 = tpu.vector_load %arg12[%get3A_1320] {strides = array<i32>} : memref<2816xf32, #tpu.memory_space<vmem>>, vector<16xf32>,
        %get3A_1322 = arith.index_cast %add3A_1317 : i32 to index
        %get3A_1323 = tpu.vector_load %arg13[%get3A_1322] {strides = array<i32>} : memref<2816xf32, #tpu.memory_space<vmem>>, vector<16xf32>,
        %get3A_1324 = arith.index_cast %add3A_1317 : i32 to index
        %get3A_1325 = tpu.vector_load %arg14[%get3A_1324] {strides = array<i32>} : memref<2816xf32, #tpu.memory_space<vmem>>, vector<16xf32>,
        %mul3A_1326 = arith.constant 16 : i32
        %mul3A_1327 = arith.muli %scan3A_1314, %mul3A_1326 : i32
        %get3A_1328 = arith.index_cast %mul3A_1327 : i32 to index
        %get3A_1329 = tpu.vector_load %arg16[%get3A_1328] {strides = array<i32>} : memref<704xf32, #tpu.memory_space<vmem>>, vector<16xf32>,
        %max3A_1330 = arith.maximumf %gather3A_308, %get3A_1319 : vector<16xf32>
        %max3A_1331 = arith.maximumf %gather3A_309, %get3A_1321 : vector<16xf32>
        %min3A_1332 = arith.minimumf %gather3A_310, %get3A_1323 : vector<16xf32>
        %min3A_1333 = arith.minimumf %gather3A_311, %get3A_1325 : vector<16xf32>
        %sub3A_1334 = arith.subf %min3A_1332, %max3A_1330 : vector<16xf32>
        %max3A_1335 = arith.constant 0.000000e+00 : f32
        %max3A_1336 = vector.broadcast %max3A_1335 : f32 to vector<16xf32>
        %max3A_1337 = arith.maximumf %sub3A_1334, %max3A_1336 : vector<16xf32>
        %sub3A_1338 = arith.subf %min3A_1333, %max3A_1331 : vector<16xf32>
        %max3A_1339 = arith.constant 0.000000e+00 : f32
        %max3A_1340 = vector.broadcast %max3A_1339 : f32 to vector<16xf32>
        %max3A_1341 = arith.maximumf %sub3A_1338, %max3A_1340 : vector<16xf32>
        %mul3A_1342 = arith.mulf %max3A_1337, %max3A_1341 : vector<16xf32>
        %mul3A_1343 = arith.constant 16 : i32
        %mul3A_1344 = arith.muli %scan3A_1314, %mul3A_1343 : i32
        %get3A_1345 = arith.index_cast %mul3A_1344 : i32 to index
        %get3A_1346 = tpu.vector_load %arg17[%get3A_1345] {strides = array<i32>} : memref<704xf32, #tpu.memory_space<vmem>>, vector<16xf32>,
        %add3A_1347 = arith.addf %mul3A_314, %get3A_1346 : vector<16xf32>
        %sub3A_1348 = arith.subf %add3A_1347, %mul3A_1342 : vector<16xf32>
        %div3A_1349 = arith.divf %mul3A_1342, %sub3A_1348 : vector<16xf32>
        %le3A_1350 = arith.constant 5.000000e-01 : f32
        %le3A_1351 = vector.broadcast %le3A_1350 : f32 to vector<16xf32>
        %le3A_1352 = arith.cmpf ole, %div3A_1349, %le3A_1351 : vector<16xf32>
        %broadcast_in_dim3A_1353 = vector.broadcast %scan3A_103 : f32 to vector<16xf32>
        %select_n3A_1354 = arith.select %le3A_1352, %get3A_1329, %broadcast_in_dim3A_1353 : vector<16xi1>, vector<16xf32>
        %mul3A_1355 = arith.constant 16 : i32
        %mul3A_1356 = arith.muli %scan3A_1314, %mul3A_1355 : i32
        %swap3A_1357 = arith.index_cast %mul3A_1356 : i32 to index
        %swap3A_1358 = tpu.vector_load %arg16[%swap3A_1357] {strides = array<i32>} : memref<704xf32, #tpu.memory_space<vmem>>, vector<16xf32>,
        tpu.vector_store %arg16[%swap3A_1357], %select_n3A_1354 {strides = array<i32>} : memref<704xf32, #tpu.memory_space<vmem>>, vector<16xf32>,
        %gt3A_1359 = arith.cmpf ogt, %select_n3A_1354, %select_n3A_1311 : vector<16xf32>
        %add3A_1360 = vector.broadcast %add3A_1317 : i32 to vector<16xi32>
        %add3A_1361 = arith.addi %add3A_1360, %iota3A : vector<16xi32>
        %select_n3A_1362 = arith.select %gt3A_1359, %select_n3A_1354, %select_n3A_1311 : vector<16xi1>, vector<16xf32>
        %select_n3A_1363 = arith.select %gt3A_1359, %add3A_1361, %select_n3A_1312 : vector<16xi1>, vector<16xi32>
        %scan3A_1364 = arith.constant 20 : i32
        %scan3A_1365 = arith.addi %scan3A_344, %scan3A_1364 : i32
        %mul3A_1366 = arith.constant 16 : i32
        %mul3A_1367 = arith.muli %scan3A_1365, %mul3A_1366 : i32
        %add3A_1368 = arith.addi %mul3A_32, %mul3A_1367 : i32
        %get3A_1369 = arith.index_cast %add3A_1368 : i32 to index
        %get3A_1370 = tpu.vector_load %arg11[%get3A_1369] {strides = array<i32>} : memref<2816xf32, #tpu.memory_space<vmem>>, vector<16xf32>,
        %get3A_1371 = arith.index_cast %add3A_1368 : i32 to index
        %get3A_1372 = tpu.vector_load %arg12[%get3A_1371] {strides = array<i32>} : memref<2816xf32, #tpu.memory_space<vmem>>, vector<16xf32>,
        %get3A_1373 = arith.index_cast %add3A_1368 : i32 to index
        %get3A_1374 = tpu.vector_load %arg13[%get3A_1373] {strides = array<i32>} : memref<2816xf32, #tpu.memory_space<vmem>>, vector<16xf32>,
        %get3A_1375 = arith.index_cast %add3A_1368 : i32 to index
        %get3A_1376 = tpu.vector_load %arg14[%get3A_1375] {strides = array<i32>} : memref<2816xf32, #tpu.memory_space<vmem>>, vector<16xf32>,
        %mul3A_1377 = arith.constant 16 : i32
        %mul3A_1378 = arith.muli %scan3A_1365, %mul3A_1377 : i32
        %get3A_1379 = arith.index_cast %mul3A_1378 : i32 to index
        %get3A_1380 = tpu.vector_load %arg16[%get3A_1379] {strides = array<i32>} : memref<704xf32, #tpu.memory_space<vmem>>, vector<16xf32>,
        %max3A_1381 = arith.maximumf %gather3A_308, %get3A_1370 : vector<16xf32>
        %max3A_1382 = arith.maximumf %gather3A_309, %get3A_1372 : vector<16xf32>
        %min3A_1383 = arith.minimumf %gather3A_310, %get3A_1374 : vector<16xf32>
        %min3A_1384 = arith.minimumf %gather3A_311, %get3A_1376 : vector<16xf32>
        %sub3A_1385 = arith.subf %min3A_1383, %max3A_1381 : vector<16xf32>
        %max3A_1386 = arith.constant 0.000000e+00 : f32
        %max3A_1387 = vector.broadcast %max3A_1386 : f32 to vector<16xf32>
        %max3A_1388 = arith.maximumf %sub3A_1385, %max3A_1387 : vector<16xf32>
        %sub3A_1389 = arith.subf %min3A_1384, %max3A_1382 : vector<16xf32>
        %max3A_1390 = arith.constant 0.000000e+00 : f32
        %max3A_1391 = vector.broadcast %max3A_1390 : f32 to vector<16xf32>
        %max3A_1392 = arith.maximumf %sub3A_1389, %max3A_1391 : vector<16xf32>
        %mul3A_1393 = arith.mulf %max3A_1388, %max3A_1392 : vector<16xf32>
        %mul3A_1394 = arith.constant 16 : i32
        %mul3A_1395 = arith.muli %scan3A_1365, %mul3A_1394 : i32
        %get3A_1396 = arith.index_cast %mul3A_1395 : i32 to index
        %get3A_1397 = tpu.vector_load %arg17[%get3A_1396] {strides = array<i32>} : memref<704xf32, #tpu.memory_space<vmem>>, vector<16xf32>,
        %add3A_1398 = arith.addf %mul3A_314, %get3A_1397 : vector<16xf32>
        %sub3A_1399 = arith.subf %add3A_1398, %mul3A_1393 : vector<16xf32>
        %div3A_1400 = arith.divf %mul3A_1393, %sub3A_1399 : vector<16xf32>
        %le3A_1401 = arith.constant 5.000000e-01 : f32
        %le3A_1402 = vector.broadcast %le3A_1401 : f32 to vector<16xf32>
        %le3A_1403 = arith.cmpf ole, %div3A_1400, %le3A_1402 : vector<16xf32>
        %broadcast_in_dim3A_1404 = vector.broadcast %scan3A_103 : f32 to vector<16xf32>
        %select_n3A_1405 = arith.select %le3A_1403, %get3A_1380, %broadcast_in_dim3A_1404 : vector<16xi1>, vector<16xf32>
        %mul3A_1406 = arith.constant 16 : i32
        %mul3A_1407 = arith.muli %scan3A_1365, %mul3A_1406 : i32
        %swap3A_1408 = arith.index_cast %mul3A_1407 : i32 to index
        %swap3A_1409 = tpu.vector_load %arg16[%swap3A_1408] {strides = array<i32>} : memref<704xf32, #tpu.memory_space<vmem>>, vector<16xf32>,
        tpu.vector_store %arg16[%swap3A_1408], %select_n3A_1405 {strides = array<i32>} : memref<704xf32, #tpu.memory_space<vmem>>, vector<16xf32>,
        %gt3A_1410 = arith.cmpf ogt, %select_n3A_1405, %select_n3A_1362 : vector<16xf32>
        %add3A_1411 = vector.broadcast %add3A_1368 : i32 to vector<16xi32>
        %add3A_1412 = arith.addi %add3A_1411, %iota3A : vector<16xi32>
        %select_n3A_1413 = arith.select %gt3A_1410, %select_n3A_1405, %select_n3A_1362 : vector<16xi1>, vector<16xf32>
        %select_n3A_1414 = arith.select %gt3A_1410, %add3A_1412, %select_n3A_1363 : vector<16xi1>, vector<16xi32>
        %scan3A_1415 = arith.constant 21 : i32
        %scan3A_1416 = arith.addi %scan3A_344, %scan3A_1415 : i32
        %mul3A_1417 = arith.constant 16 : i32
        %mul3A_1418 = arith.muli %scan3A_1416, %mul3A_1417 : i32
        %add3A_1419 = arith.addi %mul3A_32, %mul3A_1418 : i32
        %get3A_1420 = arith.index_cast %add3A_1419 : i32 to index
        %get3A_1421 = tpu.vector_load %arg11[%get3A_1420] {strides = array<i32>} : memref<2816xf32, #tpu.memory_space<vmem>>, vector<16xf32>,
        %get3A_1422 = arith.index_cast %add3A_1419 : i32 to index
        %get3A_1423 = tpu.vector_load %arg12[%get3A_1422] {strides = array<i32>} : memref<2816xf32, #tpu.memory_space<vmem>>, vector<16xf32>,
        %get3A_1424 = arith.index_cast %add3A_1419 : i32 to index
        %get3A_1425 = tpu.vector_load %arg13[%get3A_1424] {strides = array<i32>} : memref<2816xf32, #tpu.memory_space<vmem>>, vector<16xf32>,
        %get3A_1426 = arith.index_cast %add3A_1419 : i32 to index
        %get3A_1427 = tpu.vector_load %arg14[%get3A_1426] {strides = array<i32>} : memref<2816xf32, #tpu.memory_space<vmem>>, vector<16xf32>,
        %mul3A_1428 = arith.constant 16 : i32
        %mul3A_1429 = arith.muli %scan3A_1416, %mul3A_1428 : i32
        %get3A_1430 = arith.index_cast %mul3A_1429 : i32 to index
        %get3A_1431 = tpu.vector_load %arg16[%get3A_1430] {strides = array<i32>} : memref<704xf32, #tpu.memory_space<vmem>>, vector<16xf32>,
        %max3A_1432 = arith.maximumf %gather3A_308, %get3A_1421 : vector<16xf32>
        %max3A_1433 = arith.maximumf %gather3A_309, %get3A_1423 : vector<16xf32>
        %min3A_1434 = arith.minimumf %gather3A_310, %get3A_1425 : vector<16xf32>
        %min3A_1435 = arith.minimumf %gather3A_311, %get3A_1427 : vector<16xf32>
        %sub3A_1436 = arith.subf %min3A_1434, %max3A_1432 : vector<16xf32>
        %max3A_1437 = arith.constant 0.000000e+00 : f32
        %max3A_1438 = vector.broadcast %max3A_1437 : f32 to vector<16xf32>
        %max3A_1439 = arith.maximumf %sub3A_1436, %max3A_1438 : vector<16xf32>
        %sub3A_1440 = arith.subf %min3A_1435, %max3A_1433 : vector<16xf32>
        %max3A_1441 = arith.constant 0.000000e+00 : f32
        %max3A_1442 = vector.broadcast %max3A_1441 : f32 to vector<16xf32>
        %max3A_1443 = arith.maximumf %sub3A_1440, %max3A_1442 : vector<16xf32>
        %mul3A_1444 = arith.mulf %max3A_1439, %max3A_1443 : vector<16xf32>
        %mul3A_1445 = arith.constant 16 : i32
        %mul3A_1446 = arith.muli %scan3A_1416, %mul3A_1445 : i32
        %get3A_1447 = arith.index_cast %mul3A_1446 : i32 to index
        %get3A_1448 = tpu.vector_load %arg17[%get3A_1447] {strides = array<i32>} : memref<704xf32, #tpu.memory_space<vmem>>, vector<16xf32>,
        %add3A_1449 = arith.addf %mul3A_314, %get3A_1448 : vector<16xf32>
        %sub3A_1450 = arith.subf %add3A_1449, %mul3A_1444 : vector<16xf32>
        %div3A_1451 = arith.divf %mul3A_1444, %sub3A_1450 : vector<16xf32>
        %le3A_1452 = arith.constant 5.000000e-01 : f32
        %le3A_1453 = vector.broadcast %le3A_1452 : f32 to vector<16xf32>
        %le3A_1454 = arith.cmpf ole, %div3A_1451, %le3A_1453 : vector<16xf32>
        %broadcast_in_dim3A_1455 = vector.broadcast %scan3A_103 : f32 to vector<16xf32>
        %select_n3A_1456 = arith.select %le3A_1454, %get3A_1431, %broadcast_in_dim3A_1455 : vector<16xi1>, vector<16xf32>
        %mul3A_1457 = arith.constant 16 : i32
        %mul3A_1458 = arith.muli %scan3A_1416, %mul3A_1457 : i32
        %swap3A_1459 = arith.index_cast %mul3A_1458 : i32 to index
        %swap3A_1460 = tpu.vector_load %arg16[%swap3A_1459] {strides = array<i32>} : memref<704xf32, #tpu.memory_space<vmem>>, vector<16xf32>,
        tpu.vector_store %arg16[%swap3A_1459], %select_n3A_1456 {strides = array<i32>} : memref<704xf32, #tpu.memory_space<vmem>>, vector<16xf32>,
        %gt3A_1461 = arith.cmpf ogt, %select_n3A_1456, %select_n3A_1413 : vector<16xf32>
        %add3A_1462 = vector.broadcast %add3A_1419 : i32 to vector<16xi32>
        %add3A_1463 = arith.addi %add3A_1462, %iota3A : vector<16xi32>
        %select_n3A_1464 = arith.select %gt3A_1461, %select_n3A_1456, %select_n3A_1413 : vector<16xi1>, vector<16xf32>
        %select_n3A_1465 = arith.select %gt3A_1461, %add3A_1463, %select_n3A_1414 : vector<16xi1>, vector<16xi32>
        scf.yield %select_n3A_1464, %select_n3A_1465 : vector<16xf32>, vector<16xi32>
      }
      %scan3A_338 = arith.constant 44 : i32
      %eq3A_339 = arith.constant 0 : i32
      %eq3A_340 = arith.cmpi eq, %select_n3A_30, %eq3A_339 : i32
      %convert_element_type3A_341 = arith.extui %eq3A_340 : i1 to i32
      %cond3A_342 = arith.constant 0 : i32
      %cond3A_343 = arith.cmpi ne, %convert_element_type3A_341, %cond3A_342 : i32
      scf.if %cond3A_343 {
        %jit3A_344 = arith.constant 1.000000e+00 : f32
        %jit3A_345 = arith.constant 0.000000e+00 : f32
        %broadcast_in_dim3A_346 = vector.broadcast %jit3A_344 : f32 to vector<16xf32>
        %broadcast_in_dim3A_347 = vector.broadcast %jit3A_345 : f32 to vector<16xf32>
        %select_n3A_348 = arith.select %ne3A_304, %broadcast_in_dim3A_346, %broadcast_in_dim3A_347 : vector<16xi1>, vector<16xf32>
        %jit3A_349 = arith.constant 1 : i32
        %jit3A_350 = arith.constant 0 : i32
        %broadcast_in_dim3A_351 = vector.broadcast %jit3A_349 : i32 to vector<16xi32>
        %broadcast_in_dim3A_352 = vector.broadcast %jit3A_350 : i32 to vector<16xi32>
        %select_n3A_353 = arith.select %ne3A_304, %broadcast_in_dim3A_351, %broadcast_in_dim3A_352 : vector<16xi1>, vector<16xi32>
        %gather3A_354 = tpu.vector_load_idx %arg15[%select_n3A_307] : memref<2816xi32, #tpu.memory_space<vmem>>[vector<16xi32>], vector<16xi32>,
        %broadcast_in_dim3A_355 = vector.broadcast %scan3A_113 : i32 to vector<16xi32>
        %mul3A_356 = arith.mulf %gather3A_308, %select_n3A_348 : vector<16xf32>
        tpu.vector_store_idx %arg20[%broadcast_in_dim3A_355], %mul3A_356 masked %eq3A_35 : memref<208xf32, #tpu.memory_space<vmem>>[vector<16xi32>], vector<16xf32>, vector<16xi1>
        %mul3A_357 = arith.mulf %gather3A_309, %select_n3A_348 : vector<16xf32>
        tpu.vector_store_idx %arg21[%broadcast_in_dim3A_355], %mul3A_357 masked %eq3A_35 : memref<208xf32, #tpu.memory_space<vmem>>[vector<16xi32>], vector<16xf32>, vector<16xi1>
        %mul3A_358 = arith.mulf %gather3A_310, %select_n3A_348 : vector<16xf32>
        tpu.vector_store_idx %arg22[%broadcast_in_dim3A_355], %mul3A_358 masked %eq3A_35 : memref<208xf32, #tpu.memory_space<vmem>>[vector<16xi32>], vector<16xf32>, vector<16xi1>
        %mul3A_359 = arith.mulf %gather3A_311, %select_n3A_348 : vector<16xf32>
        tpu.vector_store_idx %arg23[%broadcast_in_dim3A_355], %mul3A_359 masked %eq3A_35 : memref<208xf32, #tpu.memory_space<vmem>>[vector<16xi32>], vector<16xf32>, vector<16xi1>
        %mul3A_360 = arith.muli %gather3A_354, %select_n3A_353 : vector<16xi32>
        tpu.vector_store_idx %arg24[%broadcast_in_dim3A_355], %mul3A_360 masked %eq3A_35 : memref<208xi32, #tpu.memory_space<vmem>>[vector<16xi32>], vector<16xi32>, vector<16xi1>
        %jit3A_361 = arith.constant 0.000000e+00 : f32
        %broadcast_in_dim3A_362 = vector.broadcast %jit3A_361 : f32 to vector<16xf32>
        %select_n3A_363 = arith.select %ne3A_304, %select_n3A_301, %broadcast_in_dim3A_362 : vector<16xi1>, vector<16xf32>
        tpu.vector_store_idx %arg25[%broadcast_in_dim3A_355], %select_n3A_363 masked %eq3A_35 : memref<208xf32, #tpu.memory_space<vmem>>[vector<16xi32>], vector<16xf32>, vector<16xi1>
      } else {
      }
      scf.yield %scan3A_337#0, %scan3A_337#1 : vector<16xf32>, vector<16xi32>
    }
    %scan3A_109 = arith.constant 200 : i32
    %eq3A_110 = arith.constant 0 : i32
    %eq3A_111 = arith.cmpi eq, %select_n3A_30, %eq3A_110 : i32
    %convert_element_type3A = arith.extui %eq3A_111 : i1 to i32
    %cond3A = arith.constant 0 : i32
    %cond3A_112 = arith.cmpi ne, %convert_element_type3A, %cond3A : i32
    scf.if %cond3A_112 {
      %mul3A_113 = arith.constant 208 : i32
      %mul3A_114 = arith.muli %add3A, %mul3A_113 : i32
      %multiple_of3A_115 = tpu.assume_multiple %mul3A_114, 8 : i32
      "tpu.region"() ({
        %run_scoped3A = tpu.sem_alloc : memref<!tpu.dma_semaphore, #tpu.memory_space<semaphore_mem>>
        %dma_start3A = tpu.memref_slice %arg5[%multiple_of3A_115] : memref<1664xf32, #tpu.memory_space<hbm>> -> memref<208xf32, #tpu.memory_space<hbm>>
        %dma_start3A_116 = tpu.memref_slice %arg5[%multiple_of3A_115] : memref<1664xf32, #tpu.memory_space<hbm>> -> memref<208xf32, #tpu.memory_space<hbm>>
        tpu.enqueue_dma source(%arg20 : memref<208xf32, #tpu.memory_space<vmem>>) target(%dma_start3A_116 : memref<208xf32, #tpu.memory_space<hbm>>) target_semaphore(%run_scoped3A : memref<!tpu.dma_semaphore, #tpu.memory_space<semaphore_mem>>)
        %dma_wait3A = tpu.memref_slice %arg5[%multiple_of3A_115] : memref<1664xf32, #tpu.memory_space<hbm>> -> memref<208xf32, #tpu.memory_space<hbm>>
        %dma_wait3A_117 = tpu.memref_slice %arg5[%multiple_of3A_115] : memref<1664xf32, #tpu.memory_space<hbm>> -> memref<208xf32, #tpu.memory_space<hbm>>
        tpu.wait_dma2 semaphore(%run_scoped3A : memref<!tpu.dma_semaphore, #tpu.memory_space<semaphore_mem>>) src(%arg20 : memref<208xf32, #tpu.memory_space<vmem>>) dst(%dma_wait3A_117 : memref<208xf32, #tpu.memory_space<hbm>>)
        tpu.yield
      }) : () -> ()
      "tpu.region"() ({
        %run_scoped3A = tpu.sem_alloc : memref<!tpu.dma_semaphore, #tpu.memory_space<semaphore_mem>>
        %dma_start3A = tpu.memref_slice %arg6[%multiple_of3A_115] : memref<1664xf32, #tpu.memory_space<hbm>> -> memref<208xf32, #tpu.memory_space<hbm>>
        %dma_start3A_116 = tpu.memref_slice %arg6[%multiple_of3A_115] : memref<1664xf32, #tpu.memory_space<hbm>> -> memref<208xf32, #tpu.memory_space<hbm>>
        tpu.enqueue_dma source(%arg21 : memref<208xf32, #tpu.memory_space<vmem>>) target(%dma_start3A_116 : memref<208xf32, #tpu.memory_space<hbm>>) target_semaphore(%run_scoped3A : memref<!tpu.dma_semaphore, #tpu.memory_space<semaphore_mem>>)
        %dma_wait3A = tpu.memref_slice %arg6[%multiple_of3A_115] : memref<1664xf32, #tpu.memory_space<hbm>> -> memref<208xf32, #tpu.memory_space<hbm>>
        %dma_wait3A_117 = tpu.memref_slice %arg6[%multiple_of3A_115] : memref<1664xf32, #tpu.memory_space<hbm>> -> memref<208xf32, #tpu.memory_space<hbm>>
        tpu.wait_dma2 semaphore(%run_scoped3A : memref<!tpu.dma_semaphore, #tpu.memory_space<semaphore_mem>>) src(%arg21 : memref<208xf32, #tpu.memory_space<vmem>>) dst(%dma_wait3A_117 : memref<208xf32, #tpu.memory_space<hbm>>)
        tpu.yield
      }) : () -> ()
      "tpu.region"() ({
        %run_scoped3A = tpu.sem_alloc : memref<!tpu.dma_semaphore, #tpu.memory_space<semaphore_mem>>
        %dma_start3A = tpu.memref_slice %arg7[%multiple_of3A_115] : memref<1664xf32, #tpu.memory_space<hbm>> -> memref<208xf32, #tpu.memory_space<hbm>>
        %dma_start3A_116 = tpu.memref_slice %arg7[%multiple_of3A_115] : memref<1664xf32, #tpu.memory_space<hbm>> -> memref<208xf32, #tpu.memory_space<hbm>>
        tpu.enqueue_dma source(%arg22 : memref<208xf32, #tpu.memory_space<vmem>>) target(%dma_start3A_116 : memref<208xf32, #tpu.memory_space<hbm>>) target_semaphore(%run_scoped3A : memref<!tpu.dma_semaphore, #tpu.memory_space<semaphore_mem>>)
        %dma_wait3A = tpu.memref_slice %arg7[%multiple_of3A_115] : memref<1664xf32, #tpu.memory_space<hbm>> -> memref<208xf32, #tpu.memory_space<hbm>>
        %dma_wait3A_117 = tpu.memref_slice %arg7[%multiple_of3A_115] : memref<1664xf32, #tpu.memory_space<hbm>> -> memref<208xf32, #tpu.memory_space<hbm>>
        tpu.wait_dma2 semaphore(%run_scoped3A : memref<!tpu.dma_semaphore, #tpu.memory_space<semaphore_mem>>) src(%arg22 : memref<208xf32, #tpu.memory_space<vmem>>) dst(%dma_wait3A_117 : memref<208xf32, #tpu.memory_space<hbm>>)
        tpu.yield
      }) : () -> ()
      "tpu.region"() ({
        %run_scoped3A = tpu.sem_alloc : memref<!tpu.dma_semaphore, #tpu.memory_space<semaphore_mem>>
        %dma_start3A = tpu.memref_slice %arg8[%multiple_of3A_115] : memref<1664xf32, #tpu.memory_space<hbm>> -> memref<208xf32, #tpu.memory_space<hbm>>
        %dma_start3A_116 = tpu.memref_slice %arg8[%multiple_of3A_115] : memref<1664xf32, #tpu.memory_space<hbm>> -> memref<208xf32, #tpu.memory_space<hbm>>
        tpu.enqueue_dma source(%arg23 : memref<208xf32, #tpu.memory_space<vmem>>) target(%dma_start3A_116 : memref<208xf32, #tpu.memory_space<hbm>>) target_semaphore(%run_scoped3A : memref<!tpu.dma_semaphore, #tpu.memory_space<semaphore_mem>>)
        %dma_wait3A = tpu.memref_slice %arg8[%multiple_of3A_115] : memref<1664xf32, #tpu.memory_space<hbm>> -> memref<208xf32, #tpu.memory_space<hbm>>
        %dma_wait3A_117 = tpu.memref_slice %arg8[%multiple_of3A_115] : memref<1664xf32, #tpu.memory_space<hbm>> -> memref<208xf32, #tpu.memory_space<hbm>>
        tpu.wait_dma2 semaphore(%run_scoped3A : memref<!tpu.dma_semaphore, #tpu.memory_space<semaphore_mem>>) src(%arg23 : memref<208xf32, #tpu.memory_space<vmem>>) dst(%dma_wait3A_117 : memref<208xf32, #tpu.memory_space<hbm>>)
        tpu.yield
      }) : () -> ()
      "tpu.region"() ({
        %run_scoped3A = tpu.sem_alloc : memref<!tpu.dma_semaphore, #tpu.memory_space<semaphore_mem>>
        %dma_start3A = tpu.memref_slice %arg9[%multiple_of3A_115] : memref<1664xi32, #tpu.memory_space<hbm>> -> memref<208xi32, #tpu.memory_space<hbm>>
        %dma_start3A_116 = tpu.memref_slice %arg9[%multiple_of3A_115] : memref<1664xi32, #tpu.memory_space<hbm>> -> memref<208xi32, #tpu.memory_space<hbm>>
        tpu.enqueue_dma source(%arg24 : memref<208xi32, #tpu.memory_space<vmem>>) target(%dma_start3A_116 : memref<208xi32, #tpu.memory_space<hbm>>) target_semaphore(%run_scoped3A : memref<!tpu.dma_semaphore, #tpu.memory_space<semaphore_mem>>)
        %dma_wait3A = tpu.memref_slice %arg9[%multiple_of3A_115] : memref<1664xi32, #tpu.memory_space<hbm>> -> memref<208xi32, #tpu.memory_space<hbm>>
        %dma_wait3A_117 = tpu.memref_slice %arg9[%multiple_of3A_115] : memref<1664xi32, #tpu.memory_space<hbm>> -> memref<208xi32, #tpu.memory_space<hbm>>
        tpu.wait_dma2 semaphore(%run_scoped3A : memref<!tpu.dma_semaphore, #tpu.memory_space<semaphore_mem>>) src(%arg24 : memref<208xi32, #tpu.memory_space<vmem>>) dst(%dma_wait3A_117 : memref<208xi32, #tpu.memory_space<hbm>>)
        tpu.yield
      }) : () -> ()
      "tpu.region"() ({
        %run_scoped3A = tpu.sem_alloc : memref<!tpu.dma_semaphore, #tpu.memory_space<semaphore_mem>>
        %dma_start3A = tpu.memref_slice %arg10[%multiple_of3A_115] : memref<1664xf32, #tpu.memory_space<hbm>> -> memref<208xf32, #tpu.memory_space<hbm>>
        %dma_start3A_116 = tpu.memref_slice %arg10[%multiple_of3A_115] : memref<1664xf32, #tpu.memory_space<hbm>> -> memref<208xf32, #tpu.memory_space<hbm>>
        tpu.enqueue_dma source(%arg25 : memref<208xf32, #tpu.memory_space<vmem>>) target(%dma_start3A_116 : memref<208xf32, #tpu.memory_space<hbm>>) target_semaphore(%run_scoped3A : memref<!tpu.dma_semaphore, #tpu.memory_space<semaphore_mem>>)
        %dma_wait3A = tpu.memref_slice %arg10[%multiple_of3A_115] : memref<1664xf32, #tpu.memory_space<hbm>> -> memref<208xf32, #tpu.memory_space<hbm>>
        %dma_wait3A_117 = tpu.memref_slice %arg10[%multiple_of3A_115] : memref<1664xf32, #tpu.memory_space<hbm>> -> memref<208xf32, #tpu.memory_space<hbm>>
        tpu.wait_dma2 semaphore(%run_scoped3A : memref<!tpu.dma_semaphore, #tpu.memory_space<semaphore_mem>>) src(%arg25 : memref<208xf32, #tpu.memory_space<vmem>>) dst(%dma_wait3A_117 : memref<208xf32, #tpu.memory_space<hbm>>)
        tpu.yield
      }) : () -> ()
    } else {
    }
    return
  }
}

module attributes {stable_mosaic.version = 14 : i64} {
  func.func @_score_kernel(%arg0: memref<21x8x2816xf32, #tpu.memory_space<vmem>>, %arg1: memref<8x2816xf32, #tpu.memory_space<vmem>>, %arg2: memref<8x2816xi32, #tpu.memory_space<vmem>>) attributes {dimension_semantics = [], scalar_prefetch = 0 : i64, scratch_operands = 0 : i64, tpu.core_type = #tpu.core_type<tc>} {
    %get3A = arith.constant 0 : index
    %get3A_0 = arith.constant 0 : index
    %get3A_1 = arith.constant 0 : index
    %get3A_2 = vector.load %arg0[%get3A, %get3A_0, %get3A_1] : memref<21x8x2816xf32, #tpu.memory_space<vmem>>, vector<1x8x2816xf32>
    %get3A_3 = vector.shape_cast %get3A_2 : vector<1x8x2816xf32> to vector<8x2816xf32>
    %broadcast_in_dim3A = arith.constant 0 : i32
    %broadcast_in_dim3A_4 = vector.broadcast %broadcast_in_dim3A : i32 to vector<8x2816xi32>
    %get3A_5 = arith.constant 1 : index
    %get3A_6 = arith.constant 0 : index
    %get3A_7 = arith.constant 0 : index
    %get3A_8 = vector.load %arg0[%get3A_5, %get3A_6, %get3A_7] : memref<21x8x2816xf32, #tpu.memory_space<vmem>>, vector<1x8x2816xf32>
    %get3A_9 = vector.shape_cast %get3A_8 : vector<1x8x2816xf32> to vector<8x2816xf32>
    %gt3A = arith.cmpf ogt, %get3A_9, %get3A_3 : vector<8x2816xf32>
    %select_n3A = arith.select %gt3A, %get3A_9, %get3A_3 : vector<8x2816xi1>, vector<8x2816xf32>
    %jit3A = arith.constant 1 : i32
    %broadcast_in_dim3A_10 = vector.broadcast %jit3A : i32 to vector<8x2816xi32>
    %select_n3A_11 = arith.select %gt3A, %broadcast_in_dim3A_10, %broadcast_in_dim3A_4 : vector<8x2816xi1>, vector<8x2816xi32>
    %get3A_12 = arith.constant 2 : index
    %get3A_13 = arith.constant 0 : index
    %get3A_14 = arith.constant 0 : index
    %get3A_15 = vector.load %arg0[%get3A_12, %get3A_13, %get3A_14] : memref<21x8x2816xf32, #tpu.memory_space<vmem>>, vector<1x8x2816xf32>
    %get3A_16 = vector.shape_cast %get3A_15 : vector<1x8x2816xf32> to vector<8x2816xf32>
    %gt3A_17 = arith.cmpf ogt, %get3A_16, %select_n3A : vector<8x2816xf32>
    %select_n3A_18 = arith.select %gt3A_17, %get3A_16, %select_n3A : vector<8x2816xi1>, vector<8x2816xf32>
    %jit3A_19 = arith.constant 2 : i32
    %broadcast_in_dim3A_20 = vector.broadcast %jit3A_19 : i32 to vector<8x2816xi32>
    %select_n3A_21 = arith.select %gt3A_17, %broadcast_in_dim3A_20, %select_n3A_11 : vector<8x2816xi1>, vector<8x2816xi32>
    %get3A_22 = arith.constant 3 : index
    %get3A_23 = arith.constant 0 : index
    %get3A_24 = arith.constant 0 : index
    %get3A_25 = vector.load %arg0[%get3A_22, %get3A_23, %get3A_24] : memref<21x8x2816xf32, #tpu.memory_space<vmem>>, vector<1x8x2816xf32>
    %get3A_26 = vector.shape_cast %get3A_25 : vector<1x8x2816xf32> to vector<8x2816xf32>
    %gt3A_27 = arith.cmpf ogt, %get3A_26, %select_n3A_18 : vector<8x2816xf32>
    %select_n3A_28 = arith.select %gt3A_27, %get3A_26, %select_n3A_18 : vector<8x2816xi1>, vector<8x2816xf32>
    %jit3A_29 = arith.constant 3 : i32
    %broadcast_in_dim3A_30 = vector.broadcast %jit3A_29 : i32 to vector<8x2816xi32>
    %select_n3A_31 = arith.select %gt3A_27, %broadcast_in_dim3A_30, %select_n3A_21 : vector<8x2816xi1>, vector<8x2816xi32>
    %get3A_32 = arith.constant 4 : index
    %get3A_33 = arith.constant 0 : index
    %get3A_34 = arith.constant 0 : index
    %get3A_35 = vector.load %arg0[%get3A_32, %get3A_33, %get3A_34] : memref<21x8x2816xf32, #tpu.memory_space<vmem>>, vector<1x8x2816xf32>
    %get3A_36 = vector.shape_cast %get3A_35 : vector<1x8x2816xf32> to vector<8x2816xf32>
    %gt3A_37 = arith.cmpf ogt, %get3A_36, %select_n3A_28 : vector<8x2816xf32>
    %select_n3A_38 = arith.select %gt3A_37, %get3A_36, %select_n3A_28 : vector<8x2816xi1>, vector<8x2816xf32>
    %jit3A_39 = arith.constant 4 : i32
    %broadcast_in_dim3A_40 = vector.broadcast %jit3A_39 : i32 to vector<8x2816xi32>
    %select_n3A_41 = arith.select %gt3A_37, %broadcast_in_dim3A_40, %select_n3A_31 : vector<8x2816xi1>, vector<8x2816xi32>
    %get3A_42 = arith.constant 5 : index
    %get3A_43 = arith.constant 0 : index
    %get3A_44 = arith.constant 0 : index
    %get3A_45 = vector.load %arg0[%get3A_42, %get3A_43, %get3A_44] : memref<21x8x2816xf32, #tpu.memory_space<vmem>>, vector<1x8x2816xf32>
    %get3A_46 = vector.shape_cast %get3A_45 : vector<1x8x2816xf32> to vector<8x2816xf32>
    %gt3A_47 = arith.cmpf ogt, %get3A_46, %select_n3A_38 : vector<8x2816xf32>
    %select_n3A_48 = arith.select %gt3A_47, %get3A_46, %select_n3A_38 : vector<8x2816xi1>, vector<8x2816xf32>
    %jit3A_49 = arith.constant 5 : i32
    %broadcast_in_dim3A_50 = vector.broadcast %jit3A_49 : i32 to vector<8x2816xi32>
    %select_n3A_51 = arith.select %gt3A_47, %broadcast_in_dim3A_50, %select_n3A_41 : vector<8x2816xi1>, vector<8x2816xi32>
    %get3A_52 = arith.constant 6 : index
    %get3A_53 = arith.constant 0 : index
    %get3A_54 = arith.constant 0 : index
    %get3A_55 = vector.load %arg0[%get3A_52, %get3A_53, %get3A_54] : memref<21x8x2816xf32, #tpu.memory_space<vmem>>, vector<1x8x2816xf32>
    %get3A_56 = vector.shape_cast %get3A_55 : vector<1x8x2816xf32> to vector<8x2816xf32>
    %gt3A_57 = arith.cmpf ogt, %get3A_56, %select_n3A_48 : vector<8x2816xf32>
    %select_n3A_58 = arith.select %gt3A_57, %get3A_56, %select_n3A_48 : vector<8x2816xi1>, vector<8x2816xf32>
    %jit3A_59 = arith.constant 6 : i32
    %broadcast_in_dim3A_60 = vector.broadcast %jit3A_59 : i32 to vector<8x2816xi32>
    %select_n3A_61 = arith.select %gt3A_57, %broadcast_in_dim3A_60, %select_n3A_51 : vector<8x2816xi1>, vector<8x2816xi32>
    %get3A_62 = arith.constant 7 : index
    %get3A_63 = arith.constant 0 : index
    %get3A_64 = arith.constant 0 : index
    %get3A_65 = vector.load %arg0[%get3A_62, %get3A_63, %get3A_64] : memref<21x8x2816xf32, #tpu.memory_space<vmem>>, vector<1x8x2816xf32>
    %get3A_66 = vector.shape_cast %get3A_65 : vector<1x8x2816xf32> to vector<8x2816xf32>
    %gt3A_67 = arith.cmpf ogt, %get3A_66, %select_n3A_58 : vector<8x2816xf32>
    %select_n3A_68 = arith.select %gt3A_67, %get3A_66, %select_n3A_58 : vector<8x2816xi1>, vector<8x2816xf32>
    %jit3A_69 = arith.constant 7 : i32
    %broadcast_in_dim3A_70 = vector.broadcast %jit3A_69 : i32 to vector<8x2816xi32>
    %select_n3A_71 = arith.select %gt3A_67, %broadcast_in_dim3A_70, %select_n3A_61 : vector<8x2816xi1>, vector<8x2816xi32>
    %get3A_72 = arith.constant 8 : index
    %get3A_73 = arith.constant 0 : index
    %get3A_74 = arith.constant 0 : index
    %get3A_75 = vector.load %arg0[%get3A_72, %get3A_73, %get3A_74] : memref<21x8x2816xf32, #tpu.memory_space<vmem>>, vector<1x8x2816xf32>
    %get3A_76 = vector.shape_cast %get3A_75 : vector<1x8x2816xf32> to vector<8x2816xf32>
    %gt3A_77 = arith.cmpf ogt, %get3A_76, %select_n3A_68 : vector<8x2816xf32>
    %select_n3A_78 = arith.select %gt3A_77, %get3A_76, %select_n3A_68 : vector<8x2816xi1>, vector<8x2816xf32>
    %jit3A_79 = arith.constant 8 : i32
    %broadcast_in_dim3A_80 = vector.broadcast %jit3A_79 : i32 to vector<8x2816xi32>
    %select_n3A_81 = arith.select %gt3A_77, %broadcast_in_dim3A_80, %select_n3A_71 : vector<8x2816xi1>, vector<8x2816xi32>
    %get3A_82 = arith.constant 9 : index
    %get3A_83 = arith.constant 0 : index
    %get3A_84 = arith.constant 0 : index
    %get3A_85 = vector.load %arg0[%get3A_82, %get3A_83, %get3A_84] : memref<21x8x2816xf32, #tpu.memory_space<vmem>>, vector<1x8x2816xf32>
    %get3A_86 = vector.shape_cast %get3A_85 : vector<1x8x2816xf32> to vector<8x2816xf32>
    %gt3A_87 = arith.cmpf ogt, %get3A_86, %select_n3A_78 : vector<8x2816xf32>
    %select_n3A_88 = arith.select %gt3A_87, %get3A_86, %select_n3A_78 : vector<8x2816xi1>, vector<8x2816xf32>
    %jit3A_89 = arith.constant 9 : i32
    %broadcast_in_dim3A_90 = vector.broadcast %jit3A_89 : i32 to vector<8x2816xi32>
    %select_n3A_91 = arith.select %gt3A_87, %broadcast_in_dim3A_90, %select_n3A_81 : vector<8x2816xi1>, vector<8x2816xi32>
    %get3A_92 = arith.constant 10 : index
    %get3A_93 = arith.constant 0 : index
    %get3A_94 = arith.constant 0 : index
    %get3A_95 = vector.load %arg0[%get3A_92, %get3A_93, %get3A_94] : memref<21x8x2816xf32, #tpu.memory_space<vmem>>, vector<1x8x2816xf32>
    %get3A_96 = vector.shape_cast %get3A_95 : vector<1x8x2816xf32> to vector<8x2816xf32>
    %gt3A_97 = arith.cmpf ogt, %get3A_96, %select_n3A_88 : vector<8x2816xf32>
    %select_n3A_98 = arith.select %gt3A_97, %get3A_96, %select_n3A_88 : vector<8x2816xi1>, vector<8x2816xf32>
    %jit3A_99 = arith.constant 10 : i32
    %broadcast_in_dim3A_100 = vector.broadcast %jit3A_99 : i32 to vector<8x2816xi32>
    %select_n3A_101 = arith.select %gt3A_97, %broadcast_in_dim3A_100, %select_n3A_91 : vector<8x2816xi1>, vector<8x2816xi32>
    %get3A_102 = arith.constant 11 : index
    %get3A_103 = arith.constant 0 : index
    %get3A_104 = arith.constant 0 : index
    %get3A_105 = vector.load %arg0[%get3A_102, %get3A_103, %get3A_104] : memref<21x8x2816xf32, #tpu.memory_space<vmem>>, vector<1x8x2816xf32>
    %get3A_106 = vector.shape_cast %get3A_105 : vector<1x8x2816xf32> to vector<8x2816xf32>
    %gt3A_107 = arith.cmpf ogt, %get3A_106, %select_n3A_98 : vector<8x2816xf32>
    %select_n3A_108 = arith.select %gt3A_107, %get3A_106, %select_n3A_98 : vector<8x2816xi1>, vector<8x2816xf32>
    %jit3A_109 = arith.constant 11 : i32
    %broadcast_in_dim3A_110 = vector.broadcast %jit3A_109 : i32 to vector<8x2816xi32>
    %select_n3A_111 = arith.select %gt3A_107, %broadcast_in_dim3A_110, %select_n3A_101 : vector<8x2816xi1>, vector<8x2816xi32>
    %get3A_112 = arith.constant 12 : index
    %get3A_113 = arith.constant 0 : index
    %get3A_114 = arith.constant 0 : index
    %get3A_115 = vector.load %arg0[%get3A_112, %get3A_113, %get3A_114] : memref<21x8x2816xf32, #tpu.memory_space<vmem>>, vector<1x8x2816xf32>
    %get3A_116 = vector.shape_cast %get3A_115 : vector<1x8x2816xf32> to vector<8x2816xf32>
    %gt3A_117 = arith.cmpf ogt, %get3A_116, %select_n3A_108 : vector<8x2816xf32>
    %select_n3A_118 = arith.select %gt3A_117, %get3A_116, %select_n3A_108 : vector<8x2816xi1>, vector<8x2816xf32>
    %jit3A_119 = arith.constant 12 : i32
    %broadcast_in_dim3A_120 = vector.broadcast %jit3A_119 : i32 to vector<8x2816xi32>
    %select_n3A_121 = arith.select %gt3A_117, %broadcast_in_dim3A_120, %select_n3A_111 : vector<8x2816xi1>, vector<8x2816xi32>
    %get3A_122 = arith.constant 13 : index
    %get3A_123 = arith.constant 0 : index
    %get3A_124 = arith.constant 0 : index
    %get3A_125 = vector.load %arg0[%get3A_122, %get3A_123, %get3A_124] : memref<21x8x2816xf32, #tpu.memory_space<vmem>>, vector<1x8x2816xf32>
    %get3A_126 = vector.shape_cast %get3A_125 : vector<1x8x2816xf32> to vector<8x2816xf32>
    %gt3A_127 = arith.cmpf ogt, %get3A_126, %select_n3A_118 : vector<8x2816xf32>
    %select_n3A_128 = arith.select %gt3A_127, %get3A_126, %select_n3A_118 : vector<8x2816xi1>, vector<8x2816xf32>
    %jit3A_129 = arith.constant 13 : i32
    %broadcast_in_dim3A_130 = vector.broadcast %jit3A_129 : i32 to vector<8x2816xi32>
    %select_n3A_131 = arith.select %gt3A_127, %broadcast_in_dim3A_130, %select_n3A_121 : vector<8x2816xi1>, vector<8x2816xi32>
    %get3A_132 = arith.constant 14 : index
    %get3A_133 = arith.constant 0 : index
    %get3A_134 = arith.constant 0 : index
    %get3A_135 = vector.load %arg0[%get3A_132, %get3A_133, %get3A_134] : memref<21x8x2816xf32, #tpu.memory_space<vmem>>, vector<1x8x2816xf32>
    %get3A_136 = vector.shape_cast %get3A_135 : vector<1x8x2816xf32> to vector<8x2816xf32>
    %gt3A_137 = arith.cmpf ogt, %get3A_136, %select_n3A_128 : vector<8x2816xf32>
    %select_n3A_138 = arith.select %gt3A_137, %get3A_136, %select_n3A_128 : vector<8x2816xi1>, vector<8x2816xf32>
    %jit3A_139 = arith.constant 14 : i32
    %broadcast_in_dim3A_140 = vector.broadcast %jit3A_139 : i32 to vector<8x2816xi32>
    %select_n3A_141 = arith.select %gt3A_137, %broadcast_in_dim3A_140, %select_n3A_131 : vector<8x2816xi1>, vector<8x2816xi32>
    %get3A_142 = arith.constant 15 : index
    %get3A_143 = arith.constant 0 : index
    %get3A_144 = arith.constant 0 : index
    %get3A_145 = vector.load %arg0[%get3A_142, %get3A_143, %get3A_144] : memref<21x8x2816xf32, #tpu.memory_space<vmem>>, vector<1x8x2816xf32>
    %get3A_146 = vector.shape_cast %get3A_145 : vector<1x8x2816xf32> to vector<8x2816xf32>
    %gt3A_147 = arith.cmpf ogt, %get3A_146, %select_n3A_138 : vector<8x2816xf32>
    %select_n3A_148 = arith.select %gt3A_147, %get3A_146, %select_n3A_138 : vector<8x2816xi1>, vector<8x2816xf32>
    %jit3A_149 = arith.constant 15 : i32
    %broadcast_in_dim3A_150 = vector.broadcast %jit3A_149 : i32 to vector<8x2816xi32>
    %select_n3A_151 = arith.select %gt3A_147, %broadcast_in_dim3A_150, %select_n3A_141 : vector<8x2816xi1>, vector<8x2816xi32>
    %get3A_152 = arith.constant 16 : index
    %get3A_153 = arith.constant 0 : index
    %get3A_154 = arith.constant 0 : index
    %get3A_155 = vector.load %arg0[%get3A_152, %get3A_153, %get3A_154] : memref<21x8x2816xf32, #tpu.memory_space<vmem>>, vector<1x8x2816xf32>
    %get3A_156 = vector.shape_cast %get3A_155 : vector<1x8x2816xf32> to vector<8x2816xf32>
    %gt3A_157 = arith.cmpf ogt, %get3A_156, %select_n3A_148 : vector<8x2816xf32>
    %select_n3A_158 = arith.select %gt3A_157, %get3A_156, %select_n3A_148 : vector<8x2816xi1>, vector<8x2816xf32>
    %jit3A_159 = arith.constant 16 : i32
    %broadcast_in_dim3A_160 = vector.broadcast %jit3A_159 : i32 to vector<8x2816xi32>
    %select_n3A_161 = arith.select %gt3A_157, %broadcast_in_dim3A_160, %select_n3A_151 : vector<8x2816xi1>, vector<8x2816xi32>
    %get3A_162 = arith.constant 17 : index
    %get3A_163 = arith.constant 0 : index
    %get3A_164 = arith.constant 0 : index
    %get3A_165 = vector.load %arg0[%get3A_162, %get3A_163, %get3A_164] : memref<21x8x2816xf32, #tpu.memory_space<vmem>>, vector<1x8x2816xf32>
    %get3A_166 = vector.shape_cast %get3A_165 : vector<1x8x2816xf32> to vector<8x2816xf32>
    %gt3A_167 = arith.cmpf ogt, %get3A_166, %select_n3A_158 : vector<8x2816xf32>
    %select_n3A_168 = arith.select %gt3A_167, %get3A_166, %select_n3A_158 : vector<8x2816xi1>, vector<8x2816xf32>
    %jit3A_169 = arith.constant 17 : i32
    %broadcast_in_dim3A_170 = vector.broadcast %jit3A_169 : i32 to vector<8x2816xi32>
    %select_n3A_171 = arith.select %gt3A_167, %broadcast_in_dim3A_170, %select_n3A_161 : vector<8x2816xi1>, vector<8x2816xi32>
    %get3A_172 = arith.constant 18 : index
    %get3A_173 = arith.constant 0 : index
    %get3A_174 = arith.constant 0 : index
    %get3A_175 = vector.load %arg0[%get3A_172, %get3A_173, %get3A_174] : memref<21x8x2816xf32, #tpu.memory_space<vmem>>, vector<1x8x2816xf32>
    %get3A_176 = vector.shape_cast %get3A_175 : vector<1x8x2816xf32> to vector<8x2816xf32>
    %gt3A_177 = arith.cmpf ogt, %get3A_176, %select_n3A_168 : vector<8x2816xf32>
    %select_n3A_178 = arith.select %gt3A_177, %get3A_176, %select_n3A_168 : vector<8x2816xi1>, vector<8x2816xf32>
    %jit3A_179 = arith.constant 18 : i32
    %broadcast_in_dim3A_180 = vector.broadcast %jit3A_179 : i32 to vector<8x2816xi32>
    %select_n3A_181 = arith.select %gt3A_177, %broadcast_in_dim3A_180, %select_n3A_171 : vector<8x2816xi1>, vector<8x2816xi32>
    %get3A_182 = arith.constant 19 : index
    %get3A_183 = arith.constant 0 : index
    %get3A_184 = arith.constant 0 : index
    %get3A_185 = vector.load %arg0[%get3A_182, %get3A_183, %get3A_184] : memref<21x8x2816xf32, #tpu.memory_space<vmem>>, vector<1x8x2816xf32>
    %get3A_186 = vector.shape_cast %get3A_185 : vector<1x8x2816xf32> to vector<8x2816xf32>
    %gt3A_187 = arith.cmpf ogt, %get3A_186, %select_n3A_178 : vector<8x2816xf32>
    %select_n3A_188 = arith.select %gt3A_187, %get3A_186, %select_n3A_178 : vector<8x2816xi1>, vector<8x2816xf32>
    %jit3A_189 = arith.constant 19 : i32
    %broadcast_in_dim3A_190 = vector.broadcast %jit3A_189 : i32 to vector<8x2816xi32>
    %select_n3A_191 = arith.select %gt3A_187, %broadcast_in_dim3A_190, %select_n3A_181 : vector<8x2816xi1>, vector<8x2816xi32>
    %get3A_192 = arith.constant 20 : index
    %get3A_193 = arith.constant 0 : index
    %get3A_194 = arith.constant 0 : index
    %get3A_195 = vector.load %arg0[%get3A_192, %get3A_193, %get3A_194] : memref<21x8x2816xf32, #tpu.memory_space<vmem>>, vector<1x8x2816xf32>
    %get3A_196 = vector.shape_cast %get3A_195 : vector<1x8x2816xf32> to vector<8x2816xf32>
    %gt3A_197 = arith.cmpf ogt, %get3A_196, %select_n3A_188 : vector<8x2816xf32>
    %select_n3A_198 = arith.select %gt3A_197, %get3A_196, %select_n3A_188 : vector<8x2816xi1>, vector<8x2816xf32>
    %jit3A_199 = arith.constant 20 : i32
    %broadcast_in_dim3A_200 = vector.broadcast %jit3A_199 : i32 to vector<8x2816xi32>
    %select_n3A_201 = arith.select %gt3A_197, %broadcast_in_dim3A_200, %select_n3A_191 : vector<8x2816xi1>, vector<8x2816xi32>
    %swap3A = arith.constant 0 : index
    %swap3A_202 = arith.constant 0 : index
    %swap3A_203 = vector.load %arg1[%swap3A, %swap3A_202] : memref<8x2816xf32, #tpu.memory_space<vmem>>, vector<8x2816xf32>
    tpu.vector_store %arg1[%swap3A, %swap3A_202], %select_n3A_198 {strides = array<i32>} : memref<8x2816xf32, #tpu.memory_space<vmem>>, vector<8x2816xf32>,
    %swap3A_204 = arith.constant 0 : index
    %swap3A_205 = arith.constant 0 : index
    %swap3A_206 = vector.load %arg2[%swap3A_204, %swap3A_205] : memref<8x2816xi32, #tpu.memory_space<vmem>>, vector<8x2816xi32>
    tpu.vector_store %arg2[%swap3A_204, %swap3A_205], %select_n3A_201 {strides = array<i32>} : memref<8x2816xi32, #tpu.memory_space<vmem>>, vector<8x2816xi32>,
    return
  }
}

</mosaic_0001>

<sc_bundles>
// kernel: kernel.4.cloned.1.call-start
scs
__scs_entry_jumppad:
0x0: {  	(pc) =	sbr.rel $0x88, $3  }
0x1: {  	(tag) =	ssettag $0x0;
	lr =	simm.s32 $0x1  }
0x2: {  	[smem:$0x3EFF] =	sst lr;
	_ =	strace $0xD0000000  }
0x3: {  	_ = 	snop  }
0x4: {  	_ = 	snop  }
0x5: {  	_ = 	snop  }
0x6: {  	_ = 	snop  }
0x7: {  	_ = 	snop  }
__scs_overlays_trampoline_lowered:
0x8: {  	[smem:$0x3F0E] =	sst s0  }
0x9: {  	[smem:$0x3F0F] =	sst s1  }
0xa: {  	[smem:$0x3F10] =	sst s2  }
0xb: {  	[smem:$0x3F11] =	sst s3  }
0xc: {  	[smem:$0x3F12] =	sst s4  }
0xd: {  	[smem:$0x3F13] =	sst s5  }
0xe: {  	[smem:$0x3F14] =	sst s6  }
0xf: {  	[smem:$0x3F15] =	sst s7  }
0x10: {  	[smem:$0x3F16] =	sst s8  }
0x11: {  	[smem:$0x3F17] =	sst s9;
	s0 =	simm.s32 @!p0 $0x0  }
0x12: {  	s1 =	sld [smem:$0x3EFD];
	s0 =	simm.s32 @p0 $0x1  }
0x13: {  	[smem:$0x3F18] =	sst s0;
	s0 =	simm.s32 @!p1 $0x0  }
0x14: {  	s2 =	sld [smem:$0x3EFC];
	s0 =	simm.s32 @p1 $0x1  }
0x15: {  	[smem:$0x3F19] =	sst s0;
	s0 =	simm.s32 @!p2 $0x0  }
0x16: {  	s3 =	sld [smem:$0x3FDB];
	s0 =	simm.s32 @p2 $0x1  }
0x17: {  	s4 =	simm.s32 $0x1BF5;
	[smem:$0x3F1B] =	sst s0  }
0x18: {  	s0 =	sld [smem:$0x3EFE];
	_ =	swait.ge [sflag:s4], $0x0  }
0x19: {  	s7 =	sld [smem:$0x3EFF]  }
0x1a: {  	s8 =	sadd.s32 $0xFFFFE003, lr  }
0x1b: {  	s9 =	sadd.s32 $0xFFFFFEF7, lr;
	s5 =	simm.s32 $0xFFFFFFFF;
	p2 =	slt.u32 s8, $0xFFFFF086  }
0x1c: {  	p1 =	slt.u32 s9, $0xF7A;
	s5 =	simm.s32 @!p2 $0x0  }
0x1d: {  	s5 =	simm.s32 @p1 $0x1;
	p0 =	seq.s32 s7, s2  }
0x1e: {  	s7 =	smul.u32 @!p0 $0xF7A, s2;
	p2 =	seq.s32 @!p0 s5, $0x0  }
0x1f: {  	s9 =	smul.u32 $0xF7A, s1;
	s8 =	simm.s32 @!p0 $0x1BF5;
	p2 =	por !p2, p0  }
0x20: {  	[sflag:s8] =	ssyncset.s32 @!p0 $0xFFFFF086;
	s6 =	sadd.s32 @!p0 s3, s7;
	s7 =	simm.s32 @!p0 $0x108  }
0x21: {  	s3 =	sadd.s32 s3, s9;
	s6 =	sadd.s32 @!p0 $0x88, s6;
	s7 =	simm.s32 @p2 $0x1082  }
0x22: {  	[simem:s7], [sflag:s8] =	dma.local @!p0 [hbm:s6], $0xF7A  }
0x23: {  	s9 =	sor.u32 $0xD0000000, s2;
	s6 =	simm.s32 $0x108;
	_ =	swait.ge @!p0 [sflag:s8], $0x0  }
0x24: {  	s3 =	sadd.s32 $0x88, s3;
	s6 =	simm.s32 @!p1 $0x1082;
	[sflag:s4] =	ssyncset.s32 $0xFFFFF086  }
0x25: {  	[simem:s6], [sflag:s4] =	dma.local [hbm:s3], $0xF7A  }
0x26: {  	[smem:$0x3EFF] =	sst s1;
	(tag) =	ssettag s2;
	_ =	strace s9  }
0x27: {  	s1 =	sld [smem:$0x3F0F]  }
0x28: {  	s2 =	sld [smem:$0x3F10]  }
0x29: {  	s4 =	sld [smem:$0x3F12]  }
0x2a: {  	p0 =	seq.s32 s5, $0x0;
	s5 =	sld [smem:$0x3F13]  }
0x2b: {  	s6 =	sld [smem:$0x3F14]  }
0x2c: {  	s7 =	sld [smem:$0x3F15]  }
0x2d: {  	s3 =	simm.s32 $0x108;
	s8 =	sld [smem:$0x3F16]  }
0x2e: {  	s3 =	simm.s32 @!p0 $0x1082;
	s9 =	sld [smem:$0x3F17]  }
0x2f: {  	lr =	sadd.s32 s0, s3;
	s0 =	sld [smem:$0x3F0E]  }
0x30: {  	s3 =	sld [smem:$0x3F11]  }
0x31: {  	[smem:$0x3F1A] =	sst s10  }
0x32: {  	s10 =	sld [smem:$0x3F18];
	_ =	sdelay $0x3  }
0x33: {  	p0 =	seq.s32 s10, $0x1;
	s10 =	sld [smem:$0x3F1A];
	_ =	sdelay $0x3  }
0x34: {  	[smem:$0x3F1A] =	sst s10  }
0x35: {  	s10 =	sld [smem:$0x3F19];
	_ =	sdelay $0x3  }
0x36: {  	p1 =	seq.s32 s10, $0x1;
	s10 =	sld [smem:$0x3F1A];
	_ =	sdelay $0x3  }
0x37: {  	[smem:$0x3F1A] =	sst s10  }
0x38: {  	s10 =	sld [smem:$0x3F1B]  }
0x39: {  	_ = 	snop;
	(pc) =	sbr.ind lr, $3  }
0x3a: {  	_ = 	snop  }
0x3b: {  	_ = 	snop  }
0x3c: {  	p2 =	seq.s32 s10, $0x1;
	s10 =	sld [smem:$0x3F1A]  }
0x3d: {  	_ =	shalt  }
0x3e: {  	_ =	shalt  }
0x3f: {  	_ =	shalt  }
0x40: {  	_ =	shalt  }
0x41: {  	_ =	shalt  }
0x42: {  	_ =	shalt  }
0x43: {  	_ =	shalt  }
0x44: {  	_ =	shalt  }
0x45: {  	_ =	shalt  }
0x46: {  	_ =	shalt  }
0x47: {  	_ =	shalt  }
0x48: {  	_ =	shalt  }
0x49: {  	_ =	shalt  }
0x4a: {  	_ =	shalt  }
0x4b: {  	_ =	shalt  }
0x4c: {  	_ =	shalt  }
0x4d: {  	_ =	shalt  }
0x4e: {  	_ =	shalt  }
0x4f: {  	_ =	shalt  }
0x50: {  	_ =	shalt  }
0x51: {  	_ =	shalt  }
0x52: {  	_ =	shalt  }
0x53: {  	_ =	shalt  }
0x54: {  	_ =	shalt  }
0x55: {  	_ =	shalt  }
0x56: {  	_ =	shalt  }
0x57: {  	_ =	shalt  }
0x58: {  	_ =	shalt  }
0x59: {  	_ =	shalt  }
0x5a: {  	_ =	shalt  }
0x5b: {  	_ =	shalt  }
0x5c: {  	_ =	shalt  }
0x5d: {  	_ =	shalt  }
0x5e: {  	_ =	shalt  }
0x5f: {  	_ =	shalt  }
0x60: {  	_ =	shalt  }
0x61: {  	_ =	shalt  }
0x62: {  	_ =	shalt  }
0x63: {  	_ =	shalt  }
0x64: {  	_ =	shalt  }
0x65: {  	_ =	shalt  }
0x66: {  	_ =	shalt  }
0x67: {  	_ =	shalt  }
0x68: {  	_ =	shalt  }
0x69: {  	_ =	shalt  }
0x6a: {  	_ =	shalt  }
0x6b: {  	_ =	shalt  }
0x6c: {  	_ =	shalt  }
0x6d: {  	_ =	shalt  }
0x6e: {  	_ =	shalt  }
0x6f: {  	_ =	shalt  }
0x70: {  	_ =	shalt  }
0x71: {  	_ =	shalt  }
0x72: {  	_ =	shalt  }
0x73: {  	_ =	shalt  }
0x74: {  	_ =	shalt  }
0x75: {  	_ =	shalt  }
0x76: {  	_ =	shalt  }
0x77: {  	_ =	shalt  }
0x78: {  	_ =	shalt  }
0x79: {  	_ =	shalt  }
0x7a: {  	_ =	shalt  }
0x7b: {  	_ =	shalt  }
0x7c: {  	_ =	shalt  }
0x7d: {  	_ =	shalt  }
0x7e: {  	_ =	shalt  }
0x7f: {  	_ =	shalt  }
0x80: {  	_ =	shalt  }
0x81: {  	_ =	shalt  }
0x82: {  	_ =	shalt  }
0x83: {  	_ =	shalt  }
0x84: {  	_ =	shalt  }
0x85: {  	_ =	shalt  }
0x86: {  	_ =	shalt  }
0x87: {  	_ =	shalt  }
.Lfunc_end0:
.L_simem_size_0:
called_computation_lowered:
.L_overlay_start_0:
0x88: {  	s2 =	sld [smem:$0x3FD9]  }
0x89: {  	s3 =	sld [smem:$0x3FFE];
	_ =	sdelay $0x1  }
0x8a: {  	s1 =	srdreg.scid  }
0x8b: {  	s0 =	sand.u32 $0x1, s1  }
0x8c: {  	s14 =	sshll.u32 s0, $0xA;
	s2 =	sadd.s32 s3, s2  }
0x8d: {  	s2 =	sadd.s32 s2, s14  }
0x8e: {  	[smem:$0x3F26] =	sst s2  }
0x8f: {  	_ = 	snop  }
0x90: {  	s2 =	sld [smem:$0x3FD0];
	_ =	sdelay $0x2  }
0x91: {  	s15 =	simm.s32 $0xA;
	s4 =	simm.s32 $0x10  }
0x92: {  	[smem:s4], [sflag:s15] =	dma.local [hbm:s2], $0x1  }
0x93: {  	_ =	swait.eq [sflag:s15], $0x1  }
0x94: {  	s16 =	sld [smem:$0x10];
	[sflag:s15] =	ssyncset.done $0x0  }
0x95: {  	s17 =	sld [smem:$0x11];
	[sflag:s15] =	ssyncadd.s32 $0xFFFFFFFF  }
0x96: {  	s18 =	sld [smem:$0x12];
	(tm) =	ssettm $0x1  }
0x97: {  	s5 =	sld [smem:$0x3FFB];
	_ =	sdelay $0x3  }
0x98: {  	_ =	strace s5  }
0x99: {  	s5 =	sld [smem:$0x3FFC];
	_ =	sdelay $0x3  }
0x9a: {  	_ =	strace s5  }
0x9b: {  	s5 =	sld [smem:$0x3FFD];
	_ =	sdelay $0x3  }
0x9c: {  	_ =	strace s5  }
0x9d: {  	_ =	strace $0x8FFFFFFF  }
0x9e: {  	s19 =	sld [smem:$0x3FDB];
	_ =	sdelay $0x1  }
0x9f: {  	s6 =	simm.s32 $_scs_section_size  }
0xa0: {  	s7 =	simm.s32 $_size__tile_overlayer_lowered;
	s8 =	simm.s32 $_tile_overlayer_lowered  }
0xa1: {  	s22 =	simm.s32 $0x1BFF;
	s21 =	sshll.u32 s8, $0x1;
	s5 =	sadd.s32 s6, s19  }
0xa2: {  	s9 =	simm.s32 $0x0;
	s20 =	sshll.u32 s7, $0x1;
	s7 =	sadd.s32 s21, s5  }
0xa3: {  	[timem:s9], [sflag:s22] =	dma.local [hbm:s7], s20  }
0xa4: {  	_ =	swait.ge [sflag:s22], s20  }
0xa5: {  	s6 =	ssub.s32 $0x0, s20;
	[sflag:s22] =	ssyncset.done $0x0  }
0xa6: {  	[sflag:s22] =	ssyncadd.s32 s6;
	_ =	sdelay $0x1  }
0xa7: {  	s23 =	simm.s32 $0x1B8B  }
0xa8: {  	_ =	swait.ge [sflag:s23], $0x1  }
0xa9: {  	[sflag:s23] =	ssyncset.done $0x0  }
0xaa: {  	s25 =	simm.s32 $0x1B8E;
	s24 =	sld [smem:$0x3FFE];
	[sflag:s23] =	ssyncadd.s32 $0xFFFFFFFF  }
0xab: {  	s26 =	simm.s32 $execute0_lowered;
	[smem:$0x3FD2] =	sst s25  }
0xac: {  	s7 =	sshll.u32 s26, $0x1;
	_ =	strace $0x80000046;
	[dreg:$0x1] =	wrdreg $0xFFFFFFFF  }
0xad: {  	s28 =	simm.s32 $_size_execute0_lowered;
	s5 =	sadd.s32 s5, s7;
	[dreg:$0x0] =	wrdreg $0x0  }
0xae: {  	s7 =	sshll.u32 s28, $0x1;
	[dreg:$0x2] =	wrdreg s5  }
0xaf: {  	[dreg:$0x3] =	wrdreg s7  }
0xb0: {  	[dreg:$0x4] =	wrdreg $0xC0  }
0xb1: {  	_ =	task [dreg:s9], $0x5FFFF  }
0xb2: {  	[dreg:$0x1] =	wrdreg $0xFFFFFFFF  }
0xb3: {  	[dreg:$0x0] =	wrdreg $0x60  }
0xb4: {  	[dreg:$0x2] =	wrdreg s24  }
0xb5: {  	[dreg:$0x3] =	wrdreg s18  }
0xb6: {  	[dreg:$0x4] =	wrdreg s17  }
0xb7: {  	[dreg:$0x5] =	wrdreg s16  }
0xb8: {  	[dreg:$0x6] =	wrdreg $0x44000  }
0xb9: {  	[dreg:$0x7] =	wrdreg $0x9  }
0xba: {  	_ =	task.clear_ibuf [dreg:s9], $0x8FFFF;
	_ =	strace $0x90000046  }
0xbb: {  	s29 =	simm.s32 $0x9;
	_ =	strace $0x80000048  }
0xbc: {  	_ =	swait.ge [sflag:s29], $0x1  }
0xbd: {  	[sflag:s29] =	ssyncadd.s32 $0xFFFFFFFF  }
0xbe: {  	_ =	strace $0x90000048  }
0xbf: {  	_ =	sfence  }
0xc0: {  	s30 =	sld [smem:$0x0];
	_ =	sdelay $0x2  }
0xc1: {  	s31 =	sshll.u32 s1, $0xD;
	s1 =	sshrl.u32 s1, $0x2  }
0xc2: {  	s3 =	sand.u32 $0x4000, s31;
	s1 =	sadd.s32 s1, s30  }
0xc3: {  	s0 =	sor.u32 s3, s0;
	s1 =	sshll.u32 s1, $0x11  }
0xc4: {  	s0 =	sor.u32 s1, s0  }
0xc5: {  	s0 =	sadd.s32 $0x8F2B, s0  }
0xc6: {  	[sflag:s0] =	ssyncadd.remote.s32 $0x1  }
0xc7: {  	_ =	sfence.sel $0xFFFF  }
0xc8: {  	[dreg:$0x0] =	wrdreg $0xFFFFFFFF;
	(pc) =	sbr.abs _section_cstart, $3  }
0xc9: {  	[dreg:$0x1] =	wrdreg $0xFFFFFFFF  }
0xca: {  	_ =	task.clear_ibuf [dreg:s9], $0x2FFFF;
	_ =	strace $0x9FFFFFFF  }
0xcb: {  	(tm) =	ssettm $0x7FFFFFFF  }
tec
execute0_lowered:
.L_overlay_start_1:
0x0: {  	(tag) =	ssettag $0x1  }
0x1: {  	s1 =	rddreg [dreg:$0x0]  }
0x2: {  	s4 =	rddreg [dreg:$0x1]  }
0x3: {  	s0 =	srdreg.scid;
	s5 =	rddreg [dreg:$0x2]  }
0x4: {  	s13 =	stileid.u32;
	s8 =	rddreg [dreg:$0x3]  }
0x5: {  	s3 =	rddreg [dreg:$0x4];
	s11 =	simm.s32 $0x0;
	s28 =	simm.s32 $0x2100  }
0x6: {  	s29 =	simm.s32 $0x2C00;
	s30 =	simm.s32 $0x3700;
	s31 =	simm.s32 $0x3D00  }
0x7: {  	s6 =	sand.u32 $0x1, s0;
	s7 =	sshrl.u32 s13, $0x2;
	s0 =	sand.u32 $0x3, s13  }
0x8: {  	[smem:$0x7FF] =	sst s11;
	s13 =	sshll.u32 s13, $0x7;
	s2 =	sshll.u32 s6, $0x2  }
0x9: {  	_ =	strace $0x80000047;
	s9 =	sor.u32 s7, s2;
	s2 =	smul.u32 $0x2C0, s0  }
0xa: {  	s6 =	ssub.s32 $0x2, s6;
	p0 =	sne.s32 s0, $0x0;
	s10 =	smul.u32 $0xB00, s9  }
0xb: {  	s12 =	sshrl.u32 s6, $0x1;
	s7 =	sshll.u32 s7, $0x9;
	s9 =	smul.u32 $0x1A, s9  }
0xc: {  	s6 =	ssub.s32 s6, s12;
	s12 =	smul.u32 $0xB00, s0;
	s0 =	simm.s32 $0x3E00  }
0xd: {  	s25 =	sadd.s32 $0x2C0, s2;
	s22 =	sadd.s32 s2, s10;
	s4 =	sadd.s32 s4, s9  }
0xe: {  	s10 =	sshrl.u32 s10, $0x3;
	s15 =	sadd.s32 s8, s9;
	[dreg:$0xc] =	wrdreg s4  }
0xf: {  	s16 =	sshrl.u32 s12, $0x2;
	s14 =	sadd.s32 s1, s10;
	[dreg:$0xe] =	wrdreg s15  }
0x10: {  	v0 =	vimm.s32 $0xBA98FEDC;
	s11 =	sshrl.u32 s22, $0x3;
	s22 =	smax.u32 s6, $0x1;
	[dreg:$0x6] =	wrdreg s14  }
0x11: {  	v2 =	vunpack.c.l.s4.s8 v0;
	v0 =	vmov s25;
	s12 =	simm.s32 $0x4000;
	s25 =	sadd.s32 $0x1620, s16;
	[dreg:$0x12] =	wrdreg s22  }
0x12: {  	v1 =	vimm.s32 $0x32107654;
	s19 =	sadd.s32 $0xB0, s16;
	s10 =	sadd.s32 $0xB00, s14;
	[dreg:$0x14] =	wrdreg s25  }
0x13: {  	v3 =	vimm.s32 $0xFEDCBA98;
	v1 =	vunpack.c.l.s4.s8 v1;
	s20 =	sadd.s32 $0x16B0, s16;
	s23 =	sadd.s32 $0x1600, s14;
	[dreg:$0x7] =	wrdreg s10  }
0x14: {  	v5 =	vimm.s32 $0x76543210;
	v4 =	vimm.s32 $0xEFCDAB89;
	s21 =	sadd.s32 $0xBB0, s16;
	s24 =	sadd.s32 $0x2100, s14;
	[dreg:$0x8] =	wrdreg s23  }
0x15: {  	v10 =	vimm.s32 $0x67452301;
	v2 =	vunpack.c.0.s8.s32 v2;
	v1 =	vunpack.c.0.s8.s32 v1;
	s15 =	simm.s32 $0x4300;
	s26 =	sadd.s32 $0x3800, s14;
	[dreg:$0x9] =	wrdreg s24  }
0x16: {  	vm0 =	vmmov $0x1;
	v6 =	vunpack.c.l.s4.s8 v3;
	v3 =	vimm.s32 $0xDCFE98BA;
	s11 =	sadd.s32 s11, s1;
	s14 =	sadd.s32 s5, s9;
	[dreg:$0xa] =	wrdreg s26  }
0x17: {  	v10 =	vunpack.c.l.s4.s8 v10;
	v8 =	vcombine.low v1, v2;
	v1 =	vimm.s32 $0x54761032;
	s1 =	sadd.s32 s9, s1;
	s11 =	sadd.s32 $0x2C00, s11;
	[dreg:$0xd] =	wrdreg s14  }
0x18: {  	v7 =	vunpack.c.l.s4.s8 v3;
	v9 =	vunpack.c.l.s4.s8 v1;
	v3 =	vmov s20;
	s20 =	sadd.s32 $0x2120, s16;
	s17 =	sadd.s32 $0x4400, s1;
	[dreg:$0xb] =	wrdreg s11  }
0x19: {  	v11 =	vunpack.c.l.s4.s8 v4;
	v12 =	vunpack.c.l.s4.s8 v5;
	v10 =	vunpack.c.0.s8.s32 v10;
	s22 =	simm.s32 $0x1;
	s18 =	sadd.s32 $0x4600, s1;
	[dreg:$0xf] =	wrdreg s17  }
0x1a: {  	v5 =	vunpack.c.0.s8.s32 v7;
	v8 =	vand.u32 $0xF, v8;
	v7 =	vunpack.c.0.s8.s32 v9;
	s25 =	sshrl.u32 s7, $0x2;
	s1 =	sadd.s32 $0x4800, s1;
	[dreg:$0x10] =	wrdreg s18  }
.Ltmp0:
0x1b: {  	v1 =	vmov s19;
	v9 =	vunpack.c.0.s8.s32 v6;
	v6 =	vunpack.c.0.s8.s32 v11;
	s23 =	sor.u32 $0x20, s16;
	[dreg:$0x11] =	wrdreg s1;
	(pc) =	sbr.rel .LBB2_1-.Ltmp0, $4  }
0x1c: {  	v2 =	vmov s21;
	s24 =	sadd.s32 $0x21B0, s16;
	s26 =	sadd.s32 $0xB20, s16;
	[dreg:$0x13] =	wrdreg s23;
	v11 =	vcombine.low v7, v5;
	v7 =	vunpack.c.0.s8.s32 v12  }
0x1d: {  	s14 =	simm.s32 $0x4200;
	s16 =	simm.s32 $0x0;
	[dreg:$0x15] =	wrdreg s26;
	v4 =	vmov s24;
	v10 =	vcombine.low v10, v6;
	v9 =	vand.u32 $0xF, v9  }
0x1e: {  	s23 =	simm.s32 $0xB00;
	s24 =	sshrl.u32 s13, $0x2;
	s26 =	simm.s32 $0x1600;
	v5 =	vmov s2;
	v6 =	vlaneseq.u32;
	v7 =	vcombine.low v9, v7  }
0x1f: {  	s1 =	simm.s32 $0x3D80;
	s11 =	simm.s32 $0x3F00;
	s13 =	simm.s32 $0x4100;
	v9 =	vand.u32 $0xF, v11;
	v10 =	vand.u32 $0xF, v10;
	v11 =	vimm.f32 $0.0e+00  }
.LBB2_10:
0x20: {  	s4 =	simm.s32 $0x0;
	s5 =	rddreg [dreg:$0xc]  }
0x21: {  	[hbm4b:s5+s4] =	stream.linear.scatter [tilespmem:s0], [sflag:$0x1], $0xD0, $0x38;
	[tilespmem:$0x4440] =	vst v63  }
0x22: {  	_ =	swait.ge [sflag:s22], $0xD0  }
0x23: {  	[sflag:s22] =	ssyncset.done $0x0  }
0x24: {  	s10 =	rddreg [dreg:$0xd];
	[sflag:s22] =	ssyncadd.s32 $0xFFFFFF30  }
0x25: {  	[hbm4b:s10+s4] =	stream.linear.scatter [tilespmem:s11], [sflag:$0x1], $0xD0, $0x38;
	[tilespmem:$0x4440] =	vst v63  }
0x26: {  	_ =	swait.ge [sflag:s22], $0xD0  }
0x27: {  	[sflag:s22] =	ssyncset.done $0x0  }
0x28: {  	s17 =	rddreg [dreg:$0xe];
	[sflag:s22] =	ssyncadd.s32 $0xFFFFFF30  }
0x29: {  	[hbm4b:s17+s4] =	stream.linear.scatter [tilespmem:s12], [sflag:$0x1], $0xD0, $0x38;
	[tilespmem:$0x4440] =	vst v63  }
0x2a: {  	_ =	swait.ge [sflag:s22], $0xD0  }
0x2b: {  	[sflag:s22] =	ssyncset.done $0x0  }
0x2c: {  	s18 =	rddreg [dreg:$0xf];
	[sflag:s22] =	ssyncadd.s32 $0xFFFFFF30  }
0x2d: {  	[hbm4b:s18+s4] =	stream.linear.scatter [tilespmem:s13], [sflag:$0x1], $0xD0, $0x38;
	[tilespmem:$0x4440] =	vst v63  }
0x2e: {  	_ =	swait.ge [sflag:s22], $0xD0  }
0x2f: {  	[sflag:s22] =	ssyncset.done $0x0  }
0x30: {  	s19 =	rddreg [dreg:$0x10];
	[sflag:s22] =	ssyncadd.s32 $0xFFFFFF30  }
0x31: {  	[hbm4b:s19+s4] =	stream.linear.scatter [tilespmem:s14], [sflag:$0x1], $0xD0, $0x38;
	[tilespmem:$0x4440] =	vst v63  }
0x32: {  	_ =	swait.ge [sflag:s22], $0xD0  }
0x33: {  	[sflag:s22] =	ssyncset.done $0x0  }
0x34: {  	s21 =	rddreg [dreg:$0x11];
	[sflag:s22] =	ssyncadd.s32 $0xFFFFFF30  }
0x35: {  	[hbm4b:s21+s4] =	stream.linear.scatter [tilespmem:s15], [sflag:$0x1], $0xD0, $0x38;
	[tilespmem:$0x4440] =	vst v63  }
0x36: {  	_ =	swait.ge [sflag:s22], $0xD0  }
0x37: {  	[sflag:s22] =	ssyncset.done $0x0  }
0x38: {  	[sflag:s22] =	ssyncadd.s32 $0xFFFFFF30  }
.LBB2_11:
0x39: {  	s16 =	sadd.s32 $0x1, s16;
	s4 =	rddreg [dreg:$0x12]  }
0x3a: {  	p1 =	sne.s32 s16, s4  }
.Ltmp1:
0x3b: {  	_ = 	snop;
	(pc) =	sbr.rel @!p1 .LBB2_12-.Ltmp1, $1  }
0x3c: {  	_ =	sdelay $0x3  }
.LBB2_1:
0x3d: {  	s4 =	simm.s32 $0x0;
	s5 =	rddreg [dreg:$0x6]  }
0x3e: {  	[tilespmem:s4], [sflag:$0x1] =	stream.linear.gather [hbm4b:s5+s4], $0xB00, $0x38;
	[tilespmem:$0x4440] =	vst v63  }
0x3f: {  	_ =	swait.ge [sflag:s22], $0xB00  }
0x40: {  	[sflag:s22] =	ssyncset.done $0x0  }
0x41: {  	s10 =	rddreg [dreg:$0x7];
	[sflag:s22] =	ssyncadd.s32 $0xFFFFF500  }
0x42: {  	[tilespmem:s23], [sflag:$0x1] =	stream.linear.gather [hbm4b:s10+s4], $0xB00, $0x38;
	[tilespmem:$0x4440] =	vst v63  }
0x43: {  	_ =	swait.ge [sflag:s22], $0xB00  }
0x44: {  	[sflag:s22] =	ssyncset.done $0x0  }
0x45: {  	s17 =	rddreg [dreg:$0x8];
	[sflag:s22] =	ssyncadd.s32 $0xFFFFF500  }
0x46: {  	[tilespmem:s26], [sflag:$0x1] =	stream.linear.gather [hbm4b:s17+s4], $0xB00, $0x38;
	[tilespmem:$0x4440] =	vst v63  }
0x47: {  	_ =	swait.ge [sflag:s22], $0xB00  }
0x48: {  	[sflag:s22] =	ssyncset.done $0x0  }
0x49: {  	s18 =	rddreg [dreg:$0x9];
	[sflag:s22] =	ssyncadd.s32 $0xFFFFF500  }
0x4a: {  	[tilespmem:s28], [sflag:$0x1] =	stream.linear.gather [hbm4b:s18+s4], $0xB00, $0x38;
	[tilespmem:$0x4440] =	vst v63  }
0x4b: {  	_ =	swait.ge [sflag:s22], $0xB00  }
0x4c: {  	[sflag:s22] =	ssyncset.done $0x0  }
0x4d: {  	s19 =	rddreg [dreg:$0xa];
	[sflag:s22] =	ssyncadd.s32 $0xFFFFF500  }
0x4e: {  	[tilespmem:s29], [sflag:$0x1] =	stream.linear.gather [hbm4b:s19+s4], $0xB00, $0x38;
	[tilespmem:$0x4440] =	vst v63  }
0x4f: {  	_ =	swait.ge [sflag:s22], $0xB00  }
0x50: {  	[sflag:s22] =	ssyncset.done $0x0  }
0x51: {  	s21 =	rddreg [dreg:$0xb];
	[sflag:s22] =	ssyncadd.s32 $0xFFFFF500  }
0x52: {  	[tilespmem:s30], [sflag:$0x1] =	stream.linear.gather [hbm4b:s21+s4], $0x2C0, $0x38;
	[tilespmem:$0x4440] =	vst v63  }
0x53: {  	_ =	swait.ge [sflag:s22], $0x2C0  }
0x54: {  	[sflag:s22] =	ssyncset.done $0x0  }
0x55: {  	s17 =	rddreg [dreg:$0x14];
	[sflag:s22] =	ssyncadd.s32 $0xFFFFFD40  }
0x56: {  	s10 =	rddreg [dreg:$0x15];
	v12 =	vld [tilespmem:s17+$0xFFFFFFE0]  }
0x57: {  	v13 =	vld [tilespmem:s10+$0xFFFFFFE0]  }
0x58: {  	s8 =	rddreg [dreg:$0x13];
	v14 =	vld [tilespmem:s20+$0xFFFFFFE0]  }
0x59: {  	v15 =	vld [tilespmem:s8+$0xFFFFFFE0];
	_ =	sdelay $0x4  }
0x5a: {  	v13 =	vsub.f32 v14, v13;
	v12 =	vsub.f32 v12, v15;
	_ =	sdelay $0x1  }
0x5b: {  	v12 =	vmul.f32 v13, v12  }
0x5c: {  	s4 =	simm.s32 $0x3A20  }
0x5d: {  	[tilespmem:s4+$0xFFFFFFE0] =	vst v12  }
0x5e: {  	v12 =	vld [tilespmem:s10+$0xFFFFFFF0]  }
0x5f: {  	v13 =	vld [tilespmem:s17+$0xFFFFFFF0]  }
0x60: {  	v14 =	vld [tilespmem:s20+$0xFFFFFFF0]  }
0x61: {  	v15 =	vld [tilespmem:s8+$0xFFFFFFF0];
	_ =	sdelay $0x4  }
0x62: {  	v12 =	vsub.f32 v14, v12;
	v13 =	vsub.f32 v13, v15;
	_ =	sdelay $0x1  }
0x63: {  	v12 =	vmul.f32 v12, v13;
	_ =	sdelay $0x1  }
0x64: {  	[tilespmem:s4+$0xFFFFFFF0] =	vst v12  }
0x65: {  	v12 =	vld [tilespmem:s17+$0x0]  }
0x66: {  	v13 =	vld [tilespmem:s8+$0x0]  }
0x67: {  	v14 =	vld [tilespmem:s20+$0x0]  }
0x68: {  	v15 =	vld [tilespmem:s10+$0x0];
	_ =	sdelay $0x4  }
0x69: {  	v12 =	vsub.f32 v12, v13;
	v13 =	vsub.f32 v14, v15;
	_ =	sdelay $0x1  }
0x6a: {  	v12 =	vmul.f32 v13, v12;
	_ =	sdelay $0x1  }
0x6b: {  	[tilespmem:s4+$0x0] =	vst v12  }
0x6c: {  	s6 =	simm.s32 $0x0;
	v14 =	vld [tilespmem:s17+$0x10]  }
0x6d: {  	s9 =	sadd.s32 $0x40, s20;
	s5 =	simm.s32 $0x3720;
	s18 =	smov.u32 s20;
	v15 =	vld [tilespmem:s10+$0x10]  }
0x6e: {  	s7 =	sadd.s32 $0x40, s8;
	v16 =	vld [tilespmem:s8+$0x10];
	s10 =	sadd.s32 $0x40, s10;
	s8 =	simm.s32 $0x3A20  }
.LBB2_2:
0x6f: {  	s6 =	sadd.s32 $0x4, s6;
	v17 =	vld [tilespmem:s18+$0x10];
	s4 =	sadd.s32 $0x40, s4;
	s17 =	sadd.s32 $0x40, s17;
	v13 =	vimm.f32 $-Inf;
	v12 =	vimm.s32 $0x40000000  }
0x70: {  	s18 =	smov.u32 s9;
	p1 =	slt.u32 s6, $0x28;
	_ =	sdelay $0x2  }
0x71: {  	v14 =	vsub.f32 v14, v16  }
0x72: {  	v15 =	vsub.f32 v17, v15;
	_ =	sdelay $0x1  }
0x73: {  	v14 =	vmul.f32 v15, v14;
	_ =	sdelay $0x1  }
0x74: {  	[tilespmem:s8+$0x10] =	vst v14;
	s8 =	smov.u32 s4  }
0x75: {  	v14 =	vld [tilespmem:s17+$0xFFFFFFE0]  }
0x76: {  	v15 =	vld [tilespmem:s10+$0xFFFFFFE0]  }
0x77: {  	v16 =	vld [tilespmem:s9+$0xFFFFFFE0]  }
0x78: {  	v17 =	vld [tilespmem:s7+$0xFFFFFFE0];
	_ =	sdelay $0x3  }
0x79: {  	v15 =	vsub.f32 v16, v15  }
0x7a: {  	v14 =	vsub.f32 v14, v17;
	_ =	sdelay $0x1  }
0x7b: {  	v14 =	vmul.f32 v15, v14;
	_ =	sdelay $0x1  }
0x7c: {  	[tilespmem:s4+$0xFFFFFFE0] =	vst v14  }
0x7d: {  	v14 =	vld [tilespmem:s10+$0xFFFFFFF0]  }
0x7e: {  	v15 =	vld [tilespmem:s17+$0xFFFFFFF0]  }
0x7f: {  	v16 =	vld [tilespmem:s9+$0xFFFFFFF0]  }
0x80: {  	v17 =	vld [tilespmem:s7+$0xFFFFFFF0];
	_ =	sdelay $0x3  }
0x81: {  	v14 =	vsub.f32 v16, v14  }
0x82: {  	v15 =	vsub.f32 v15, v17;
	_ =	sdelay $0x1  }
0x83: {  	v14 =	vmul.f32 v14, v15;
	_ =	sdelay $0x1  }
0x84: {  	[tilespmem:s4+$0xFFFFFFF0] =	vst v14  }
0x85: {  	v14 =	vld [tilespmem:s17+$0x0]  }
0x86: {  	v15 =	vld [tilespmem:s7+$0x0]  }
0x87: {  	v16 =	vld [tilespmem:s9+$0x0]  }
0x88: {  	v17 =	vld [tilespmem:s10+$0x0];
	_ =	sdelay $0x2  }
0x89: {  	v14 =	vsub.f32 v14, v15;
	_ =	sdelay $0x1  }
0x8a: {  	v15 =	vsub.f32 v16, v17;
	_ =	sdelay $0x1  }
0x8b: {  	v14 =	vmul.f32 v15, v14  }
.Ltmp2:
0x8c: {  	(pc) =	sbr.rel @p1 .LBB2_2-.Ltmp2, $4  }
0x8d: {  	[tilespmem:s4+$0x0] =	vst v14  }
0x8e: {  	v14 =	vld [tilespmem:s17+$0x10]  }
0x8f: {  	v15 =	vld [tilespmem:s10+$0x10]  }
0x90: {  	s9 =	sadd.s32 $0x40, s9;
	s10 =	sadd.s32 $0x40, s10;
	v16 =	vld [tilespmem:s7+$0x10];
	s7 =	sadd.s32 $0x40, s7  }
0x91: {  	v17 =	vld [tilespmem:s18+$0x10];
	_ =	sdelay $0x4  }
0x92: {  	v14 =	vsub.f32 v14, v16;
	v15 =	vsub.f32 v17, v15;
	_ =	sdelay $0x1  }
0x93: {  	v14 =	vmul.f32 v15, v14;
	_ =	sdelay $0x1  }
0x94: {  	[tilespmem:s8+$0x10] =	vst v14  }
0x95: {  	v16 =	vld [tilespmem:s5+$0xFFFFFFE0];
	_ =	sdelay $0x1  }
0x96: {  	v15 =	vld [tilespmem:s5+$0xFFFFFFF0];
	_ =	sdelay $0x1  }
0x97: {  	v14 =	vld [tilespmem:s5+$0x0]  }
0x98: {  	v17 =	vor.u32 s2, v6;
	vm1 =	vgt.f32 v16, v13  }
0x99: {  	s4 =	sadd.s32 $0x10, s2;
	v13 =	vsel vm1, v16, v13;
	v16 =	vsel vm1, v17, v12;
	v12 =	vld [tilespmem:s5+$0x10]  }
0x9a: {  	s6 =	simm.s32 $0x0;
	v17 =	vor.u32 s4, v6;
	s5 =	simm.s32 $0x3760;
	s4 =	smov.u32 s2;
	vm1 =	vgt.f32 v15, v13  }
.LBB2_4:
0x9b: {  	v18 =	vld [tilespmem:s5+$0xFFFFFFE0];
	s6 =	sadd.s32 $0x4, s6;
	v13 =	vsel vm1, v15, v13;
	v16 =	vsel vm1, v17, v16;
	s7 =	sadd.s32 $0x20, s4  }
0x9c: {  	p1 =	slt.u32 s6, $0x28;
	v17 =	vor.u32 s7, v6;
	vm1 =	vgt.f32 v14, v13  }
0x9d: {  	s7 =	sadd.s32 $0x30, s4;
	v15 =	vld [tilespmem:s5+$0xFFFFFFF0];
	v13 =	vsel vm1, v14, v13;
	v16 =	vsel vm1, v17, v16  }
.Ltmp3:
0x9e: {  	v17 =	vor.u32 s7, v6;
	vm1 =	vgt.f32 v12, v13;
	(pc) =	sbr.rel @p1 .LBB2_4-.Ltmp3, $4  }
0x9f: {  	s4 =	sadd.s32 $0x40, s4;
	v14 =	vld [tilespmem:s5+$0x0];
	v12 =	vsel vm1, v12, v13;
	v16 =	vsel vm1, v17, v16  }
0xa0: {  	v17 =	vor.u32 s4, v6;
	vm1 =	vgt.f32 v18, v12  }
0xa1: {  	s7 =	sadd.s32 $0x10, s4;
	v13 =	vsel vm1, v18, v12;
	v16 =	vsel vm1, v17, v16;
	v12 =	vld [tilespmem:s5+$0x10]  }
0xa2: {  	v17 =	vor.u32 s7, v6;
	s5 =	sadd.s32 $0x40, s5;
	vm1 =	vgt.f32 v15, v13  }
.Ltmp4:
0xa3: {  	v13 =	vsel vm1, v15, v13;
	(pc) =	sbr.rel .LBB2_6-.Ltmp4, $4  }
0xa4: {  	s5 =	sadd.s32 $0x20, s4;
	vm2 =	vgt.f32 v14, v13  }
0xa5: {  	v61 =	vsel vm1, v17, v16;
	s21 =	sadd.s32 $0x30, s4;
	v16 =	vor.u32 s5, v6;
	v13 =	vsel vm2, v14, v13  }
0xa6: {  	v63 =	vor.u32 s21, v6;
	v62 =	vsel vm2, v16, v61;
	vm1 =	vgt.f32 v12, v13  }
0xa7: {  	s6 =	simm.s32 $0x0;
	s7 =	simm.s32 $0x0;
	v20 =	vsel vm1, v12, v13;
	v19 =	vsel vm1, v63, v62  }
.LBB2_9:
0xa8: {  	_ = 	snop  }
0xa9: {  	v18 =	vmov s7;
	_ =	sdelay $0x1  }
0xaa: {  	v21 =	vsel vm1, $0x3F800000, v11  }
0xab: {  	v13 =	vld.idx.msk [tilespmem:v13+s29+$0x0], $0xffff;
	v14 =	vmul.f32 v21, v14  }
0xac: {  	s7 =	sadd.s32 $0x1, s7;
	v15 =	vmul.f32 v21, v15  }
0xad: {  	v62 =	vmul.f32 v21, v16;
	p1 =	seq.s32 s7, $0xC8;
	[tilespmem:v18+s0+$0x0] =	vst.idx.msk $0x1, v14  }
.Ltmp5:
0xae: {  	v63 =	vmul.f32 v21, v17;
	[tilespmem:v18+s11+$0x0] =	vst.idx.msk $0x1, v15;
	(pc) =	sbr.rel @p1 .LBB2_10-.Ltmp5, $4  }
0xaf: {  	[tilespmem:v18+s12+$0x0] =	vst.idx.msk $0x1, v62  }
0xb0: {  	v13 =	vnsel vm1, $0x0, v13;
	[tilespmem:v18+s13+$0x0] =	vst.idx.msk $0x1, v63  }
0xb1: {  	v12 =	vnsel vm1, $0x0, v12;
	[tilespmem:v18+s14+$0x0] =	vst.idx.msk $0x1, v13  }
0xb2: {  	[tilespmem:v18+s15+$0x0] =	vst.idx.msk $0x1, v12  }
.LBB2_6:
0xb3: {  	v12 =	vperm.xlane v20, v7;
	v13 =	vperm.xlane v19, v7;
	_ =	sdelay $0x1  }
0xb4: {  	vm1 =	veq.f32 v12, v20;
	vm2 =	vlt.s32 v13, v19  }
0xb5: {  	vm3 =	vgt.f32 v12, v20;
	vm1 =	vmand vm1, vm2  }
0xb6: {  	vm1 =	vmor vm3, vm1  }
0xb7: {  	v12 =	vsel vm1, v12, v20;
	v13 =	vsel vm1, v13, v19  }
0xb8: {  	v14 =	vperm.xlane v12, v8;
	v15 =	vperm.xlane v13, v8;
	_ =	sdelay $0x1  }
0xb9: {  	vm1 =	veq.f32 v14, v12;
	vm2 =	vlt.s32 v15, v13  }
0xba: {  	vm3 =	vgt.f32 v14, v12;
	vm1 =	vmand vm1, vm2  }
0xbb: {  	vm1 =	vmor vm3, vm1  }
0xbc: {  	v12 =	vsel vm1, v14, v12;
	v13 =	vsel vm1, v15, v13  }
0xbd: {  	v14 =	vperm.xlane v12, v9;
	v15 =	vperm.xlane v13, v9;
	_ =	sdelay $0x1  }
0xbe: {  	vm1 =	veq.f32 v14, v12;
	vm2 =	vlt.s32 v15, v13  }
0xbf: {  	vm3 =	vgt.f32 v14, v12;
	vm1 =	vmand vm1, vm2  }
0xc0: {  	vm1 =	vmor vm3, vm1  }
0xc1: {  	v12 =	vsel vm1, v14, v12;
	v13 =	vsel vm1, v15, v13  }
0xc2: {  	v14 =	vperm.xlane v12, v10;
	v15 =	vperm.xlane v13, v10;
	_ =	sdelay $0x1  }
0xc3: {  	vm1 =	veq.f32 v14, v12;
	vm2 =	vlt.s32 v15, v13  }
0xc4: {  	vm3 =	vgt.f32 v14, v12;
	vm1 =	vmand vm1, vm2  }
0xc5: {  	s4 =	sshll.u32 s7, $0x9;
	vm1 =	vmor vm3, vm1  }
0xc6: {  	s4 =	sand.u32 $0x200, s4;
	v12 =	vsel vm1, v14, v12  }
0xc7: {  	s4 =	sadd.s32 s4, s3;
	v13 =	vsel vm1, v15, v13;
	[tilespmem:$0x3D00] =	vst v12  }
0xc8: {  	s5 =	sadd.s32 s24, s4;
	[tilespmem:$0x3D10] =	vst v13  }
0xc9: {  	[spmem:s5] =	stream.linear.scatter [tilespmem:s31], [sflag:$0x1], $0x20, $0x38;
	[tilespmem:$0x4440] =	vst v63  }
0xca: {  	_ =	swait.ge [sflag:s22], $0x20  }
0xcb: {  	[sflag:s22] =	ssyncset.done $0x0  }
0xcc: {  	[sflag:s22] =	ssyncadd.s32 $0xFFFFFFE0  }
0xcd: {  	s4 =	sadd.s32 s25, s4;
	[bflag:$0x0] =	sbarrier.arrive $0xFFFF  }
0xce: {  	[tilespmem:s1], [sflag:$0x1] =	stream.linear.gather [spmem:s4], $0x80, $0x38;
	[tilespmem:$0x4440] =	vst v63  }
0xcf: {  	_ =	swait.ge [sflag:s22], $0x80  }
0xd0: {  	[sflag:s22] =	ssyncset.done $0x0  }
0xd1: {  	[sflag:s22] =	ssyncadd.s32 $0xFFFFFF80  }
0xd2: {  	v12 =	vld [tilespmem:$0x3D80]  }
0xd3: {  	v13 =	vld [tilespmem:$0x3D90]  }
0xd4: {  	v14 =	vld [tilespmem:$0x3DA0]  }
0xd5: {  	v15 =	vld [tilespmem:$0x3DB0];
	_ =	sdelay $0x2  }
0xd6: {  	v16 =	vld [tilespmem:$0x3DC0]  }
0xd7: {  	v17 =	vld [tilespmem:$0x3DD0]  }
0xd8: {  	vm1 =	veq.f32 v14, v12;
	vm2 =	vlt.s32 v15, v13  }
0xd9: {  	vm3 =	vgt.f32 v14, v12;
	vm1 =	vmand vm1, vm2  }
0xda: {  	v18 =	vld [tilespmem:$0x3DE0];
	vm1 =	vmor vm3, vm1  }
0xdb: {  	v12 =	vsel vm1, v14, v12;
	v13 =	vsel vm1, v15, v13;
	v14 =	vld [tilespmem:$0x3DF0]  }
0xdc: {  	vm1 =	veq.f32 v16, v12;
	vm2 =	vlt.s32 v17, v13  }
0xdd: {  	vm3 =	vgt.f32 v16, v12;
	vm1 =	vmand vm1, vm2  }
0xde: {  	vm1 =	vmor vm3, vm1  }
0xdf: {  	v12 =	vsel vm1, v16, v12;
	v13 =	vsel vm1, v17, v13  }
0xe0: {  	vm1 =	veq.f32 v18, v12;
	vm2 =	vlt.s32 v14, v13  }
0xe1: {  	vm3 =	vgt.f32 v18, v12;
	vm1 =	vmand vm1, vm2  }
0xe2: {  	vm1 =	vmor vm3, vm1  }
0xe3: {  	v12 =	vsel vm1, v18, v12  }
0xe4: {  	vm2 =	vlt.f32 v12, $-Inf;
	vm3 =	vgt.f32 v12, $-Inf  }
0xe5: {  	v13 =	vsel vm1, v14, v13;
	vm1 =	vmor vm3, vm2  }
0xe6: {  	v13 =	vnsel vm1, $0x0, v13;
	_ =	sdelay $0x4  }
0xe7: {  	v14 =	vld.idx.msk [tilespmem:v13+s6+$0x0], $0xffff  }
0xe8: {  	vm2 =	vge.s32 v13, v5;
	vm3 =	vlt.s32 v13, v0;
	v15 =	vld.idx.msk [tilespmem:v13+s23+$0x0], $0xffff  }
0xe9: {  	v18 =	vsub.s32 v13, v5;
	vm2 =	vmand vm2, vm3;
	v16 =	vld.idx.msk [tilespmem:v13+s26+$0x0], $0xffff  }
0xea: {  	vm3 =	vgt.s32 v18, $0x0;
	vm2 =	vmand vm1, vm2;
	v17 =	vld.idx.msk [tilespmem:v13+s28+$0x0], $0xffff  }
0xeb: {  	v18 =	vnsel vm3, $0x0, v18;
	vm2 =	vmand vm2, vm0  }
0xec: {  	v19 =	vmin.u32 v18, $0x2BF;
	_ =	sdelay $0x2  }
0xed: {  	v18 =	vsub.f32 v16, v14;
	v21 =	vsub.f32 v17, v15  }
0xee: {  	s8 =	simm.s32 $0x80;
	s9 =	simm.s32 $0x100;
	s10 =	simm.s32 $0x0;
	v20 =	vimm.f32 $-Inf  }
0xef: {  	s17 =	simm.s32 $0x0;
	s5 =	simm.s32 $0x0;
	s4 =	simm.s32 $0xFFFFFFEA;
	[tilespmem:v19+s30+$0x0] =	vst.idx.msk vm2, v20;
	v19 =	vimm.s32 $0x40000000;
	v18 =	vmul.f32 v21, v18  }
.LBB2_7:
0xf0: {  	s18 =	sshra.s32 s10, $0x2  }
0xf1: {  	v21 =	vld.idx.msk [tilespmem:v1+s18+$0xFFFFFF50 ss:$0x1], $0xffff  }
0xf2: {  	v22 =	vld.idx.msk [tilespmem:v2+s18+$0xFFFFFF50 ss:$0x1], $0xffff  }
0xf3: {  	v23 =	vld.idx.msk [tilespmem:v3+s18+$0xFFFFFF50 ss:$0x1], $0xffff  }
0xf4: {  	v24 =	vld.idx.msk [tilespmem:v4+s18+$0xFFFFFF50 ss:$0x1], $0xffff;
	_ =	sdelay $0x3  }
0xf5: {  	v25 =	vld [tilespmem:s18+$0x3A00];
	v21 =	vmax.f32 v14, v21  }
0xf6: {  	v22 =	vmax.f32 v15, v22;
	v23 =	vmin.f32 v16, v23;
	v24 =	vmin.f32 v17, v24  }
0xf7: {  	v21 =	vsub.f32 v23, v21;
	v22 =	vsub.f32 v24, v22;
	_ =	sdelay $0x1  }
0xf8: {  	v21 =	vmax.f32 v21, $0.0e+00;
	v22 =	vmax.f32 v22, $0.0e+00  }
0xf9: {  	v21 =	vmul.f32 v22, v21;
	v22 =	vadd.f32 v25, v18;
	_ =	sdelay $0x1  }
0xfa: {  	v22 =	vsub.f32 v22, v21;
	_ =	sdelay $0x1  }
0xfb: {  	(erf) = vrcp.f32 v22;
	_ =	sdelay $0x7  }
0xfc: {  	v22 =	vld [tilespmem:s18+$0x3700]  }
0xfd: {  	v23 =	vpop (erf)  }
0xfe: {  	v21 =	vmul.f32 v23, v21;
	_ =	sdelay $0x1  }
0xff: {  	vm2 =	vle.f32 v21, $5.000000000e-01  }
0x100: {  	v21 =	vnsel vm2, $0xFF800000, v22  }
0x101: {  	[tilespmem:s18+$0x3700] =	vst v21  }
0x102: {  	v22 =	vld.idx.msk [tilespmem:v1+s18+$0xFFFFFF60 ss:$0x1], $0xffff  }
0x103: {  	v23 =	vld.idx.msk [tilespmem:v2+s18+$0xFFFFFF60 ss:$0x1], $0xffff  }
0x104: {  	v44 =	vld.idx.msk [tilespmem:v3+s18+$0xFFFFFF60 ss:$0x1], $0xffff  }
0x105: {  	v45 =	vld.idx.msk [tilespmem:v4+s18+$0xFFFFFF60 ss:$0x1], $0xffff;
	_ =	sdelay $0x3  }
0x106: {  	v26 =	vld [tilespmem:s18+$0x3A10];
	v22 =	vmax.f32 v14, v22  }
0x107: {  	v23 =	vmax.f32 v15, v23;
	v24 =	vmin.f32 v16, v44;
	v25 =	vmin.f32 v17, v45  }
0x108: {  	v22 =	vsub.f32 v24, v22;
	v23 =	vsub.f32 v25, v23;
	_ =	sdelay $0x1  }
0x109: {  	v22 =	vmax.f32 v22, $0.0e+00;
	v23 =	vmax.f32 v23, $0.0e+00  }
0x10a: {  	v22 =	vmul.f32 v23, v22;
	v23 =	vadd.f32 v26, v18;
	_ =	sdelay $0x1  }
0x10b: {  	v23 =	vsub.f32 v23, v22;
	_ =	sdelay $0x1  }
0x10c: {  	(erf) = vrcp.f32 v23;
	_ =	sdelay $0x7  }
0x10d: {  	v23 =	vld [tilespmem:s18+$0x3710]  }
0x10e: {  	v46 =	vpop (erf)  }
0x10f: {  	v22 =	vmul.f32 v46, v22;
	_ =	sdelay $0x1  }
0x110: {  	vm2 =	vle.f32 v22, $5.000000000e-01  }
0x111: {  	v22 =	vnsel vm2, $0xFF800000, v23  }
0x112: {  	[tilespmem:s18+$0x3710] =	vst v22  }
0x113: {  	v23 =	vld.idx.msk [tilespmem:v1+s18+$0xFFFFFF70 ss:$0x1], $0xffff  }
0x114: {  	v47 =	vld.idx.msk [tilespmem:v2+s18+$0xFFFFFF70 ss:$0x1], $0xffff  }
0x115: {  	v48 =	vld.idx.msk [tilespmem:v3+s18+$0xFFFFFF70 ss:$0x1], $0xffff  }
0x116: {  	v49 =	vld.idx.msk [tilespmem:v4+s18+$0xFFFFFF70 ss:$0x1], $0xffff;
	_ =	sdelay $0x3  }
0x117: {  	v27 =	vld [tilespmem:s18+$0x3A20];
	v23 =	vmax.f32 v14, v23  }
0x118: {  	v24 =	vmax.f32 v15, v47;
	v25 =	vmin.f32 v16, v48;
	v26 =	vmin.f32 v17, v49  }
0x119: {  	v23 =	vsub.f32 v25, v23;
	v24 =	vsub.f32 v26, v24;
	_ =	sdelay $0x1  }
0x11a: {  	v23 =	vmax.f32 v23, $0.0e+00;
	v24 =	vmax.f32 v24, $0.0e+00  }
0x11b: {  	v50 =	vadd.f32 v27, v18;
	v23 =	vmul.f32 v24, v23;
	_ =	sdelay $0x1  }
0x11c: {  	v24 =	vsub.f32 v50, v23;
	_ =	sdelay $0x1  }
0x11d: {  	(erf) = vrcp.f32 v24;
	_ =	sdelay $0x7  }
0x11e: {  	v51 =	vld [tilespmem:s18+$0x3720]  }
0x11f: {  	v52 =	vpop (erf)  }
0x120: {  	v23 =	vmul.f32 v52, v23;
	_ =	sdelay $0x1  }
0x121: {  	vm2 =	vle.f32 v23, $5.000000000e-01  }
0x122: {  	v23 =	vnsel vm2, $0xFF800000, v51  }
0x123: {  	[tilespmem:s18+$0x3720] =	vst v23  }
0x124: {  	v53 =	vld.idx.msk [tilespmem:v1+s18+$0xFFFFFF80 ss:$0x1], $0xffff  }
0x125: {  	v54 =	vld.idx.msk [tilespmem:v2+s18+$0xFFFFFF80 ss:$0x1], $0xffff  }
0x126: {  	v55 =	vld.idx.msk [tilespmem:v3+s18+$0xFFFFFF80 ss:$0x1], $0xffff  }
0x127: {  	v56 =	vld.idx.msk [tilespmem:v4+s18+$0xFFFFFF80 ss:$0x1], $0xffff;
	_ =	sdelay $0x3  }
0x128: {  	v28 =	vld [tilespmem:s18+$0x3A30];
	v24 =	vmax.f32 v14, v53  }
0x129: {  	v25 =	vmax.f32 v15, v54;
	v26 =	vmin.f32 v16, v55;
	v27 =	vmin.f32 v17, v56  }
0x12a: {  	v24 =	vsub.f32 v26, v24;
	v25 =	vsub.f32 v27, v25;
	_ =	sdelay $0x1  }
0x12b: {  	v24 =	vmax.f32 v24, $0.0e+00;
	v25 =	vmax.f32 v25, $0.0e+00  }
0x12c: {  	v57 =	vadd.f32 v28, v18;
	v24 =	vmul.f32 v25, v24;
	_ =	sdelay $0x1  }
0x12d: {  	v25 =	vsub.f32 v57, v24;
	_ =	sdelay $0x1  }
0x12e: {  	(erf) = vrcp.f32 v25;
	_ =	sdelay $0x7  }
0x12f: {  	v58 =	vld [tilespmem:s18+$0x3730]  }
0x130: {  	v59 =	vpop (erf)  }
0x131: {  	v24 =	vmul.f32 v59, v24;
	_ =	sdelay $0x1  }
0x132: {  	vm2 =	vle.f32 v24, $5.000000000e-01  }
0x133: {  	v24 =	vnsel vm2, $0xFF800000, v58  }
0x134: {  	[tilespmem:s18+$0x3730] =	vst v24  }
0x135: {  	v60 =	vld.idx.msk [tilespmem:v1+s18+$0xFFFFFF90 ss:$0x1], $0xffff  }
0x136: {  	v61 =	vld.idx.msk [tilespmem:v2+s18+$0xFFFFFF90 ss:$0x1], $0xffff  }
0x137: {  	v62 =	vld.idx.msk [tilespmem:v3+s18+$0xFFFFFF90 ss:$0x1], $0xffff  }
0x138: {  	v63 =	vld.idx.msk [tilespmem:v4+s18+$0xFFFFFF90 ss:$0x1], $0xffff;
	_ =	sdelay $0x3  }
0x139: {  	v29 =	vld [tilespmem:s18+$0x3A40];
	v25 =	vmax.f32 v14, v60  }
0x13a: {  	v26 =	vmax.f32 v15, v61;
	v27 =	vmin.f32 v16, v62;
	v28 =	vmin.f32 v17, v63  }
0x13b: {  	v25 =	vsub.f32 v27, v25;
	v26 =	vsub.f32 v28, v26;
	_ =	sdelay $0x1  }
0x13c: {  	v25 =	vmax.f32 v25, $0.0e+00;
	v26 =	vmax.f32 v26, $0.0e+00  }
0x13d: {  	v32 =	vadd.f32 v29, v18;
	v25 =	vmul.f32 v26, v25;
	_ =	sdelay $0x1  }
0x13e: {  	v26 =	vsub.f32 v32, v25;
	_ =	sdelay $0x1  }
0x13f: {  	(erf) = vrcp.f32 v26;
	_ =	sdelay $0x7  }
0x140: {  	v33 =	vld [tilespmem:s18+$0x3740]  }
0x141: {  	v34 =	vpop (erf)  }
0x142: {  	v25 =	vmul.f32 v34, v25;
	_ =	sdelay $0x1  }
0x143: {  	vm2 =	vle.f32 v25, $5.000000000e-01  }
0x144: {  	v25 =	vnsel vm2, $0xFF800000, v33  }
0x145: {  	[tilespmem:s18+$0x3740] =	vst v25  }
0x146: {  	v35 =	vld.idx.msk [tilespmem:v1+s18+$0xFFFFFFA0 ss:$0x1], $0xffff  }
0x147: {  	v36 =	vld.idx.msk [tilespmem:v2+s18+$0xFFFFFFA0 ss:$0x1], $0xffff  }
0x148: {  	v37 =	vld.idx.msk [tilespmem:v3+s18+$0xFFFFFFA0 ss:$0x1], $0xffff  }
0x149: {  	v38 =	vld.idx.msk [tilespmem:v4+s18+$0xFFFFFFA0 ss:$0x1], $0xffff;
	_ =	sdelay $0x3  }
0x14a: {  	v30 =	vld [tilespmem:s18+$0x3A50];
	v26 =	vmax.f32 v14, v35  }
0x14b: {  	v27 =	vmax.f32 v15, v36;
	v28 =	vmin.f32 v16, v37;
	v29 =	vmin.f32 v17, v38  }
0x14c: {  	v26 =	vsub.f32 v28, v26;
	v27 =	vsub.f32 v29, v27;
	_ =	sdelay $0x1  }
0x14d: {  	v26 =	vmax.f32 v26, $0.0e+00;
	v27 =	vmax.f32 v27, $0.0e+00  }
0x14e: {  	v39 =	vadd.f32 v30, v18;
	v26 =	vmul.f32 v27, v26;
	_ =	sdelay $0x1  }
0x14f: {  	v27 =	vsub.f32 v39, v26;
	_ =	sdelay $0x1  }
0x150: {  	(erf) = vrcp.f32 v27;
	_ =	sdelay $0x7  }
0x151: {  	v40 =	vld [tilespmem:s18+$0x3750]  }
0x152: {  	v41 =	vpop (erf)  }
0x153: {  	v26 =	vmul.f32 v41, v26;
	_ =	sdelay $0x1  }
0x154: {  	vm2 =	vle.f32 v26, $5.000000000e-01  }
0x155: {  	v26 =	vnsel vm2, $0xFF800000, v40  }
0x156: {  	[tilespmem:s18+$0x3750] =	vst v26  }
0x157: {  	v42 =	vld.idx.msk [tilespmem:v1+s18+$0xFFFFFFB0 ss:$0x1], $0xffff  }
0x158: {  	v43 =	vld.idx.msk [tilespmem:v2+s18+$0xFFFFFFB0 ss:$0x1], $0xffff  }
0x159: {  	v44 =	vld.idx.msk [tilespmem:v3+s18+$0xFFFFFFB0 ss:$0x1], $0xffff  }
0x15a: {  	v45 =	vld.idx.msk [tilespmem:v4+s18+$0xFFFFFFB0 ss:$0x1], $0xffff;
	_ =	sdelay $0x3  }
0x15b: {  	v31 =	vld [tilespmem:s18+$0x3A60];
	v27 =	vmax.f32 v14, v42  }
0x15c: {  	v28 =	vmax.f32 v15, v43;
	v29 =	vmin.f32 v16, v44;
	v30 =	vmin.f32 v17, v45  }
0x15d: {  	v27 =	vsub.f32 v29, v27;
	v28 =	vsub.f32 v30, v28;
	_ =	sdelay $0x1  }
0x15e: {  	v27 =	vmax.f32 v27, $0.0e+00;
	v28 =	vmax.f32 v28, $0.0e+00  }
0x15f: {  	v46 =	vadd.f32 v31, v18;
	v27 =	vmul.f32 v28, v27;
	_ =	sdelay $0x1  }
0x160: {  	v28 =	vsub.f32 v46, v27;
	_ =	sdelay $0x1  }
0x161: {  	(erf) = vrcp.f32 v28;
	_ =	sdelay $0x7  }
0x162: {  	v47 =	vld [tilespmem:s18+$0x3760]  }
0x163: {  	v48 =	vpop (erf)  }
0x164: {  	v27 =	vmul.f32 v48, v27;
	_ =	sdelay $0x1  }
0x165: {  	vm2 =	vle.f32 v27, $5.000000000e-01  }
0x166: {  	v27 =	vnsel vm2, $0xFF800000, v47  }
0x167: {  	[tilespmem:s18+$0x3760] =	vst v27  }
0x168: {  	v49 =	vld.idx.msk [tilespmem:v1+s18+$0xFFFFFFC0 ss:$0x1], $0xffff  }
0x169: {  	v50 =	vld.idx.msk [tilespmem:v2+s18+$0xFFFFFFC0 ss:$0x1], $0xffff  }
0x16a: {  	v51 =	vld.idx.msk [tilespmem:v3+s18+$0xFFFFFFC0 ss:$0x1], $0xffff  }
0x16b: {  	v52 =	vld.idx.msk [tilespmem:v4+s18+$0xFFFFFFC0 ss:$0x1], $0xffff;
	_ =	sdelay $0x3  }
0x16c: {  	v32 =	vld [tilespmem:s18+$0x3A70];
	v28 =	vmax.f32 v14, v49  }
0x16d: {  	v29 =	vmax.f32 v15, v50;
	v30 =	vmin.f32 v16, v51;
	v31 =	vmin.f32 v17, v52  }
0x16e: {  	v28 =	vsub.f32 v30, v28;
	v29 =	vsub.f32 v31, v29;
	_ =	sdelay $0x1  }
0x16f: {  	v28 =	vmax.f32 v28, $0.0e+00;
	v29 =	vmax.f32 v29, $0.0e+00  }
0x170: {  	v53 =	vadd.f32 v32, v18;
	v28 =	vmul.f32 v29, v28;
	_ =	sdelay $0x1  }
0x171: {  	v29 =	vsub.f32 v53, v28;
	_ =	sdelay $0x1  }
0x172: {  	(erf) = vrcp.f32 v29;
	_ =	sdelay $0x7  }
0x173: {  	v54 =	vld [tilespmem:s18+$0x3770]  }
0x174: {  	v55 =	vpop (erf)  }
0x175: {  	v28 =	vmul.f32 v55, v28;
	_ =	sdelay $0x1  }
0x176: {  	vm2 =	vle.f32 v28, $5.000000000e-01  }
0x177: {  	v28 =	vnsel vm2, $0xFF800000, v54  }
0x178: {  	[tilespmem:s18+$0x3770] =	vst v28  }
0x179: {  	v56 =	vld.idx.msk [tilespmem:v1+s18+$0xFFFFFFD0 ss:$0x1], $0xffff  }
0x17a: {  	v57 =	vld.idx.msk [tilespmem:v2+s18+$0xFFFFFFD0 ss:$0x1], $0xffff  }
0x17b: {  	v58 =	vld.idx.msk [tilespmem:v3+s18+$0xFFFFFFD0 ss:$0x1], $0xffff  }
0x17c: {  	s21 =	sshll.u32 s8, $0x2;
	v59 =	vld.idx.msk [tilespmem:v4+s18+$0xFFFFFFD0 ss:$0x1], $0xffff  }
0x17d: {  	s21 =	sand.u32 $0xFFFFFE00, s21  }
0x17e: {  	s21 =	sadd.s32 s21, s17  }
0x17f: {  	s21 =	sshra.s32 s21, $0x2  }
0x180: {  	v33 =	vld [tilespmem:s21+$0x3A00];
	v29 =	vmax.f32 v14, v56  }
0x181: {  	v30 =	vmax.f32 v15, v57;
	v31 =	vmin.f32 v16, v58;
	v32 =	vmin.f32 v17, v59  }
0x182: {  	v29 =	vsub.f32 v31, v29;
	v30 =	vsub.f32 v32, v30;
	_ =	sdelay $0x1  }
0x183: {  	v29 =	vmax.f32 v29, $0.0e+00;
	v30 =	vmax.f32 v30, $0.0e+00  }
0x184: {  	v60 =	vadd.f32 v33, v18;
	v29 =	vmul.f32 v30, v29;
	_ =	sdelay $0x1  }
0x185: {  	v30 =	vsub.f32 v60, v29;
	_ =	sdelay $0x1  }
0x186: {  	(erf) = vrcp.f32 v30;
	_ =	sdelay $0x7  }
0x187: {  	v61 =	vld [tilespmem:s21+$0x3700]  }
0x188: {  	v62 =	vpop (erf)  }
0x189: {  	v29 =	vmul.f32 v62, v29;
	_ =	sdelay $0x1  }
0x18a: {  	vm2 =	vle.f32 v29, $5.000000000e-01  }
0x18b: {  	v29 =	vnsel vm2, $0xFF800000, v61  }
0x18c: {  	[tilespmem:s21+$0x3700] =	vst v29  }
0x18d: {  	v63 =	vld.idx.msk [tilespmem:v1+s18+$0xFFFFFFE0 ss:$0x1], $0xffff  }
0x18e: {  	v36 =	vld.idx.msk [tilespmem:v2+s18+$0xFFFFFFE0 ss:$0x1], $0xffff  }
0x18f: {  	v37 =	vld.idx.msk [tilespmem:v3+s18+$0xFFFFFFE0 ss:$0x1], $0xffff  }
0x190: {  	v38 =	vld.idx.msk [tilespmem:v4+s18+$0xFFFFFFE0 ss:$0x1], $0xffff;
	_ =	sdelay $0x3  }
0x191: {  	v34 =	vld [tilespmem:s18+$0x3A90];
	v30 =	vmax.f32 v14, v63  }
0x192: {  	v31 =	vmax.f32 v15, v36;
	v32 =	vmin.f32 v16, v37;
	v33 =	vmin.f32 v17, v38  }
0x193: {  	v30 =	vsub.f32 v32, v30;
	v31 =	vsub.f32 v33, v31;
	_ =	sdelay $0x1  }
0x194: {  	v30 =	vmax.f32 v30, $0.0e+00;
	v31 =	vmax.f32 v31, $0.0e+00  }
0x195: {  	v39 =	vadd.f32 v34, v18;
	v30 =	vmul.f32 v31, v30;
	_ =	sdelay $0x1  }
0x196: {  	v31 =	vsub.f32 v39, v30;
	_ =	sdelay $0x1  }
0x197: {  	(erf) = vrcp.f32 v31;
	_ =	sdelay $0x7  }
0x198: {  	v40 =	vld [tilespmem:s18+$0x3790]  }
0x199: {  	v41 =	vpop (erf)  }
0x19a: {  	v30 =	vmul.f32 v41, v30;
	_ =	sdelay $0x1  }
0x19b: {  	vm2 =	vle.f32 v30, $5.000000000e-01  }
0x19c: {  	v30 =	vnsel vm2, $0xFF800000, v40  }
0x19d: {  	[tilespmem:s18+$0x3790] =	vst v30  }
0x19e: {  	v42 =	vld.idx.msk [tilespmem:v1+s18+$0xFFFFFFF0 ss:$0x1], $0xffff  }
0x19f: {  	v43 =	vld.idx.msk [tilespmem:v2+s18+$0xFFFFFFF0 ss:$0x1], $0xffff  }
0x1a0: {  	v44 =	vld.idx.msk [tilespmem:v3+s18+$0xFFFFFFF0 ss:$0x1], $0xffff  }
0x1a1: {  	v45 =	vld.idx.msk [tilespmem:v4+s18+$0xFFFFFFF0 ss:$0x1], $0xffff;
	_ =	sdelay $0x3  }
0x1a2: {  	v35 =	vld [tilespmem:s18+$0x3AA0];
	v31 =	vmax.f32 v14, v42  }
0x1a3: {  	v32 =	vmax.f32 v15, v43;
	v33 =	vmin.f32 v16, v44;
	v34 =	vmin.f32 v17, v45  }
0x1a4: {  	v31 =	vsub.f32 v33, v31;
	v32 =	vsub.f32 v34, v32;
	_ =	sdelay $0x1  }
0x1a5: {  	v31 =	vmax.f32 v31, $0.0e+00;
	v32 =	vmax.f32 v32, $0.0e+00  }
0x1a6: {  	v46 =	vadd.f32 v35, v18;
	v31 =	vmul.f32 v32, v31;
	_ =	sdelay $0x1  }
0x1a7: {  	v32 =	vsub.f32 v46, v31;
	_ =	sdelay $0x1  }
0x1a8: {  	(erf) = vrcp.f32 v32;
	_ =	sdelay $0x7  }
0x1a9: {  	v47 =	vld [tilespmem:s18+$0x37A0]  }
0x1aa: {  	v48 =	vpop (erf)  }
0x1ab: {  	v31 =	vmul.f32 v48, v31;
	_ =	sdelay $0x1  }
0x1ac: {  	vm2 =	vle.f32 v31, $5.000000000e-01  }
0x1ad: {  	v31 =	vnsel vm2, $0xFF800000, v47  }
0x1ae: {  	[tilespmem:s18+$0x37A0] =	vst v31  }
0x1af: {  	v49 =	vld.idx.msk [tilespmem:v1+s18+$0x0 ss:$0x1], $0xffff  }
0x1b0: {  	v50 =	vld.idx.msk [tilespmem:v2+s18+$0x0 ss:$0x1], $0xffff  }
0x1b1: {  	v51 =	vld.idx.msk [tilespmem:v3+s18+$0x0 ss:$0x1], $0xffff  }
0x1b2: {  	v52 =	vld.idx.msk [tilespmem:v4+s18+$0x0 ss:$0x1], $0xffff;
	_ =	sdelay $0x3  }
0x1b3: {  	v36 =	vld [tilespmem:s18+$0x3AB0];
	v32 =	vmax.f32 v14, v49  }
0x1b4: {  	v33 =	vmax.f32 v15, v50;
	v34 =	vmin.f32 v16, v51;
	v35 =	vmin.f32 v17, v52  }
0x1b5: {  	v32 =	vsub.f32 v34, v32;
	v33 =	vsub.f32 v35, v33;
	_ =	sdelay $0x1  }
0x1b6: {  	v32 =	vmax.f32 v32, $0.0e+00;
	v33 =	vmax.f32 v33, $0.0e+00  }
0x1b7: {  	v53 =	vadd.f32 v36, v18;
	v32 =	vmul.f32 v33, v32;
	_ =	sdelay $0x1  }
0x1b8: {  	v33 =	vsub.f32 v53, v32;
	_ =	sdelay $0x1  }
0x1b9: {  	(erf) = vrcp.f32 v33;
	_ =	sdelay $0x7  }
0x1ba: {  	v54 =	vld [tilespmem:s18+$0x37B0]  }
0x1bb: {  	v55 =	vpop (erf)  }
0x1bc: {  	v32 =	vmul.f32 v55, v32;
	_ =	sdelay $0x1  }
0x1bd: {  	vm2 =	vle.f32 v32, $5.000000000e-01  }
0x1be: {  	v32 =	vnsel vm2, $0xFF800000, v54  }
0x1bf: {  	[tilespmem:s18+$0x37B0] =	vst v32  }
0x1c0: {  	v56 =	vld.idx.msk [tilespmem:v1+s18+$0x10 ss:$0x1], $0xffff  }
0x1c1: {  	v57 =	vld.idx.msk [tilespmem:v2+s18+$0x10 ss:$0x1], $0xffff  }
0x1c2: {  	v58 =	vld.idx.msk [tilespmem:v3+s18+$0x10 ss:$0x1], $0xffff  }
0x1c3: {  	v59 =	vld.idx.msk [tilespmem:v4+s18+$0x10 ss:$0x1], $0xffff;
	_ =	sdelay $0x3  }
0x1c4: {  	v37 =	vld [tilespmem:s18+$0x3AC0];
	v33 =	vmax.f32 v14, v56  }
0x1c5: {  	v34 =	vmax.f32 v15, v57;
	v35 =	vmin.f32 v16, v58;
	v36 =	vmin.f32 v17, v59  }
0x1c6: {  	v33 =	vsub.f32 v35, v33;
	v34 =	vsub.f32 v36, v34;
	_ =	sdelay $0x1  }
0x1c7: {  	v33 =	vmax.f32 v33, $0.0e+00;
	v34 =	vmax.f32 v34, $0.0e+00  }
0x1c8: {  	v60 =	vadd.f32 v37, v18;
	v33 =	vmul.f32 v34, v33;
	_ =	sdelay $0x1  }
0x1c9: {  	v34 =	vsub.f32 v60, v33;
	_ =	sdelay $0x1  }
0x1ca: {  	(erf) = vrcp.f32 v34;
	_ =	sdelay $0x7  }
0x1cb: {  	v61 =	vld [tilespmem:s18+$0x37C0]  }
0x1cc: {  	v62 =	vpop (erf)  }
0x1cd: {  	v33 =	vmul.f32 v62, v33;
	_ =	sdelay $0x1  }
0x1ce: {  	vm2 =	vle.f32 v33, $5.000000000e-01  }
0x1cf: {  	v33 =	vnsel vm2, $0xFF800000, v61  }
0x1d0: {  	[tilespmem:s18+$0x37C0] =	vst v33  }
0x1d1: {  	v63 =	vld.idx.msk [tilespmem:v1+s18+$0x20 ss:$0x1], $0xffff  }
0x1d2: {  	v40 =	vld.idx.msk [tilespmem:v2+s18+$0x20 ss:$0x1], $0xffff  }
0x1d3: {  	v41 =	vld.idx.msk [tilespmem:v3+s18+$0x20 ss:$0x1], $0xffff  }
0x1d4: {  	v42 =	vld.idx.msk [tilespmem:v4+s18+$0x20 ss:$0x1], $0xffff;
	_ =	sdelay $0x3  }
0x1d5: {  	v38 =	vld [tilespmem:s18+$0x3AD0];
	v34 =	vmax.f32 v14, v63  }
0x1d6: {  	v35 =	vmax.f32 v15, v40;
	v36 =	vmin.f32 v16, v41;
	v37 =	vmin.f32 v17, v42  }
0x1d7: {  	v34 =	vsub.f32 v36, v34;
	v35 =	vsub.f32 v37, v35;
	_ =	sdelay $0x1  }
0x1d8: {  	v34 =	vmax.f32 v34, $0.0e+00;
	v35 =	vmax.f32 v35, $0.0e+00  }
0x1d9: {  	v43 =	vadd.f32 v38, v18;
	v34 =	vmul.f32 v35, v34;
	_ =	sdelay $0x1  }
0x1da: {  	v35 =	vsub.f32 v43, v34;
	_ =	sdelay $0x1  }
0x1db: {  	(erf) = vrcp.f32 v35;
	_ =	sdelay $0x7  }
0x1dc: {  	v44 =	vld [tilespmem:s18+$0x37D0]  }
0x1dd: {  	v45 =	vpop (erf)  }
0x1de: {  	v34 =	vmul.f32 v45, v34;
	_ =	sdelay $0x1  }
0x1df: {  	vm2 =	vle.f32 v34, $5.000000000e-01  }
0x1e0: {  	v34 =	vnsel vm2, $0xFF800000, v44  }
0x1e1: {  	[tilespmem:s18+$0x37D0] =	vst v34  }
0x1e2: {  	v46 =	vld.idx.msk [tilespmem:v1+s18+$0x30 ss:$0x1], $0xffff  }
0x1e3: {  	v47 =	vld.idx.msk [tilespmem:v2+s18+$0x30 ss:$0x1], $0xffff  }
0x1e4: {  	v48 =	vld.idx.msk [tilespmem:v3+s18+$0x30 ss:$0x1], $0xffff  }
0x1e5: {  	v49 =	vld.idx.msk [tilespmem:v4+s18+$0x30 ss:$0x1], $0xffff;
	_ =	sdelay $0x3  }
0x1e6: {  	v39 =	vld [tilespmem:s18+$0x3AE0];
	v35 =	vmax.f32 v14, v46  }
0x1e7: {  	v36 =	vmax.f32 v15, v47;
	v37 =	vmin.f32 v16, v48;
	v38 =	vmin.f32 v17, v49  }
0x1e8: {  	v35 =	vsub.f32 v37, v35;
	v36 =	vsub.f32 v38, v36;
	_ =	sdelay $0x1  }
0x1e9: {  	v35 =	vmax.f32 v35, $0.0e+00;
	v36 =	vmax.f32 v36, $0.0e+00  }
0x1ea: {  	v50 =	vadd.f32 v39, v18;
	v35 =	vmul.f32 v36, v35;
	_ =	sdelay $0x1  }
0x1eb: {  	v36 =	vsub.f32 v50, v35;
	_ =	sdelay $0x1  }
0x1ec: {  	(erf) = vrcp.f32 v36;
	_ =	sdelay $0x7  }
0x1ed: {  	v51 =	vld [tilespmem:s18+$0x37E0]  }
0x1ee: {  	v52 =	vpop (erf)  }
0x1ef: {  	v35 =	vmul.f32 v52, v35;
	_ =	sdelay $0x1  }
0x1f0: {  	vm2 =	vle.f32 v35, $5.000000000e-01  }
0x1f1: {  	v35 =	vnsel vm2, $0xFF800000, v51  }
0x1f2: {  	[tilespmem:s18+$0x37E0] =	vst v35  }
0x1f3: {  	v53 =	vld.idx.msk [tilespmem:v1+s18+$0x40 ss:$0x1], $0xffff  }
0x1f4: {  	v54 =	vld.idx.msk [tilespmem:v2+s18+$0x40 ss:$0x1], $0xffff  }
0x1f5: {  	v55 =	vld.idx.msk [tilespmem:v3+s18+$0x40 ss:$0x1], $0xffff  }
0x1f6: {  	v56 =	vld.idx.msk [tilespmem:v4+s18+$0x40 ss:$0x1], $0xffff;
	_ =	sdelay $0x3  }
0x1f7: {  	v40 =	vld [tilespmem:s18+$0x3AF0];
	v36 =	vmax.f32 v14, v53  }
0x1f8: {  	v37 =	vmax.f32 v15, v54;
	v38 =	vmin.f32 v16, v55;
	v39 =	vmin.f32 v17, v56  }
0x1f9: {  	v36 =	vsub.f32 v38, v36;
	v37 =	vsub.f32 v39, v37;
	_ =	sdelay $0x1  }
0x1fa: {  	v36 =	vmax.f32 v36, $0.0e+00;
	v37 =	vmax.f32 v37, $0.0e+00  }
0x1fb: {  	v57 =	vadd.f32 v40, v18;
	v36 =	vmul.f32 v37, v36;
	_ =	sdelay $0x1  }
0x1fc: {  	v37 =	vsub.f32 v57, v36;
	_ =	sdelay $0x1  }
0x1fd: {  	(erf) = vrcp.f32 v37;
	_ =	sdelay $0x7  }
0x1fe: {  	v58 =	vld [tilespmem:s18+$0x37F0]  }
0x1ff: {  	v59 =	vpop (erf)  }
0x200: {  	v36 =	vmul.f32 v59, v36;
	_ =	sdelay $0x1  }
0x201: {  	vm2 =	vle.f32 v36, $5.000000000e-01  }
0x202: {  	v36 =	vnsel vm2, $0xFF800000, v58  }
0x203: {  	[tilespmem:s18+$0x37F0] =	vst v36  }
0x204: {  	v60 =	vld.idx.msk [tilespmem:v1+s18+$0x50 ss:$0x1], $0xffff  }
0x205: {  	v61 =	vld.idx.msk [tilespmem:v2+s18+$0x50 ss:$0x1], $0xffff  }
0x206: {  	v62 =	vld.idx.msk [tilespmem:v3+s18+$0x50 ss:$0x1], $0xffff  }
0x207: {  	s19 =	sshll.u32 s9, $0x2;
	v63 =	vld.idx.msk [tilespmem:v4+s18+$0x50 ss:$0x1], $0xffff  }
0x208: {  	s21 =	sand.u32 $0xFFFFFE00, s19  }
0x209: {  	s21 =	sadd.s32 s21, s17  }
0x20a: {  	s21 =	sshra.s32 s21, $0x2  }
0x20b: {  	v41 =	vld [tilespmem:s21+$0x3A00];
	v37 =	vmax.f32 v14, v60  }
0x20c: {  	v38 =	vmax.f32 v15, v61;
	v39 =	vmin.f32 v16, v62;
	v40 =	vmin.f32 v17, v63  }
0x20d: {  	v37 =	vsub.f32 v39, v37;
	v38 =	vsub.f32 v40, v38;
	_ =	sdelay $0x1  }
0x20e: {  	v37 =	vmax.f32 v37, $0.0e+00;
	v38 =	vmax.f32 v38, $0.0e+00  }
0x20f: {  	v43 =	vadd.f32 v41, v18;
	v37 =	vmul.f32 v38, v37;
	_ =	sdelay $0x1  }
0x210: {  	v38 =	vsub.f32 v43, v37;
	_ =	sdelay $0x1  }
0x211: {  	(erf) = vrcp.f32 v38;
	_ =	sdelay $0x7  }
0x212: {  	v44 =	vld [tilespmem:s21+$0x3700]  }
0x213: {  	v45 =	vpop (erf)  }
0x214: {  	v37 =	vmul.f32 v45, v37;
	_ =	sdelay $0x1  }
0x215: {  	vm2 =	vle.f32 v37, $5.000000000e-01  }
0x216: {  	v37 =	vnsel vm2, $0xFF800000, v44  }
0x217: {  	[tilespmem:s21+$0x3700] =	vst v37  }
0x218: {  	v46 =	vld.idx.msk [tilespmem:v1+s18+$0x60 ss:$0x1], $0xffff  }
0x219: {  	v47 =	vld.idx.msk [tilespmem:v2+s18+$0x60 ss:$0x1], $0xffff  }
0x21a: {  	v48 =	vld.idx.msk [tilespmem:v3+s18+$0x60 ss:$0x1], $0xffff  }
0x21b: {  	v49 =	vld.idx.msk [tilespmem:v4+s18+$0x60 ss:$0x1], $0xffff;
	_ =	sdelay $0x3  }
0x21c: {  	v42 =	vld [tilespmem:s18+$0x3B10];
	v38 =	vmax.f32 v14, v46  }
0x21d: {  	v39 =	vmax.f32 v15, v47;
	v40 =	vmin.f32 v16, v48;
	v41 =	vmin.f32 v17, v49  }
0x21e: {  	v38 =	vsub.f32 v40, v38;
	v39 =	vsub.f32 v41, v39;
	_ =	sdelay $0x1  }
0x21f: {  	v38 =	vmax.f32 v38, $0.0e+00;
	v39 =	vmax.f32 v39, $0.0e+00  }
0x220: {  	v50 =	vadd.f32 v42, v18;
	v38 =	vmul.f32 v39, v38;
	_ =	sdelay $0x1  }
0x221: {  	v39 =	vsub.f32 v50, v38;
	_ =	sdelay $0x1  }
0x222: {  	(erf) = vrcp.f32 v39;
	_ =	sdelay $0x7  }
0x223: {  	v51 =	vld [tilespmem:s18+$0x3810]  }
0x224: {  	v52 =	vpop (erf)  }
0x225: {  	v38 =	vmul.f32 v52, v38;
	_ =	sdelay $0x1  }
0x226: {  	vm2 =	vle.f32 v38, $5.000000000e-01  }
0x227: {  	v38 =	vnsel vm2, $0xFF800000, v51  }
0x228: {  	[tilespmem:s18+$0x3810] =	vst v38  }
0x229: {  	v53 =	vld.idx.msk [tilespmem:v1+s18+$0x70 ss:$0x1], $0xffff  }
0x22a: {  	v54 =	vld.idx.msk [tilespmem:v2+s18+$0x70 ss:$0x1], $0xffff  }
0x22b: {  	v55 =	vld.idx.msk [tilespmem:v3+s18+$0x70 ss:$0x1], $0xffff  }
0x22c: {  	v56 =	vld.idx.msk [tilespmem:v4+s18+$0x70 ss:$0x1], $0xffff;
	_ =	sdelay $0x3  }
0x22d: {  	v43 =	vld [tilespmem:s18+$0x3B20];
	v39 =	vmax.f32 v14, v53  }
0x22e: {  	v40 =	vmax.f32 v15, v54;
	v41 =	vmin.f32 v16, v55;
	v42 =	vmin.f32 v17, v56  }
0x22f: {  	v39 =	vsub.f32 v41, v39;
	v40 =	vsub.f32 v42, v40;
	_ =	sdelay $0x1  }
0x230: {  	v39 =	vmax.f32 v39, $0.0e+00;
	v40 =	vmax.f32 v40, $0.0e+00  }
0x231: {  	v57 =	vadd.f32 v43, v18;
	v39 =	vmul.f32 v40, v39;
	_ =	sdelay $0x1  }
0x232: {  	v40 =	vsub.f32 v57, v39;
	_ =	sdelay $0x1  }
0x233: {  	(erf) = vrcp.f32 v40;
	_ =	sdelay $0x7  }
0x234: {  	v58 =	vld [tilespmem:s18+$0x3820]  }
0x235: {  	v59 =	vpop (erf)  }
0x236: {  	v39 =	vmul.f32 v59, v39;
	_ =	sdelay $0x1  }
0x237: {  	vm2 =	vle.f32 v39, $5.000000000e-01  }
0x238: {  	v39 =	vnsel vm2, $0xFF800000, v58  }
0x239: {  	[tilespmem:s18+$0x3820] =	vst v39  }
0x23a: {  	v60 =	vld.idx.msk [tilespmem:v1+s18+$0x80 ss:$0x1], $0xffff  }
0x23b: {  	v61 =	vld.idx.msk [tilespmem:v2+s18+$0x80 ss:$0x1], $0xffff  }
0x23c: {  	v62 =	vld.idx.msk [tilespmem:v3+s18+$0x80 ss:$0x1], $0xffff  }
0x23d: {  	v63 =	vld.idx.msk [tilespmem:v4+s18+$0x80 ss:$0x1], $0xffff;
	_ =	sdelay $0x3  }
0x23e: {  	v44 =	vld [tilespmem:s18+$0x3B30];
	v40 =	vmax.f32 v14, v60  }
0x23f: {  	v41 =	vmax.f32 v15, v61;
	v42 =	vmin.f32 v16, v62;
	v43 =	vmin.f32 v17, v63  }
0x240: {  	v40 =	vsub.f32 v42, v40;
	v41 =	vsub.f32 v43, v41;
	_ =	sdelay $0x1  }
0x241: {  	v40 =	vmax.f32 v40, $0.0e+00;
	v41 =	vmax.f32 v41, $0.0e+00  }
0x242: {  	v47 =	vadd.f32 v44, v18;
	v40 =	vmul.f32 v41, v40;
	_ =	sdelay $0x1  }
0x243: {  	v41 =	vsub.f32 v47, v40;
	_ =	sdelay $0x1  }
0x244: {  	(erf) = vrcp.f32 v41;
	_ =	sdelay $0x7  }
0x245: {  	v48 =	vld [tilespmem:s18+$0x3830]  }
0x246: {  	v49 =	vpop (erf)  }
0x247: {  	v40 =	vmul.f32 v49, v40;
	_ =	sdelay $0x1  }
0x248: {  	vm2 =	vle.f32 v40, $5.000000000e-01  }
0x249: {  	v40 =	vnsel vm2, $0xFF800000, v48  }
0x24a: {  	[tilespmem:s18+$0x3830] =	vst v40  }
0x24b: {  	v50 =	vld.idx.msk [tilespmem:v1+s18+$0x90 ss:$0x1], $0xffff  }
0x24c: {  	v51 =	vld.idx.msk [tilespmem:v2+s18+$0x90 ss:$0x1], $0xffff  }
0x24d: {  	v52 =	vld.idx.msk [tilespmem:v3+s18+$0x90 ss:$0x1], $0xffff  }
0x24e: {  	v53 =	vld.idx.msk [tilespmem:v4+s18+$0x90 ss:$0x1], $0xffff;
	_ =	sdelay $0x3  }
0x24f: {  	v45 =	vld [tilespmem:s18+$0x3B40];
	v41 =	vmax.f32 v14, v50  }
0x250: {  	v42 =	vmax.f32 v15, v51;
	v43 =	vmin.f32 v16, v52;
	v44 =	vmin.f32 v17, v53  }
0x251: {  	v41 =	vsub.f32 v43, v41;
	v42 =	vsub.f32 v44, v42;
	_ =	sdelay $0x1  }
0x252: {  	v41 =	vmax.f32 v41, $0.0e+00;
	v42 =	vmax.f32 v42, $0.0e+00  }
0x253: {  	v54 =	vadd.f32 v45, v18;
	v41 =	vmul.f32 v42, v41;
	_ =	sdelay $0x1  }
0x254: {  	v42 =	vsub.f32 v54, v41;
	_ =	sdelay $0x1  }
0x255: {  	(erf) = vrcp.f32 v42;
	_ =	sdelay $0x5  }
0x256: {  	vm4 =	vgt.f32 v21, v20  }
0x257: {  	v20 =	vsel vm4, v21, v20  }
0x258: {  	vm5 =	vgt.f32 v22, v20;
	v21 =	vld [tilespmem:s18+$0x3840]  }
0x259: {  	v20 =	vsel vm5, v22, v20;
	v22 =	vpop (erf)  }
0x25a: {  	vm6 =	vgt.f32 v23, v20;
	v22 =	vmul.f32 v22, v41  }
0x25b: {  	v20 =	vsel vm6, v23, v20  }
0x25c: {  	vm7 =	vgt.f32 v24, v20;
	vm2 =	vle.f32 v22, $5.000000000e-01  }
0x25d: {  	v20 =	vsel vm7, v24, v20;
	v21 =	vnsel vm2, $0xFF800000, v21  }
0x25e: {  	vm8 =	vgt.f32 v25, v20;
	s21 =	sadd.s32 s5, s2;
	[tilespmem:s18+$0x3840] =	vst v21  }
0x25f: {  	v20 =	vsel vm8, v25, v20;
	v23 =	vor.u32 s21, v6;
	s19 =	sadd.s32 $0x10, s21;
	v22 =	vld.idx.msk [tilespmem:v1+s18+$0xA0 ss:$0x1], $0xffff  }
0x260: {  	vm3 =	vgt.f32 v26, v20;
	v19 =	vsel vm4, v23, v19;
	v23 =	vor.u32 s19, v6;
	s19 =	sadd.s32 $0x20, s21;
	v56 =	vld.idx.msk [tilespmem:v3+s18+$0xA0 ss:$0x1], $0xffff  }
0x261: {  	v20 =	vsel vm3, v26, v20;
	v19 =	vsel vm5, v23, v19;
	v23 =	vor.u32 s19, v6;
	s19 =	sadd.s32 $0x30, s21;
	v55 =	vld.idx.msk [tilespmem:v2+s18+$0xA0 ss:$0x1], $0xffff  }
0x262: {  	v19 =	vsel vm6, v23, v19;
	v23 =	vor.u32 s19, v6;
	s19 =	sadd.s32 $0x40, s21;
	vm2 =	vgt.f32 v27, v20;
	v57 =	vld.idx.msk [tilespmem:v4+s18+$0xA0 ss:$0x1], $0xffff  }
0x263: {  	v19 =	vsel vm7, v23, v19;
	v23 =	vor.u32 s19, v6;
	v20 =	vsel vm2, v27, v20  }
0x264: {  	v19 =	vsel vm8, v23, v19;
	vm9 =	vgt.f32 v28, v20  }
0x265: {  	s19 =	sadd.s32 $0x50, s21;
	v20 =	vsel vm9, v28, v20;
	v22 =	vmax.f32 v14, v22;
	v23 =	vmin.f32 v16, v56  }
0x266: {  	v59 =	vor.u32 s19, v6;
	vm10 =	vgt.f32 v29, v20;
	v22 =	vsub.f32 v23, v22;
	v23 =	vld [tilespmem:s18+$0x3B50]  }
0x267: {  	s19 =	sadd.s32 $0x60, s21;
	v20 =	vsel vm10, v29, v20;
	v24 =	vmax.f32 v15, v55;
	v58 =	vmin.f32 v17, v57  }
0x268: {  	v60 =	vor.u32 s19, v6;
	s19 =	sadd.s32 $0x70, s21;
	vm11 =	vgt.f32 v30, v20;
	v24 =	vsub.f32 v58, v24  }
0x269: {  	v19 =	vsel vm3, v59, v19;
	v61 =	vor.u32 s19, v6;
	v20 =	vsel vm11, v30, v20  }
0x26a: {  	vm12 =	vgt.f32 v31, v20;
	v22 =	vmax.f32 v22, $0.0e+00;
	v24 =	vmax.f32 v24, $0.0e+00  }
0x26b: {  	s19 =	sadd.s32 $0x80, s21;
	v20 =	vsel vm12, v31, v20;
	v22 =	vmul.f32 v24, v22;
	v23 =	vadd.f32 v23, v18  }
0x26c: {  	v62 =	vor.u32 s19, v6;
	v19 =	vsel vm2, v60, v19;
	vm3 =	vgt.f32 v32, v20  }
0x26d: {  	v19 =	vsel vm9, v61, v19;
	v20 =	vsel vm3, v32, v20;
	v23 =	vsub.f32 v23, v22  }
0x26e: {  	s19 =	sadd.s32 $0x90, s21;
	v19 =	vsel vm10, v62, v19;
	vm2 =	vgt.f32 v33, v20  }
0x26f: {  	v20 =	vsel vm2, v33, v20;
	(erf) = vrcp.f32 v23;
	v23 =	vor.u32 s19, v6;
	s19 =	sadd.s32 $0xA0, s21  }
0x270: {  	vm13 =	vgt.f32 v34, v20;
	v19 =	vsel vm11, v23, v19;
	v23 =	vor.u32 s19, v6;
	s19 =	sadd.s32 $0xB0, s21  }
0x271: {  	v20 =	vsel vm13, v34, v20;
	v19 =	vsel vm12, v23, v19;
	v23 =	vor.u32 s19, v6;
	s19 =	sadd.s32 $0xC0, s21  }
0x272: {  	vm14 =	vgt.f32 v35, v20;
	v19 =	vsel vm3, v23, v19;
	v23 =	vor.u32 s19, v6;
	s19 =	sadd.s32 $0xD0, s21  }
0x273: {  	v20 =	vsel vm14, v35, v20;
	v19 =	vsel vm2, v23, v19;
	v23 =	vor.u32 s19, v6;
	s19 =	sadd.s32 $0xE0, s21  }
0x274: {  	vm15 =	vgt.f32 v36, v20;
	v19 =	vsel vm13, v23, v19;
	v23 =	vor.u32 s19, v6;
	s19 =	sadd.s32 $0xF0, s21  }
0x275: {  	v20 =	vsel vm15, v36, v20;
	v19 =	vsel vm14, v23, v19;
	v23 =	vor.u32 s19, v6;
	s19 =	sadd.s32 $0x100, s21  }
0x276: {  	vm2 =	vgt.f32 v37, v20;
	v19 =	vsel vm15, v23, v19;
	v23 =	vor.u32 s19, v6;
	s19 =	sadd.s32 $0x110, s21  }
0x277: {  	v20 =	vsel vm2, v37, v20;
	v19 =	vsel vm2, v23, v19;
	v23 =	vor.u32 s19, v6  }
0x278: {  	vm3 =	vgt.f32 v38, v20  }
0x279: {  	v20 =	vsel vm3, v38, v20  }
0x27a: {  	vm2 =	vgt.f32 v39, v20;
	s19 =	sadd.s32 $0x120, s21;
	v19 =	vsel vm3, v23, v19;
	v23 =	vpop (erf)  }
0x27b: {  	v20 =	vsel vm2, v39, v20;
	v22 =	vmul.f32 v23, v22;
	v23 =	vor.u32 s19, v6;
	s19 =	sadd.s32 $0x130, s21  }
0x27c: {  	v63 =	vld [tilespmem:s18+$0x3850];
	vm3 =	vgt.f32 v40, v20;
	v19 =	vsel vm2, v23, v19;
	v23 =	vor.u32 s19, v6;
	s19 =	sadd.s32 $0x140, s21  }
0x27d: {  	v19 =	vsel vm3, v23, v19;
	v23 =	vor.u32 s19, v6;
	s19 =	sadd.s32 $0x150, s21;
	s21 =	sadd.s32 $0x16, s4  }
0x27e: {  	p1 =	slt.u32 s21, s4  }
.Ltmp6:
0x27f: {  	v20 =	vsel vm3, v40, v20;
	(pc) =	sbr.rel @p1 .LBB2_7-.Ltmp6, $4  }
0x280: {  	vm2 =	vgt.f32 v21, v20;
	vm3 =	vle.f32 v22, $5.000000000e-01  }
0x281: {  	v20 =	vsel vm2, v21, v20;
	v22 =	vnsel vm3, $0xFF800000, v63  }
0x282: {  	s8 =	sadd.s32 $0x160, s8;
	s9 =	sadd.s32 $0x160, s9;
	s10 =	sadd.s32 $0x580, s10;
	v19 =	vsel vm2, v23, v19;
	v21 =	vor.u32 s19, v6;
	vm2 =	vgt.f32 v22, v20  }
0x283: {  	s17 =	sadd.s32 $0x180, s17;
	s5 =	sadd.s32 $0x160, s5;
	s4 =	smov.u32 s21;
	[tilespmem:s18+$0x3850] =	vst v22;
	v20 =	vsel vm2, v22, v20;
	v19 =	vsel vm2, v21, v19  }
.Ltmp7:
0x284: {  	(pc) =	sbr.rel @!p0 .LBB2_9-.Ltmp7, $1  }
0x285: {  	_ =	sdelay $0x3  }
0x286: {  	s7 =	sadd.s32 $0x1, s7  }
0x287: {  	p1 =	seq.s32 s7, $0xC8  }
.Ltmp8:
0x288: {  	_ = 	snop;
	(pc) =	sbr.rel @!p1 .LBB2_6-.Ltmp8, $4  }
.Ltmp9:
0x289: {  	_ = 	snop;
	(pc) =	sbr.rel @p1 .LBB2_11-.Ltmp9, $4  }
0x28a: {  	_ = 	snop  }
0x28b: {  	_ = 	snop  }
0x28c: {  	_ = 	snop  }
0x28d: {  	_ = 	snop  }
.LBB2_12:
0x28e: {  	_ =	sfence.sel $0x180000  }
0x28f: {  	[bflag:$0x0] =	sbarrier.arrive $0xFFFF  }
0x290: {  	_ =	strace $0x90000047  }
0x291: {  	s0 =	stileid.u32;
	[bflag:$0x2] =	sbarrier.arrive $0xFFFF  }
0x292: {  	p0 =	sne.s32 s0, $0x0;
	s0 =	rddreg [dreg:$0x5]  }
0x293: {  	s0 =	sadd.s32 @!p0 $0x100000, s0  }
0x294: {  	[sflag:s0] =	ssyncadd.tile.s32 @!p0 $0x1;
	_ =	shalt  }
.Lfunc_end2:
_tile_overlayer_lowered:
.L_overlay_start_2:
0x295: {  	(tag) =	ssettag $0x2  }
0x296: {  	s0 =	rddreg [dreg:$0x0];
	s2 =	stileid.u32  }
0x297: {  	s1 =	rddreg [dreg:$0x1];
	p0 =	sne.s32 s2, $0x0  }
0x298: {  	s3 =	rddreg [dreg:$0x2];
	[bflag:$0x3] =	sbarrier.arrive $0xFFFF;
	s2 =	simm.s32 @!p0 $0x1C01  }
0x299: {  	[timem:s3], [sflag:s2] =	dma.local @!p0 [hbm:s0], s1  }
0x29a: {  	s0 =	simm.s32 @!p0 $0x1  }
0x29b: {  	_ =	swait.ge @!p0 [sflag:s0], s1  }
0x29c: {  	s1 =	ssub.s32 @!p0 $0x0, s1;
	[sflag:s0] =	ssyncset.done @!p0 $0x0  }
0x29d: {  	[sflag:s0] =	ssyncadd.s32 @!p0 s1  }
0x29e: {  	[bflag:$0x3] =	sbarrier.arrive $0xFFFF  }
0x29f: {  	_ =	shalt  }

</sc_bundles>
